<compile_context>
chip_gen: v7x
topology: tpu7x:2x2x1
jax: 0.10.2.dev20260603
libtpu: 0.0.44.dev20260713+nightly
codegen_flags: <defaults>
</compile_context>

<pallas_src>
import jax
import jax.numpy as jnp
from jax import lax
from jax.experimental import pallas as pl
from jax.experimental.pallas import tpu as pltpu
from jax.experimental.pallas import tpu_sc as plsc

MAXLEN = 8192
D = 1024
BLANK0, BLANK1, BLANK2 = 50257, 50258, 50259

NC, NS = 2, 16
NW = NC * NS
TPW = 1024
WPR = MAXLEN // TPW
NCH = TPW // 16
G = 16
NBUF = 7


def _is_blank_i32(v):
    d0 = jnp.abs(v - BLANK0)
    d1 = jnp.abs(v - BLANK1)
    d2 = jnp.abs(v - BLANK2)
    return 1 - jnp.minimum(jnp.minimum(jnp.minimum(d0, d1), d2), 1)


def _vgather(s, idx):
    return lax.gather(
        s, idx[:, None],
        lax.GatherDimensionNumbers(
            offset_dims=(), collapsed_slice_dims=(0,), start_index_map=(0,)),
        (1,), mode=lax.GatherScatterMode.PROMISE_IN_BOUNDS)


def _body(x_hbm, w_hbm, out_hbm, x_v, idx_v, bufs, *sems):
    gsems = sems[:NBUF]
    osems = sems[NBUF:]
    cid = lax.axis_index("c")
    sid = lax.axis_index("s")
    wid = sid * NC + cid
    b = wid // WPR
    base_t = (wid % WPR) * TPW

    iot = lax.iota(jnp.int32, 16)

    def _cumsum16(s):
        for k in (1, 2, 4, 8):
            sh = _vgather(s, jnp.maximum(iot - k, 0))
            msk = jnp.minimum(jnp.maximum(iot - (k - 1), 0), 1)
            s = s + sh * msk
        return s

    def _bcast_last(s):
        return _vgather(s, jnp.full((16,), 15, jnp.int32))

    pltpu.sync_copy(x_hbm.at[b], x_v)

    def pc_body(c, a):
        for u in range(4):
            a = a + _is_blank_i32(x_v[pl.ds((c * 4 + u) * 16, 16)])
        return a

    acc = lax.fori_loop(0, base_t // 64, pc_body,
                        jnp.zeros((16,), jnp.int32))
    prefix_vec = _bcast_last(_cumsum16(acc))

    def ix_body(c, carry):
        blk = _is_blank_i32(x_v[pl.ds(base_t + c * 16, 16)])
        cs = _cumsum16(blk)
        pos = base_t + c * 16 + iot - carry - cs
        idx_v[c, :] = jnp.clip(pos, 0, MAXLEN - 1)
        return carry + _bcast_last(cs)

    out_row0 = wid * TPW

    def _start_gather(c, s):
        pltpu.async_copy(w_hbm.at[idx_v.at[c]], bufs.at[s], gsems[s])

    def _wait_gather(s):
        pltpu.make_async_copy(w_hbm.at[pl.ds(0, G)], bufs.at[s],
                              gsems[s]).wait()

    def _start_out(c, s):
        pltpu.async_copy(bufs.at[s],
                         out_hbm.at[pl.ds(out_row0 + c * G, G)], osems[s])

    def _wait_out(s):
        pltpu.make_async_copy(bufs.at[s], out_hbm.at[pl.ds(out_row0, G)],
                              osems[s]).wait()

    carry = prefix_vec
    for s in range(NBUF):
        carry = ix_body(s, carry)
        _start_gather(s, s)

    lax.fori_loop(NBUF, NCH, ix_body, carry)

    def ring_round(r, _):
        c0 = r * NBUF
        for s in range(NBUF):
            @pl.when(c0 + s < NCH)
            def _():
                _wait_gather(s)
                _start_out(c0 + s, s)
        for s in range(NBUF):
            @pl.when(c0 + s + NBUF < NCH)
            def _():
                _wait_out(s)
                _start_gather(c0 + s + NBUF, s)
        return 0

    lax.fori_loop(0, (NCH + NBUF - 1) // NBUF, ring_round, 0)

    for s in range(min(NBUF, NCH)):
        _wait_out(s)


@jax.jit
def kernel(x, weight):
    bsz, seqlen = x.shape
    mesh = plsc.VectorSubcoreMesh(core_axis_name="c", subcore_axis_name="s")
    f = pl.kernel(
        _body,
        out_type=jax.ShapeDtypeStruct((bsz * seqlen, D), jnp.float32),
        mesh=mesh,
        scratch_types=[
            pltpu.VMEM((MAXLEN,), jnp.int32),
            pltpu.VMEM((NCH, 16), jnp.int32),
            pltpu.VMEM((NBUF, G, D), jnp.float32),
        ] + [pltpu.SemaphoreType.DMA] * (2 * NBUF),
    )
    out = f(x, weight)
    return out.reshape(bsz, seqlen, D)

# --- scband reference (transcript-rebuilt; emitter-appended) ---
"""Pipeline reference for scband-blank-positional-embedding-27341761806385 (READ-ONLY COPY).

The authoritative reference and input builder live on the scoring server;
editing this copy changes nothing except your own understanding.
"""

import jax, jax.numpy as jnp
import numpy as np

MAX_LENGTH = 8192
EMBEDDING_DIM = 1024
INIT_SCALE = 1.0
N_BLANKS = 8
BLANK_TOKENS_IDS = jnp.array([50257, 50258, 50259], dtype=jnp.int32)


def make_blanks_fixed_positions(x, blank_tokens_ids, n_blanks_block):
    # is_blank[b, t] = x[b, t] in blank_tokens_ids
    is_blank = (x[..., None] == blank_tokens_ids[None, None, :].astype(x.dtype)).any(axis=-1)
    positions = jnp.arange(x.shape[1], dtype=jnp.int32)[None, :]
    positions = jnp.broadcast_to(positions, x.shape).astype(jnp.int32)
    # blank tokens do not advance the position counter (blank blocks share
    # the position of the preceding real token)
    positions = positions - jnp.cumsum(is_blank.astype(jnp.int32), axis=1)
    positions = jnp.clip(positions, 0, MAX_LENGTH - 1)
    return positions


def setup_inputs(seed: int = 0) -> dict:
    key = jax.random.key(seed)
    k1, k2 = jax.random.split(key)
    x = jax.random.randint(k1, (4, 8192), 0, 50304, dtype=jnp.int32)
    # truncated_normal init with fan_in=1 -> std = init_scale
    weight = jax.random.truncated_normal(k2, -2.0, 2.0, (MAX_LENGTH, EMBEDDING_DIM), dtype=jnp.float32) * INIT_SCALE
    return {"x": x, "weight": weight}


def reference(x, weight):
    positions = make_blanks_fixed_positions(x, BLANK_TOKENS_IDS, N_BLANKS)
    embeddings = jnp.take(weight, positions, axis=0)
    return embeddings

if __name__ == "__main__":
    import jax
    _d = setup_inputs()
    print(jax.jit(kernel)(*tuple(_d.values())))

</pallas_src>

<mosaic_0001>
#map = affine_map<(d0, d1) -> (0, 0)>
module attributes {stable_mosaic.version = 14 : i64} {
  func.func @_body(%arg0: i32, %arg1: i32, %arg2: memref<4x8192xi32, #tpu.memory_space<hbm>>, %arg3: memref<8192x1024xf32, #tpu.memory_space<hbm>>, %arg4: memref<32768x1024xf32, #tpu.memory_space<hbm>>, %arg5: memref<8192xi32, #tpu.memory_space<vmem>>, %arg6: memref<64x16xi32, #tpu.memory_space<vmem>>, %arg7: memref<7x16x1024xf32, #tpu.memory_space<vmem>>, %arg8: memref<!tpu.dma_semaphore, #tpu.memory_space<semaphore_mem>>, %arg9: memref<!tpu.dma_semaphore, #tpu.memory_space<semaphore_mem>>, %arg10: memref<!tpu.dma_semaphore, #tpu.memory_space<semaphore_mem>>, %arg11: memref<!tpu.dma_semaphore, #tpu.memory_space<semaphore_mem>>, %arg12: memref<!tpu.dma_semaphore, #tpu.memory_space<semaphore_mem>>, %arg13: memref<!tpu.dma_semaphore, #tpu.memory_space<semaphore_mem>>, %arg14: memref<!tpu.dma_semaphore, #tpu.memory_space<semaphore_mem>>, %arg15: memref<!tpu.dma_semaphore, #tpu.memory_space<semaphore_mem>>, %arg16: memref<!tpu.dma_semaphore, #tpu.memory_space<semaphore_mem>>, %arg17: memref<!tpu.dma_semaphore, #tpu.memory_space<semaphore_mem>>, %arg18: memref<!tpu.dma_semaphore, #tpu.memory_space<semaphore_mem>>, %arg19: memref<!tpu.dma_semaphore, #tpu.memory_space<semaphore_mem>>, %arg20: memref<!tpu.dma_semaphore, #tpu.memory_space<semaphore_mem>>, %arg21: memref<!tpu.dma_semaphore, #tpu.memory_space<semaphore_mem>>) attributes {dimension_semantics = [#tpu.dimension_semantics<core_parallel>, #tpu.dimension_semantics<subcore_parallel>], iteration_bounds = array<i64: 2, 16>, scalar_prefetch = 0 : i64, scratch_operands = 17 : i64, tpu.core_type = #tpu.core_type<sc_vector_subcore>, window_params = [{transform_indices = #map}, {transform_indices = #map}, {transform_indices = #map}]} {
    %mul3A = arith.constant 2 : i32
    %mul3A_0 = arith.muli %arg1, %mul3A : i32
    %add3A = arith.addi %mul3A_0, %arg0 : i32
    %jit3A = arith.constant 8 : i32
    %div3A = arith.divsi %add3A, %jit3A : i32
    %sign3A = arith.constant 0 : i32
    %sign3A_1 = arith.cmpi sgt, %add3A, %sign3A : i32
    %sign3A_2 = arith.extui %sign3A_1 : i1 to i32
    %sign3A_3 = arith.constant 0 : i32
    %sign3A_4 = arith.cmpi slt, %add3A, %sign3A_3 : i32
    %sign3A_5 = arith.extui %sign3A_4 : i1 to i32
    %sign3A_6 = arith.subi %sign3A_2, %sign3A_5 : i32
    %sign3A_7 = arith.constant 0 : i32
    %sign3A_8 = arith.cmpi sgt, %jit3A, %sign3A_7 : i32
    %sign3A_9 = arith.extui %sign3A_8 : i1 to i32
    %sign3A_10 = arith.constant 0 : i32
    %sign3A_11 = arith.cmpi slt, %jit3A, %sign3A_10 : i32
    %sign3A_12 = arith.extui %sign3A_11 : i1 to i32
    %sign3A_13 = arith.subi %sign3A_9, %sign3A_12 : i32
    %ne3A = arith.cmpi ne, %sign3A_6, %sign3A_13 : i32
    %rem3A = arith.remsi %add3A, %jit3A : i32
    %ne3A_14 = arith.constant 0 : i32
    %ne3A_15 = arith.cmpi ne, %rem3A, %ne3A_14 : i32
    %and3A = arith.andi %ne3A, %ne3A_15 : i1
    %sub3A = arith.constant 1 : i32
    %sub3A_16 = arith.subi %div3A, %sub3A : i32
    %select_n3A = arith.select %and3A, %sub3A_16, %div3A : i32
    %jit3A_17 = arith.constant 8 : i32
    %eq3A = arith.constant 0 : i32
    %eq3A_18 = arith.cmpi eq, %jit3A_17, %eq3A : i32
    %jit3A_19 = arith.constant 1 : i32
    %select_n3A_20 = arith.select %eq3A_18, %jit3A_19, %jit3A_17 : i32
    %rem3A_21 = arith.remsi %add3A, %select_n3A_20 : i32
    %ne3A_22 = arith.constant 0 : i32
    %ne3A_23 = arith.cmpi ne, %rem3A_21, %ne3A_22 : i32
    %lt3A = arith.constant 0 : i32
    %lt3A_24 = arith.cmpi slt, %rem3A_21, %lt3A : i32
    %lt3A_25 = arith.constant 0 : i32
    %lt3A_26 = arith.cmpi slt, %select_n3A_20, %lt3A_25 : i32
    %ne3A_27 = arith.xori %lt3A_24, %lt3A_26 : i1
    %and3A_28 = arith.andi %ne3A_27, %ne3A_23 : i1
    %add3A_29 = arith.addi %rem3A_21, %select_n3A_20 : i32
    %select_n3A_30 = arith.select %and3A_28, %add3A_29, %rem3A_21 : i32
    %mul3A_31 = arith.constant 1024 : i32
    %mul3A_32 = arith.muli %select_n3A_30, %mul3A_31 : i32
    %iota3A = tpu.iota {dimensions = array<i32: 0>} : vector<16xi32>
    "tpu.region"() ({
      %run_scoped3A = tpu.sem_alloc : memref<!tpu.dma_semaphore, #tpu.memory_space<semaphore_mem>>
      %dma_start3A_1237 = arith.constant 0 : i32
      %dma_start3A_1238 = tpu.memref_slice %arg2[%select_n3A, %dma_start3A_1237] : memref<4x8192xi32, #tpu.memory_space<hbm>> -> memref<1x8192xi32, #tpu.memory_space<hbm>>
      %dma_start3A_1239 = tpu.memref_squeeze %dma_start3A_1238 : memref<1x8192xi32, #tpu.memory_space<hbm>> -> memref<8192xi32, #tpu.memory_space<hbm>>
      %dma_start3A_1240 = arith.constant 0 : i32
      %dma_start3A_1241 = tpu.memref_slice %arg2[%select_n3A, %dma_start3A_1240] : memref<4x8192xi32, #tpu.memory_space<hbm>> -> memref<1x8192xi32, #tpu.memory_space<hbm>>
      %dma_start3A_1242 = tpu.memref_squeeze %dma_start3A_1241 : memref<1x8192xi32, #tpu.memory_space<hbm>> -> memref<8192xi32, #tpu.memory_space<hbm>>
      tpu.enqueue_dma source(%dma_start3A_1242 : memref<8192xi32, #tpu.memory_space<hbm>>) target(%arg5 : memref<8192xi32, #tpu.memory_space<vmem>>) target_semaphore(%run_scoped3A : memref<!tpu.dma_semaphore, #tpu.memory_space<semaphore_mem>>)
      %dma_wait3A_1243 = arith.constant 0 : i32
      %dma_wait3A_1244 = tpu.memref_slice %arg2[%select_n3A, %dma_wait3A_1243] : memref<4x8192xi32, #tpu.memory_space<hbm>> -> memref<1x8192xi32, #tpu.memory_space<hbm>>
      %dma_wait3A_1245 = tpu.memref_squeeze %dma_wait3A_1244 : memref<1x8192xi32, #tpu.memory_space<hbm>> -> memref<8192xi32, #tpu.memory_space<hbm>>
      %dma_wait3A_1246 = arith.constant 0 : i32
      %dma_wait3A_1247 = tpu.memref_slice %arg2[%select_n3A, %dma_wait3A_1246] : memref<4x8192xi32, #tpu.memory_space<hbm>> -> memref<1x8192xi32, #tpu.memory_space<hbm>>
      %dma_wait3A_1248 = tpu.memref_squeeze %dma_wait3A_1247 : memref<1x8192xi32, #tpu.memory_space<hbm>> -> memref<8192xi32, #tpu.memory_space<hbm>>
      tpu.wait_dma2 semaphore(%run_scoped3A : memref<!tpu.dma_semaphore, #tpu.memory_space<semaphore_mem>>) src(%dma_wait3A_1248 : memref<8192xi32, #tpu.memory_space<hbm>>) dst(%arg5 : memref<8192xi32, #tpu.memory_space<vmem>>)
      tpu.yield
    }) : () -> ()
    %jit3A_33 = arith.constant 64 : i32
    %div3A_34 = arith.divsi %mul3A_32, %jit3A_33 : i32
    %sign3A_35 = arith.constant 0 : i32
    %sign3A_36 = arith.cmpi sgt, %mul3A_32, %sign3A_35 : i32
    %sign3A_37 = arith.extui %sign3A_36 : i1 to i32
    %sign3A_38 = arith.constant 0 : i32
    %sign3A_39 = arith.cmpi slt, %mul3A_32, %sign3A_38 : i32
    %sign3A_40 = arith.extui %sign3A_39 : i1 to i32
    %sign3A_41 = arith.subi %sign3A_37, %sign3A_40 : i32
    %sign3A_42 = arith.constant 0 : i32
    %sign3A_43 = arith.cmpi sgt, %jit3A_33, %sign3A_42 : i32
    %sign3A_44 = arith.extui %sign3A_43 : i1 to i32
    %sign3A_45 = arith.constant 0 : i32
    %sign3A_46 = arith.cmpi slt, %jit3A_33, %sign3A_45 : i32
    %sign3A_47 = arith.extui %sign3A_46 : i1 to i32
    %sign3A_48 = arith.subi %sign3A_44, %sign3A_47 : i32
    %ne3A_49 = arith.cmpi ne, %sign3A_41, %sign3A_48 : i32
    %rem3A_50 = arith.remsi %mul3A_32, %jit3A_33 : i32
    %ne3A_51 = arith.constant 0 : i32
    %ne3A_52 = arith.cmpi ne, %rem3A_50, %ne3A_51 : i32
    %and3A_53 = arith.andi %ne3A_49, %ne3A_52 : i1
    %sub3A_54 = arith.constant 1 : i32
    %sub3A_55 = arith.subi %div3A_34, %sub3A_54 : i32
    %select_n3A_56 = arith.select %and3A_53, %sub3A_55, %div3A_34 : i32
    %broadcast_in_dim3A = arith.constant 0 : i32
    %broadcast_in_dim3A_57 = vector.broadcast %broadcast_in_dim3A : i32 to vector<16xi32>
    %while3A = arith.constant 0 : i32
    %while3A_58 = arith.subi %select_n3A_56, %while3A : i32
    %while3A_59 = arith.addi %while3A, %while3A_58 : i32
    %while3A_60 = arith.constant 1 : i32
    %while3A_61 = arith.divsi %while3A_58, %while3A_60 : i32
    %while3A_62 = arith.muli %while3A_61, %while3A_60 : i32
    %while3A_63 = arith.addi %while3A, %while3A_62 : i32
    %while3A_64 = arith.constant 1 : i32
    %while3A_65 = scf.for %while3A_1237 = %while3A to %while3A_63 step %while3A_64 iter_args(%while3A_1238 = %broadcast_in_dim3A_57) -> (vector<16xi32>)  : i32 {
      %mul3A_1239 = arith.constant 4 : i32
      %mul3A_1240 = arith.muli %while3A_1237, %mul3A_1239 : i32
      %add3A_1241 = arith.constant 0 : i32
      %add3A_1242 = arith.addi %mul3A_1240, %add3A_1241 : i32
      %mul3A_1243 = arith.constant 16 : i32
      %mul3A_1244 = arith.muli %add3A_1242, %mul3A_1243 : i32
      %get3A_1245 = arith.index_cast %mul3A_1244 : i32 to index
      %get3A_1246 = tpu.vector_load %arg5[%get3A_1245] {strides = array<i32>} : memref<8192xi32, #tpu.memory_space<vmem>>, vector<16xi32>,
      %get3A_1247 = vector.shape_cast %get3A_1246 : vector<16xi32> to vector<16xi32>
      %sub3A_1248 = arith.constant 50257 : i32
      %sub3A_1249 = vector.broadcast %sub3A_1248 : i32 to vector<16xi32>
      %sub3A_1250 = arith.subi %get3A_1247, %sub3A_1249 : vector<16xi32>
      %abs3A_1251 = math.absi %sub3A_1250 : vector<16xi32>
      %sub3A_1252 = arith.constant 50258 : i32
      %sub3A_1253 = vector.broadcast %sub3A_1252 : i32 to vector<16xi32>
      %sub3A_1254 = arith.subi %get3A_1247, %sub3A_1253 : vector<16xi32>
      %abs3A_1255 = math.absi %sub3A_1254 : vector<16xi32>
      %sub3A_1256 = arith.constant 50259 : i32
      %sub3A_1257 = vector.broadcast %sub3A_1256 : i32 to vector<16xi32>
      %sub3A_1258 = arith.subi %get3A_1247, %sub3A_1257 : vector<16xi32>
      %abs3A_1259 = math.absi %sub3A_1258 : vector<16xi32>
      %min3A_1260 = arith.minsi %abs3A_1251, %abs3A_1255 : vector<16xi32>
      %min3A_1261 = arith.minsi %min3A_1260, %abs3A_1259 : vector<16xi32>
      %min3A_1262 = arith.constant 1 : i32
      %min3A_1263 = vector.broadcast %min3A_1262 : i32 to vector<16xi32>
      %min3A_1264 = arith.minsi %min3A_1261, %min3A_1263 : vector<16xi32>
      %sub3A_1265 = arith.constant 1 : i32
      %sub3A_1266 = vector.broadcast %sub3A_1265 : i32 to vector<16xi32>
      %sub3A_1267 = arith.subi %sub3A_1266, %min3A_1264 : vector<16xi32>
      %add3A_1268 = arith.addi %while3A_1238, %sub3A_1267 : vector<16xi32>
      %mul3A_1269 = arith.constant 4 : i32
      %mul3A_1270 = arith.muli %while3A_1237, %mul3A_1269 : i32
      %add3A_1271 = arith.constant 1 : i32
      %add3A_1272 = arith.addi %mul3A_1270, %add3A_1271 : i32
      %mul3A_1273 = arith.constant 16 : i32
      %mul3A_1274 = arith.muli %add3A_1272, %mul3A_1273 : i32
      %get3A_1275 = arith.index_cast %mul3A_1274 : i32 to index
      %get3A_1276 = tpu.vector_load %arg5[%get3A_1275] {strides = array<i32>} : memref<8192xi32, #tpu.memory_space<vmem>>, vector<16xi32>,
      %get3A_1277 = vector.shape_cast %get3A_1276 : vector<16xi32> to vector<16xi32>
      %sub3A_1278 = arith.constant 50257 : i32
      %sub3A_1279 = vector.broadcast %sub3A_1278 : i32 to vector<16xi32>
      %sub3A_1280 = arith.subi %get3A_1277, %sub3A_1279 : vector<16xi32>
      %abs3A_1281 = math.absi %sub3A_1280 : vector<16xi32>
      %sub3A_1282 = arith.constant 50258 : i32
      %sub3A_1283 = vector.broadcast %sub3A_1282 : i32 to vector<16xi32>
      %sub3A_1284 = arith.subi %get3A_1277, %sub3A_1283 : vector<16xi32>
      %abs3A_1285 = math.absi %sub3A_1284 : vector<16xi32>
      %sub3A_1286 = arith.constant 50259 : i32
      %sub3A_1287 = vector.broadcast %sub3A_1286 : i32 to vector<16xi32>
      %sub3A_1288 = arith.subi %get3A_1277, %sub3A_1287 : vector<16xi32>
      %abs3A_1289 = math.absi %sub3A_1288 : vector<16xi32>
      %min3A_1290 = arith.minsi %abs3A_1281, %abs3A_1285 : vector<16xi32>
      %min3A_1291 = arith.minsi %min3A_1290, %abs3A_1289 : vector<16xi32>
      %min3A_1292 = arith.constant 1 : i32
      %min3A_1293 = vector.broadcast %min3A_1292 : i32 to vector<16xi32>
      %min3A_1294 = arith.minsi %min3A_1291, %min3A_1293 : vector<16xi32>
      %sub3A_1295 = arith.constant 1 : i32
      %sub3A_1296 = vector.broadcast %sub3A_1295 : i32 to vector<16xi32>
      %sub3A_1297 = arith.subi %sub3A_1296, %min3A_1294 : vector<16xi32>
      %add3A_1298 = arith.addi %add3A_1268, %sub3A_1297 : vector<16xi32>
      %mul3A_1299 = arith.constant 4 : i32
      %mul3A_1300 = arith.muli %while3A_1237, %mul3A_1299 : i32
      %add3A_1301 = arith.constant 2 : i32
      %add3A_1302 = arith.addi %mul3A_1300, %add3A_1301 : i32
      %mul3A_1303 = arith.constant 16 : i32
      %mul3A_1304 = arith.muli %add3A_1302, %mul3A_1303 : i32
      %get3A_1305 = arith.index_cast %mul3A_1304 : i32 to index
      %get3A_1306 = tpu.vector_load %arg5[%get3A_1305] {strides = array<i32>} : memref<8192xi32, #tpu.memory_space<vmem>>, vector<16xi32>,
      %get3A_1307 = vector.shape_cast %get3A_1306 : vector<16xi32> to vector<16xi32>
      %sub3A_1308 = arith.constant 50257 : i32
      %sub3A_1309 = vector.broadcast %sub3A_1308 : i32 to vector<16xi32>
      %sub3A_1310 = arith.subi %get3A_1307, %sub3A_1309 : vector<16xi32>
      %abs3A_1311 = math.absi %sub3A_1310 : vector<16xi32>
      %sub3A_1312 = arith.constant 50258 : i32
      %sub3A_1313 = vector.broadcast %sub3A_1312 : i32 to vector<16xi32>
      %sub3A_1314 = arith.subi %get3A_1307, %sub3A_1313 : vector<16xi32>
      %abs3A_1315 = math.absi %sub3A_1314 : vector<16xi32>
      %sub3A_1316 = arith.constant 50259 : i32
      %sub3A_1317 = vector.broadcast %sub3A_1316 : i32 to vector<16xi32>
      %sub3A_1318 = arith.subi %get3A_1307, %sub3A_1317 : vector<16xi32>
      %abs3A_1319 = math.absi %sub3A_1318 : vector<16xi32>
      %min3A_1320 = arith.minsi %abs3A_1311, %abs3A_1315 : vector<16xi32>
      %min3A_1321 = arith.minsi %min3A_1320, %abs3A_1319 : vector<16xi32>
      %min3A_1322 = arith.constant 1 : i32
      %min3A_1323 = vector.broadcast %min3A_1322 : i32 to vector<16xi32>
      %min3A_1324 = arith.minsi %min3A_1321, %min3A_1323 : vector<16xi32>
      %sub3A_1325 = arith.constant 1 : i32
      %sub3A_1326 = vector.broadcast %sub3A_1325 : i32 to vector<16xi32>
      %sub3A_1327 = arith.subi %sub3A_1326, %min3A_1324 : vector<16xi32>
      %add3A_1328 = arith.addi %add3A_1298, %sub3A_1327 : vector<16xi32>
      %mul3A_1329 = arith.constant 4 : i32
      %mul3A_1330 = arith.muli %while3A_1237, %mul3A_1329 : i32
      %add3A_1331 = arith.constant 3 : i32
      %add3A_1332 = arith.addi %mul3A_1330, %add3A_1331 : i32
      %mul3A_1333 = arith.constant 16 : i32
      %mul3A_1334 = arith.muli %add3A_1332, %mul3A_1333 : i32
      %get3A_1335 = arith.index_cast %mul3A_1334 : i32 to index
      %get3A_1336 = tpu.vector_load %arg5[%get3A_1335] {strides = array<i32>} : memref<8192xi32, #tpu.memory_space<vmem>>, vector<16xi32>,
      %get3A_1337 = vector.shape_cast %get3A_1336 : vector<16xi32> to vector<16xi32>
      %sub3A_1338 = arith.constant 50257 : i32
      %sub3A_1339 = vector.broadcast %sub3A_1338 : i32 to vector<16xi32>
      %sub3A_1340 = arith.subi %get3A_1337, %sub3A_1339 : vector<16xi32>
      %abs3A_1341 = math.absi %sub3A_1340 : vector<16xi32>
      %sub3A_1342 = arith.constant 50258 : i32
      %sub3A_1343 = vector.broadcast %sub3A_1342 : i32 to vector<16xi32>
      %sub3A_1344 = arith.subi %get3A_1337, %sub3A_1343 : vector<16xi32>
      %abs3A_1345 = math.absi %sub3A_1344 : vector<16xi32>
      %sub3A_1346 = arith.constant 50259 : i32
      %sub3A_1347 = vector.broadcast %sub3A_1346 : i32 to vector<16xi32>
      %sub3A_1348 = arith.subi %get3A_1337, %sub3A_1347 : vector<16xi32>
      %abs3A_1349 = math.absi %sub3A_1348 : vector<16xi32>
      %min3A_1350 = arith.minsi %abs3A_1341, %abs3A_1345 : vector<16xi32>
      %min3A_1351 = arith.minsi %min3A_1350, %abs3A_1349 : vector<16xi32>
      %min3A_1352 = arith.constant 1 : i32
      %min3A_1353 = vector.broadcast %min3A_1352 : i32 to vector<16xi32>
      %min3A_1354 = arith.minsi %min3A_1351, %min3A_1353 : vector<16xi32>
      %sub3A_1355 = arith.constant 1 : i32
      %sub3A_1356 = vector.broadcast %sub3A_1355 : i32 to vector<16xi32>
      %sub3A_1357 = arith.subi %sub3A_1356, %min3A_1354 : vector<16xi32>
      %add3A_1358 = arith.addi %add3A_1328, %sub3A_1357 : vector<16xi32>
      scf.yield %add3A_1358 : vector<16xi32>
    }
    %while3A_66 = arith.constant 1 : i32
    %while3A_67 = scf.for %while3A_1237 = %while3A_63 to %while3A_59 step %while3A_66 iter_args(%while3A_1238 = %while3A_65) -> (vector<16xi32>)  : i32 {
      %mul3A_1239 = arith.constant 4 : i32
      %mul3A_1240 = arith.muli %while3A_1237, %mul3A_1239 : i32
      %add3A_1241 = arith.constant 0 : i32
      %add3A_1242 = arith.addi %mul3A_1240, %add3A_1241 : i32
      %mul3A_1243 = arith.constant 16 : i32
      %mul3A_1244 = arith.muli %add3A_1242, %mul3A_1243 : i32
      %get3A_1245 = arith.index_cast %mul3A_1244 : i32 to index
      %get3A_1246 = tpu.vector_load %arg5[%get3A_1245] {strides = array<i32>} : memref<8192xi32, #tpu.memory_space<vmem>>, vector<16xi32>,
      %get3A_1247 = vector.shape_cast %get3A_1246 : vector<16xi32> to vector<16xi32>
      %sub3A_1248 = arith.constant 50257 : i32
      %sub3A_1249 = vector.broadcast %sub3A_1248 : i32 to vector<16xi32>
      %sub3A_1250 = arith.subi %get3A_1247, %sub3A_1249 : vector<16xi32>
      %abs3A_1251 = math.absi %sub3A_1250 : vector<16xi32>
      %sub3A_1252 = arith.constant 50258 : i32
      %sub3A_1253 = vector.broadcast %sub3A_1252 : i32 to vector<16xi32>
      %sub3A_1254 = arith.subi %get3A_1247, %sub3A_1253 : vector<16xi32>
      %abs3A_1255 = math.absi %sub3A_1254 : vector<16xi32>
      %sub3A_1256 = arith.constant 50259 : i32
      %sub3A_1257 = vector.broadcast %sub3A_1256 : i32 to vector<16xi32>
      %sub3A_1258 = arith.subi %get3A_1247, %sub3A_1257 : vector<16xi32>
      %abs3A_1259 = math.absi %sub3A_1258 : vector<16xi32>
      %min3A_1260 = arith.minsi %abs3A_1251, %abs3A_1255 : vector<16xi32>
      %min3A_1261 = arith.minsi %min3A_1260, %abs3A_1259 : vector<16xi32>
      %min3A_1262 = arith.constant 1 : i32
      %min3A_1263 = vector.broadcast %min3A_1262 : i32 to vector<16xi32>
      %min3A_1264 = arith.minsi %min3A_1261, %min3A_1263 : vector<16xi32>
      %sub3A_1265 = arith.constant 1 : i32
      %sub3A_1266 = vector.broadcast %sub3A_1265 : i32 to vector<16xi32>
      %sub3A_1267 = arith.subi %sub3A_1266, %min3A_1264 : vector<16xi32>
      %add3A_1268 = arith.addi %while3A_1238, %sub3A_1267 : vector<16xi32>
      %mul3A_1269 = arith.constant 4 : i32
      %mul3A_1270 = arith.muli %while3A_1237, %mul3A_1269 : i32
      %add3A_1271 = arith.constant 1 : i32
      %add3A_1272 = arith.addi %mul3A_1270, %add3A_1271 : i32
      %mul3A_1273 = arith.constant 16 : i32
      %mul3A_1274 = arith.muli %add3A_1272, %mul3A_1273 : i32
      %get3A_1275 = arith.index_cast %mul3A_1274 : i32 to index
      %get3A_1276 = tpu.vector_load %arg5[%get3A_1275] {strides = array<i32>} : memref<8192xi32, #tpu.memory_space<vmem>>, vector<16xi32>,
      %get3A_1277 = vector.shape_cast %get3A_1276 : vector<16xi32> to vector<16xi32>
      %sub3A_1278 = arith.constant 50257 : i32
      %sub3A_1279 = vector.broadcast %sub3A_1278 : i32 to vector<16xi32>
      %sub3A_1280 = arith.subi %get3A_1277, %sub3A_1279 : vector<16xi32>
      %abs3A_1281 = math.absi %sub3A_1280 : vector<16xi32>
      %sub3A_1282 = arith.constant 50258 : i32
      %sub3A_1283 = vector.broadcast %sub3A_1282 : i32 to vector<16xi32>
      %sub3A_1284 = arith.subi %get3A_1277, %sub3A_1283 : vector<16xi32>
      %abs3A_1285 = math.absi %sub3A_1284 : vector<16xi32>
      %sub3A_1286 = arith.constant 50259 : i32
      %sub3A_1287 = vector.broadcast %sub3A_1286 : i32 to vector<16xi32>
      %sub3A_1288 = arith.subi %get3A_1277, %sub3A_1287 : vector<16xi32>
      %abs3A_1289 = math.absi %sub3A_1288 : vector<16xi32>
      %min3A_1290 = arith.minsi %abs3A_1281, %abs3A_1285 : vector<16xi32>
      %min3A_1291 = arith.minsi %min3A_1290, %abs3A_1289 : vector<16xi32>
      %min3A_1292 = arith.constant 1 : i32
      %min3A_1293 = vector.broadcast %min3A_1292 : i32 to vector<16xi32>
      %min3A_1294 = arith.minsi %min3A_1291, %min3A_1293 : vector<16xi32>
      %sub3A_1295 = arith.constant 1 : i32
      %sub3A_1296 = vector.broadcast %sub3A_1295 : i32 to vector<16xi32>
      %sub3A_1297 = arith.subi %sub3A_1296, %min3A_1294 : vector<16xi32>
      %add3A_1298 = arith.addi %add3A_1268, %sub3A_1297 : vector<16xi32>
      %mul3A_1299 = arith.constant 4 : i32
      %mul3A_1300 = arith.muli %while3A_1237, %mul3A_1299 : i32
      %add3A_1301 = arith.constant 2 : i32
      %add3A_1302 = arith.addi %mul3A_1300, %add3A_1301 : i32
      %mul3A_1303 = arith.constant 16 : i32
      %mul3A_1304 = arith.muli %add3A_1302, %mul3A_1303 : i32
      %get3A_1305 = arith.index_cast %mul3A_1304 : i32 to index
      %get3A_1306 = tpu.vector_load %arg5[%get3A_1305] {strides = array<i32>} : memref<8192xi32, #tpu.memory_space<vmem>>, vector<16xi32>,
      %get3A_1307 = vector.shape_cast %get3A_1306 : vector<16xi32> to vector<16xi32>
      %sub3A_1308 = arith.constant 50257 : i32
      %sub3A_1309 = vector.broadcast %sub3A_1308 : i32 to vector<16xi32>
      %sub3A_1310 = arith.subi %get3A_1307, %sub3A_1309 : vector<16xi32>
      %abs3A_1311 = math.absi %sub3A_1310 : vector<16xi32>
      %sub3A_1312 = arith.constant 50258 : i32
      %sub3A_1313 = vector.broadcast %sub3A_1312 : i32 to vector<16xi32>
      %sub3A_1314 = arith.subi %get3A_1307, %sub3A_1313 : vector<16xi32>
      %abs3A_1315 = math.absi %sub3A_1314 : vector<16xi32>
      %sub3A_1316 = arith.constant 50259 : i32
      %sub3A_1317 = vector.broadcast %sub3A_1316 : i32 to vector<16xi32>
      %sub3A_1318 = arith.subi %get3A_1307, %sub3A_1317 : vector<16xi32>
      %abs3A_1319 = math.absi %sub3A_1318 : vector<16xi32>
      %min3A_1320 = arith.minsi %abs3A_1311, %abs3A_1315 : vector<16xi32>
      %min3A_1321 = arith.minsi %min3A_1320, %abs3A_1319 : vector<16xi32>
      %min3A_1322 = arith.constant 1 : i32
      %min3A_1323 = vector.broadcast %min3A_1322 : i32 to vector<16xi32>
      %min3A_1324 = arith.minsi %min3A_1321, %min3A_1323 : vector<16xi32>
      %sub3A_1325 = arith.constant 1 : i32
      %sub3A_1326 = vector.broadcast %sub3A_1325 : i32 to vector<16xi32>
      %sub3A_1327 = arith.subi %sub3A_1326, %min3A_1324 : vector<16xi32>
      %add3A_1328 = arith.addi %add3A_1298, %sub3A_1327 : vector<16xi32>
      %mul3A_1329 = arith.constant 4 : i32
      %mul3A_1330 = arith.muli %while3A_1237, %mul3A_1329 : i32
      %add3A_1331 = arith.constant 3 : i32
      %add3A_1332 = arith.addi %mul3A_1330, %add3A_1331 : i32
      %mul3A_1333 = arith.constant 16 : i32
      %mul3A_1334 = arith.muli %add3A_1332, %mul3A_1333 : i32
      %get3A_1335 = arith.index_cast %mul3A_1334 : i32 to index
      %get3A_1336 = tpu.vector_load %arg5[%get3A_1335] {strides = array<i32>} : memref<8192xi32, #tpu.memory_space<vmem>>, vector<16xi32>,
      %get3A_1337 = vector.shape_cast %get3A_1336 : vector<16xi32> to vector<16xi32>
      %sub3A_1338 = arith.constant 50257 : i32
      %sub3A_1339 = vector.broadcast %sub3A_1338 : i32 to vector<16xi32>
      %sub3A_1340 = arith.subi %get3A_1337, %sub3A_1339 : vector<16xi32>
      %abs3A_1341 = math.absi %sub3A_1340 : vector<16xi32>
      %sub3A_1342 = arith.constant 50258 : i32
      %sub3A_1343 = vector.broadcast %sub3A_1342 : i32 to vector<16xi32>
      %sub3A_1344 = arith.subi %get3A_1337, %sub3A_1343 : vector<16xi32>
      %abs3A_1345 = math.absi %sub3A_1344 : vector<16xi32>
      %sub3A_1346 = arith.constant 50259 : i32
      %sub3A_1347 = vector.broadcast %sub3A_1346 : i32 to vector<16xi32>
      %sub3A_1348 = arith.subi %get3A_1337, %sub3A_1347 : vector<16xi32>
      %abs3A_1349 = math.absi %sub3A_1348 : vector<16xi32>
      %min3A_1350 = arith.minsi %abs3A_1341, %abs3A_1345 : vector<16xi32>
      %min3A_1351 = arith.minsi %min3A_1350, %abs3A_1349 : vector<16xi32>
      %min3A_1352 = arith.constant 1 : i32
      %min3A_1353 = vector.broadcast %min3A_1352 : i32 to vector<16xi32>
      %min3A_1354 = arith.minsi %min3A_1351, %min3A_1353 : vector<16xi32>
      %sub3A_1355 = arith.constant 1 : i32
      %sub3A_1356 = vector.broadcast %sub3A_1355 : i32 to vector<16xi32>
      %sub3A_1357 = arith.subi %sub3A_1356, %min3A_1354 : vector<16xi32>
      %add3A_1358 = arith.addi %add3A_1328, %sub3A_1357 : vector<16xi32>
      scf.yield %add3A_1358 : vector<16xi32>
    }
    %sub3A_68 = arith.constant 1 : i32
    %sub3A_69 = vector.broadcast %sub3A_68 : i32 to vector<16xi32>
    %sub3A_70 = arith.subi %iota3A, %sub3A_69 : vector<16xi32>
    %max3A = arith.constant 0 : i32
    %max3A_71 = vector.broadcast %max3A : i32 to vector<16xi32>
    %max3A_72 = arith.maxsi %sub3A_70, %max3A_71 : vector<16xi32>
    %broadcast_in_dim3A_73 = vector.shape_cast %max3A_72 : vector<16xi32> to vector<16x1xi32>
    %gather3A = vector.shape_cast %broadcast_in_dim3A_73 : vector<16x1xi32> to vector<16xi32>
    %gather3A_74 = tpu.dynamic_gather %while3A_67[%gather3A] in [0] : vector<16xi32>, vector<16xi32> -> vector<16xi32>
    %sub3A_75 = arith.constant 0 : i32
    %sub3A_76 = vector.broadcast %sub3A_75 : i32 to vector<16xi32>
    %sub3A_77 = arith.subi %iota3A, %sub3A_76 : vector<16xi32>
    %max3A_78 = arith.constant 0 : i32
    %max3A_79 = vector.broadcast %max3A_78 : i32 to vector<16xi32>
    %max3A_80 = arith.maxsi %sub3A_77, %max3A_79 : vector<16xi32>
    %min3A = arith.constant 1 : i32
    %min3A_81 = vector.broadcast %min3A : i32 to vector<16xi32>
    %min3A_82 = arith.minsi %max3A_80, %min3A_81 : vector<16xi32>
    %mul3A_83 = arith.muli %gather3A_74, %min3A_82 : vector<16xi32>
    %add3A_84 = arith.addi %while3A_67, %mul3A_83 : vector<16xi32>
    %sub3A_85 = arith.constant 2 : i32
    %sub3A_86 = vector.broadcast %sub3A_85 : i32 to vector<16xi32>
    %sub3A_87 = arith.subi %iota3A, %sub3A_86 : vector<16xi32>
    %max3A_88 = arith.constant 0 : i32
    %max3A_89 = vector.broadcast %max3A_88 : i32 to vector<16xi32>
    %max3A_90 = arith.maxsi %sub3A_87, %max3A_89 : vector<16xi32>
    %broadcast_in_dim3A_91 = vector.shape_cast %max3A_90 : vector<16xi32> to vector<16x1xi32>
    %gather3A_92 = vector.shape_cast %broadcast_in_dim3A_91 : vector<16x1xi32> to vector<16xi32>
    %gather3A_93 = tpu.dynamic_gather %add3A_84[%gather3A_92] in [0] : vector<16xi32>, vector<16xi32> -> vector<16xi32>
    %sub3A_94 = arith.constant 1 : i32
    %sub3A_95 = vector.broadcast %sub3A_94 : i32 to vector<16xi32>
    %sub3A_96 = arith.subi %iota3A, %sub3A_95 : vector<16xi32>
    %max3A_97 = arith.constant 0 : i32
    %max3A_98 = vector.broadcast %max3A_97 : i32 to vector<16xi32>
    %max3A_99 = arith.maxsi %sub3A_96, %max3A_98 : vector<16xi32>
    %min3A_100 = arith.constant 1 : i32
    %min3A_101 = vector.broadcast %min3A_100 : i32 to vector<16xi32>
    %min3A_102 = arith.minsi %max3A_99, %min3A_101 : vector<16xi32>
    %mul3A_103 = arith.muli %gather3A_93, %min3A_102 : vector<16xi32>
    %add3A_104 = arith.addi %add3A_84, %mul3A_103 : vector<16xi32>
    %sub3A_105 = arith.constant 4 : i32
    %sub3A_106 = vector.broadcast %sub3A_105 : i32 to vector<16xi32>
    %sub3A_107 = arith.subi %iota3A, %sub3A_106 : vector<16xi32>
    %max3A_108 = arith.constant 0 : i32
    %max3A_109 = vector.broadcast %max3A_108 : i32 to vector<16xi32>
    %max3A_110 = arith.maxsi %sub3A_107, %max3A_109 : vector<16xi32>
    %broadcast_in_dim3A_111 = vector.shape_cast %max3A_110 : vector<16xi32> to vector<16x1xi32>
    %gather3A_112 = vector.shape_cast %broadcast_in_dim3A_111 : vector<16x1xi32> to vector<16xi32>
    %gather3A_113 = tpu.dynamic_gather %add3A_104[%gather3A_112] in [0] : vector<16xi32>, vector<16xi32> -> vector<16xi32>
    %sub3A_114 = arith.constant 3 : i32
    %sub3A_115 = vector.broadcast %sub3A_114 : i32 to vector<16xi32>
    %sub3A_116 = arith.subi %iota3A, %sub3A_115 : vector<16xi32>
    %max3A_117 = arith.constant 0 : i32
    %max3A_118 = vector.broadcast %max3A_117 : i32 to vector<16xi32>
    %max3A_119 = arith.maxsi %sub3A_116, %max3A_118 : vector<16xi32>
    %min3A_120 = arith.constant 1 : i32
    %min3A_121 = vector.broadcast %min3A_120 : i32 to vector<16xi32>
    %min3A_122 = arith.minsi %max3A_119, %min3A_121 : vector<16xi32>
    %mul3A_123 = arith.muli %gather3A_113, %min3A_122 : vector<16xi32>
    %add3A_124 = arith.addi %add3A_104, %mul3A_123 : vector<16xi32>
    %sub3A_125 = arith.constant 8 : i32
    %sub3A_126 = vector.broadcast %sub3A_125 : i32 to vector<16xi32>
    %sub3A_127 = arith.subi %iota3A, %sub3A_126 : vector<16xi32>
    %max3A_128 = arith.constant 0 : i32
    %max3A_129 = vector.broadcast %max3A_128 : i32 to vector<16xi32>
    %max3A_130 = arith.maxsi %sub3A_127, %max3A_129 : vector<16xi32>
    %broadcast_in_dim3A_131 = vector.shape_cast %max3A_130 : vector<16xi32> to vector<16x1xi32>
    %gather3A_132 = vector.shape_cast %broadcast_in_dim3A_131 : vector<16x1xi32> to vector<16xi32>
    %gather3A_133 = tpu.dynamic_gather %add3A_124[%gather3A_132] in [0] : vector<16xi32>, vector<16xi32> -> vector<16xi32>
    %sub3A_134 = arith.constant 7 : i32
    %sub3A_135 = vector.broadcast %sub3A_134 : i32 to vector<16xi32>
    %sub3A_136 = arith.subi %iota3A, %sub3A_135 : vector<16xi32>
    %max3A_137 = arith.constant 0 : i32
    %max3A_138 = vector.broadcast %max3A_137 : i32 to vector<16xi32>
    %max3A_139 = arith.maxsi %sub3A_136, %max3A_138 : vector<16xi32>
    %min3A_140 = arith.constant 1 : i32
    %min3A_141 = vector.broadcast %min3A_140 : i32 to vector<16xi32>
    %min3A_142 = arith.minsi %max3A_139, %min3A_141 : vector<16xi32>
    %mul3A_143 = arith.muli %gather3A_133, %min3A_142 : vector<16xi32>
    %add3A_144 = arith.addi %add3A_124, %mul3A_143 : vector<16xi32>
    %broadcast_in_dim3A_145 = arith.constant 15 : i32
    %broadcast_in_dim3A_146 = vector.broadcast %broadcast_in_dim3A_145 : i32 to vector<16xi32>
    %broadcast_in_dim3A_147 = vector.shape_cast %broadcast_in_dim3A_146 : vector<16xi32> to vector<16x1xi32>
    %gather3A_148 = vector.shape_cast %broadcast_in_dim3A_147 : vector<16x1xi32> to vector<16xi32>
    %gather3A_149 = tpu.dynamic_gather %add3A_144[%gather3A_148] in [0] : vector<16xi32>, vector<16xi32> -> vector<16xi32>
    %mul3A_150 = arith.constant 1024 : i32
    %mul3A_151 = arith.muli %add3A, %mul3A_150 : i32
    %add3A_152 = arith.constant 0 : i32
    %add3A_153 = arith.addi %mul3A_32, %add3A_152 : i32
    %get3A = arith.index_cast %add3A_153 : i32 to index
    %get3A_154 = tpu.vector_load %arg5[%get3A] {strides = array<i32>} : memref<8192xi32, #tpu.memory_space<vmem>>, vector<16xi32>,
    %get3A_155 = vector.shape_cast %get3A_154 : vector<16xi32> to vector<16xi32>
    %sub3A_156 = arith.constant 50257 : i32
    %sub3A_157 = vector.broadcast %sub3A_156 : i32 to vector<16xi32>
    %sub3A_158 = arith.subi %get3A_155, %sub3A_157 : vector<16xi32>
    %abs3A = math.absi %sub3A_158 : vector<16xi32>
    %sub3A_159 = arith.constant 50258 : i32
    %sub3A_160 = vector.broadcast %sub3A_159 : i32 to vector<16xi32>
    %sub3A_161 = arith.subi %get3A_155, %sub3A_160 : vector<16xi32>
    %abs3A_162 = math.absi %sub3A_161 : vector<16xi32>
    %sub3A_163 = arith.constant 50259 : i32
    %sub3A_164 = vector.broadcast %sub3A_163 : i32 to vector<16xi32>
    %sub3A_165 = arith.subi %get3A_155, %sub3A_164 : vector<16xi32>
    %abs3A_166 = math.absi %sub3A_165 : vector<16xi32>
    %min3A_167 = arith.minsi %abs3A, %abs3A_162 : vector<16xi32>
    %min3A_168 = arith.minsi %min3A_167, %abs3A_166 : vector<16xi32>
    %min3A_169 = arith.constant 1 : i32
    %min3A_170 = vector.broadcast %min3A_169 : i32 to vector<16xi32>
    %min3A_171 = arith.minsi %min3A_168, %min3A_170 : vector<16xi32>
    %sub3A_172 = arith.constant 1 : i32
    %sub3A_173 = vector.broadcast %sub3A_172 : i32 to vector<16xi32>
    %sub3A_174 = arith.subi %sub3A_173, %min3A_171 : vector<16xi32>
    %sub3A_175 = arith.constant 1 : i32
    %sub3A_176 = vector.broadcast %sub3A_175 : i32 to vector<16xi32>
    %sub3A_177 = arith.subi %iota3A, %sub3A_176 : vector<16xi32>
    %max3A_178 = arith.constant 0 : i32
    %max3A_179 = vector.broadcast %max3A_178 : i32 to vector<16xi32>
    %max3A_180 = arith.maxsi %sub3A_177, %max3A_179 : vector<16xi32>
    %broadcast_in_dim3A_181 = vector.shape_cast %max3A_180 : vector<16xi32> to vector<16x1xi32>
    %gather3A_182 = vector.shape_cast %broadcast_in_dim3A_181 : vector<16x1xi32> to vector<16xi32>
    %gather3A_183 = tpu.dynamic_gather %sub3A_174[%gather3A_182] in [0] : vector<16xi32>, vector<16xi32> -> vector<16xi32>
    %sub3A_184 = arith.constant 0 : i32
    %sub3A_185 = vector.broadcast %sub3A_184 : i32 to vector<16xi32>
    %sub3A_186 = arith.subi %iota3A, %sub3A_185 : vector<16xi32>
    %max3A_187 = arith.constant 0 : i32
    %max3A_188 = vector.broadcast %max3A_187 : i32 to vector<16xi32>
    %max3A_189 = arith.maxsi %sub3A_186, %max3A_188 : vector<16xi32>
    %min3A_190 = arith.constant 1 : i32
    %min3A_191 = vector.broadcast %min3A_190 : i32 to vector<16xi32>
    %min3A_192 = arith.minsi %max3A_189, %min3A_191 : vector<16xi32>
    %mul3A_193 = arith.muli %gather3A_183, %min3A_192 : vector<16xi32>
    %add3A_194 = arith.addi %sub3A_174, %mul3A_193 : vector<16xi32>
    %sub3A_195 = arith.constant 2 : i32
    %sub3A_196 = vector.broadcast %sub3A_195 : i32 to vector<16xi32>
    %sub3A_197 = arith.subi %iota3A, %sub3A_196 : vector<16xi32>
    %max3A_198 = arith.constant 0 : i32
    %max3A_199 = vector.broadcast %max3A_198 : i32 to vector<16xi32>
    %max3A_200 = arith.maxsi %sub3A_197, %max3A_199 : vector<16xi32>
    %broadcast_in_dim3A_201 = vector.shape_cast %max3A_200 : vector<16xi32> to vector<16x1xi32>
    %gather3A_202 = vector.shape_cast %broadcast_in_dim3A_201 : vector<16x1xi32> to vector<16xi32>
    %gather3A_203 = tpu.dynamic_gather %add3A_194[%gather3A_202] in [0] : vector<16xi32>, vector<16xi32> -> vector<16xi32>
    %sub3A_204 = arith.constant 1 : i32
    %sub3A_205 = vector.broadcast %sub3A_204 : i32 to vector<16xi32>
    %sub3A_206 = arith.subi %iota3A, %sub3A_205 : vector<16xi32>
    %max3A_207 = arith.constant 0 : i32
    %max3A_208 = vector.broadcast %max3A_207 : i32 to vector<16xi32>
    %max3A_209 = arith.maxsi %sub3A_206, %max3A_208 : vector<16xi32>
    %min3A_210 = arith.constant 1 : i32
    %min3A_211 = vector.broadcast %min3A_210 : i32 to vector<16xi32>
    %min3A_212 = arith.minsi %max3A_209, %min3A_211 : vector<16xi32>
    %mul3A_213 = arith.muli %gather3A_203, %min3A_212 : vector<16xi32>
    %add3A_214 = arith.addi %add3A_194, %mul3A_213 : vector<16xi32>
    %sub3A_215 = arith.constant 4 : i32
    %sub3A_216 = vector.broadcast %sub3A_215 : i32 to vector<16xi32>
    %sub3A_217 = arith.subi %iota3A, %sub3A_216 : vector<16xi32>
    %max3A_218 = arith.constant 0 : i32
    %max3A_219 = vector.broadcast %max3A_218 : i32 to vector<16xi32>
    %max3A_220 = arith.maxsi %sub3A_217, %max3A_219 : vector<16xi32>
    %broadcast_in_dim3A_221 = vector.shape_cast %max3A_220 : vector<16xi32> to vector<16x1xi32>
    %gather3A_222 = vector.shape_cast %broadcast_in_dim3A_221 : vector<16x1xi32> to vector<16xi32>
    %gather3A_223 = tpu.dynamic_gather %add3A_214[%gather3A_222] in [0] : vector<16xi32>, vector<16xi32> -> vector<16xi32>
    %sub3A_224 = arith.constant 3 : i32
    %sub3A_225 = vector.broadcast %sub3A_224 : i32 to vector<16xi32>
    %sub3A_226 = arith.subi %iota3A, %sub3A_225 : vector<16xi32>
    %max3A_227 = arith.constant 0 : i32
    %max3A_228 = vector.broadcast %max3A_227 : i32 to vector<16xi32>
    %max3A_229 = arith.maxsi %sub3A_226, %max3A_228 : vector<16xi32>
    %min3A_230 = arith.constant 1 : i32
    %min3A_231 = vector.broadcast %min3A_230 : i32 to vector<16xi32>
    %min3A_232 = arith.minsi %max3A_229, %min3A_231 : vector<16xi32>
    %mul3A_233 = arith.muli %gather3A_223, %min3A_232 : vector<16xi32>
    %add3A_234 = arith.addi %add3A_214, %mul3A_233 : vector<16xi32>
    %sub3A_235 = arith.constant 8 : i32
    %sub3A_236 = vector.broadcast %sub3A_235 : i32 to vector<16xi32>
    %sub3A_237 = arith.subi %iota3A, %sub3A_236 : vector<16xi32>
    %max3A_238 = arith.constant 0 : i32
    %max3A_239 = vector.broadcast %max3A_238 : i32 to vector<16xi32>
    %max3A_240 = arith.maxsi %sub3A_237, %max3A_239 : vector<16xi32>
    %broadcast_in_dim3A_241 = vector.shape_cast %max3A_240 : vector<16xi32> to vector<16x1xi32>
    %gather3A_242 = vector.shape_cast %broadcast_in_dim3A_241 : vector<16x1xi32> to vector<16xi32>
    %gather3A_243 = tpu.dynamic_gather %add3A_234[%gather3A_242] in [0] : vector<16xi32>, vector<16xi32> -> vector<16xi32>
    %sub3A_244 = arith.constant 7 : i32
    %sub3A_245 = vector.broadcast %sub3A_244 : i32 to vector<16xi32>
    %sub3A_246 = arith.subi %iota3A, %sub3A_245 : vector<16xi32>
    %max3A_247 = arith.constant 0 : i32
    %max3A_248 = vector.broadcast %max3A_247 : i32 to vector<16xi32>
    %max3A_249 = arith.maxsi %sub3A_246, %max3A_248 : vector<16xi32>
    %min3A_250 = arith.constant 1 : i32
    %min3A_251 = vector.broadcast %min3A_250 : i32 to vector<16xi32>
    %min3A_252 = arith.minsi %max3A_249, %min3A_251 : vector<16xi32>
    %mul3A_253 = arith.muli %gather3A_243, %min3A_252 : vector<16xi32>
    %add3A_254 = arith.addi %add3A_234, %mul3A_253 : vector<16xi32>
    %add3A_255 = arith.constant 0 : i32
    %add3A_256 = arith.addi %mul3A_32, %add3A_255 : i32
    %add3A_257 = vector.broadcast %add3A_256 : i32 to vector<16xi32>
    %add3A_258 = arith.addi %add3A_257, %iota3A : vector<16xi32>
    %sub3A_259 = arith.subi %add3A_258, %gather3A_149 : vector<16xi32>
    %sub3A_260 = arith.subi %sub3A_259, %add3A_254 : vector<16xi32>
    %jit3A_261 = arith.constant 0 : i32
    %jit3A_262 = arith.constant 8191 : i32
    %max3A_263 = vector.broadcast %jit3A_261 : i32 to vector<16xi32>
    %max3A_264 = arith.maxsi %max3A_263, %sub3A_260 : vector<16xi32>
    %min3A_265 = vector.broadcast %jit3A_262 : i32 to vector<16xi32>
    %min3A_266 = arith.minsi %min3A_265, %max3A_264 : vector<16xi32>
    %swap3A = arith.constant 0 : i32
    %swap3A_267 = arith.index_cast %swap3A : i32 to index
    %swap3A_268 = arith.constant 0 : index
    %swap3A_269 = tpu.vector_load %arg6[%swap3A_267, %swap3A_268] {strides = array<i32>} : memref<64x16xi32, #tpu.memory_space<vmem>>, vector<1x16xi32>,
    %swap3A_270 = vector.shape_cast %swap3A_269 : vector<1x16xi32> to vector<16xi32>
    %swap3A_271 = vector.shape_cast %min3A_266 : vector<16xi32> to vector<1x16xi32>
    tpu.vector_store %arg6[%swap3A_267, %swap3A_268], %swap3A_271 {strides = array<i32>} : memref<64x16xi32, #tpu.memory_space<vmem>>, vector<1x16xi32>,
    %broadcast_in_dim3A_272 = arith.constant 15 : i32
    %broadcast_in_dim3A_273 = vector.broadcast %broadcast_in_dim3A_272 : i32 to vector<16xi32>
    %broadcast_in_dim3A_274 = vector.shape_cast %broadcast_in_dim3A_273 : vector<16xi32> to vector<16x1xi32>
    %gather3A_275 = vector.shape_cast %broadcast_in_dim3A_274 : vector<16x1xi32> to vector<16xi32>
    %gather3A_276 = tpu.dynamic_gather %add3A_254[%gather3A_275] in [0] : vector<16xi32>, vector<16xi32> -> vector<16xi32>
    %add3A_277 = arith.addi %gather3A_149, %gather3A_276 : vector<16xi32>
    %dma_start3A = arith.constant 0 : i32
    %dma_start3A_278 = arith.constant 0 : i32
    %dma_start3A_279 = arith.constant 0 : i32
    %dma_start3A_280 = arith.constant 0 : i32
    %dma_start3A_281 = tpu.memref_slice %arg7[%dma_start3A_278, %dma_start3A_279, %dma_start3A_280] : memref<7x16x1024xf32, #tpu.memory_space<vmem>> -> memref<1x16x1024xf32, #tpu.memory_space<vmem>>
    %dma_start3A_282 = tpu.memref_squeeze %dma_start3A_281 : memref<1x16x1024xf32, #tpu.memory_space<vmem>> -> memref<16x1024xf32, #tpu.memory_space<vmem>>
    %dma_start3A_283 = arith.constant 0 : i32
    %dma_start3A_284 = tpu.memref_slice %arg6[%dma_start3A, %dma_start3A_283] : memref<64x16xi32, #tpu.memory_space<vmem>> -> memref<1x16xi32, #tpu.memory_space<vmem>>
    %dma_start3A_285 = tpu.memref_squeeze %dma_start3A_284 : memref<1x16xi32, #tpu.memory_space<vmem>> -> memref<16xi32, #tpu.memory_space<vmem>>
    %dma_start3A_286 = arith.constant 0 : i32
    %dma_start3A_287 = arith.constant 0 : i32
    %dma_start3A_288 = tpu.memref_slice %arg3[%dma_start3A_286, %dma_start3A_287] : memref<8192x1024xf32, #tpu.memory_space<hbm>> -> memref<8192x1024xf32, #tpu.memory_space<hbm>>
    tpu.enqueue_indirect_dma source(%dma_start3A_288 : memref<8192x1024xf32, #tpu.memory_space<hbm>>) target(%dma_start3A_282 : memref<16x1024xf32, #tpu.memory_space<vmem>>) offsets(%dma_start3A_285 : memref<16xi32, #tpu.memory_space<vmem>>) semaphore(%arg8 : memref<!tpu.dma_semaphore, #tpu.memory_space<semaphore_mem>>)
    %add3A_289 = arith.constant 16 : i32
    %add3A_290 = arith.addi %mul3A_32, %add3A_289 : i32
    %get3A_291 = arith.index_cast %add3A_290 : i32 to index
    %get3A_292 = tpu.vector_load %arg5[%get3A_291] {strides = array<i32>} : memref<8192xi32, #tpu.memory_space<vmem>>, vector<16xi32>,
    %get3A_293 = vector.shape_cast %get3A_292 : vector<16xi32> to vector<16xi32>
    %sub3A_294 = arith.constant 50257 : i32
    %sub3A_295 = vector.broadcast %sub3A_294 : i32 to vector<16xi32>
    %sub3A_296 = arith.subi %get3A_293, %sub3A_295 : vector<16xi32>
    %abs3A_297 = math.absi %sub3A_296 : vector<16xi32>
    %sub3A_298 = arith.constant 50258 : i32
    %sub3A_299 = vector.broadcast %sub3A_298 : i32 to vector<16xi32>
    %sub3A_300 = arith.subi %get3A_293, %sub3A_299 : vector<16xi32>
    %abs3A_301 = math.absi %sub3A_300 : vector<16xi32>
    %sub3A_302 = arith.constant 50259 : i32
    %sub3A_303 = vector.broadcast %sub3A_302 : i32 to vector<16xi32>
    %sub3A_304 = arith.subi %get3A_293, %sub3A_303 : vector<16xi32>
    %abs3A_305 = math.absi %sub3A_304 : vector<16xi32>
    %min3A_306 = arith.minsi %abs3A_297, %abs3A_301 : vector<16xi32>
    %min3A_307 = arith.minsi %min3A_306, %abs3A_305 : vector<16xi32>
    %min3A_308 = arith.constant 1 : i32
    %min3A_309 = vector.broadcast %min3A_308 : i32 to vector<16xi32>
    %min3A_310 = arith.minsi %min3A_307, %min3A_309 : vector<16xi32>
    %sub3A_311 = arith.constant 1 : i32
    %sub3A_312 = vector.broadcast %sub3A_311 : i32 to vector<16xi32>
    %sub3A_313 = arith.subi %sub3A_312, %min3A_310 : vector<16xi32>
    %sub3A_314 = arith.constant 1 : i32
    %sub3A_315 = vector.broadcast %sub3A_314 : i32 to vector<16xi32>
    %sub3A_316 = arith.subi %iota3A, %sub3A_315 : vector<16xi32>
    %max3A_317 = arith.constant 0 : i32
    %max3A_318 = vector.broadcast %max3A_317 : i32 to vector<16xi32>
    %max3A_319 = arith.maxsi %sub3A_316, %max3A_318 : vector<16xi32>
    %broadcast_in_dim3A_320 = vector.shape_cast %max3A_319 : vector<16xi32> to vector<16x1xi32>
    %gather3A_321 = vector.shape_cast %broadcast_in_dim3A_320 : vector<16x1xi32> to vector<16xi32>
    %gather3A_322 = tpu.dynamic_gather %sub3A_313[%gather3A_321] in [0] : vector<16xi32>, vector<16xi32> -> vector<16xi32>
    %sub3A_323 = arith.constant 0 : i32
    %sub3A_324 = vector.broadcast %sub3A_323 : i32 to vector<16xi32>
    %sub3A_325 = arith.subi %iota3A, %sub3A_324 : vector<16xi32>
    %max3A_326 = arith.constant 0 : i32
    %max3A_327 = vector.broadcast %max3A_326 : i32 to vector<16xi32>
    %max3A_328 = arith.maxsi %sub3A_325, %max3A_327 : vector<16xi32>
    %min3A_329 = arith.constant 1 : i32
    %min3A_330 = vector.broadcast %min3A_329 : i32 to vector<16xi32>
    %min3A_331 = arith.minsi %max3A_328, %min3A_330 : vector<16xi32>
    %mul3A_332 = arith.muli %gather3A_322, %min3A_331 : vector<16xi32>
    %add3A_333 = arith.addi %sub3A_313, %mul3A_332 : vector<16xi32>
    %sub3A_334 = arith.constant 2 : i32
    %sub3A_335 = vector.broadcast %sub3A_334 : i32 to vector<16xi32>
    %sub3A_336 = arith.subi %iota3A, %sub3A_335 : vector<16xi32>
    %max3A_337 = arith.constant 0 : i32
    %max3A_338 = vector.broadcast %max3A_337 : i32 to vector<16xi32>
    %max3A_339 = arith.maxsi %sub3A_336, %max3A_338 : vector<16xi32>
    %broadcast_in_dim3A_340 = vector.shape_cast %max3A_339 : vector<16xi32> to vector<16x1xi32>
    %gather3A_341 = vector.shape_cast %broadcast_in_dim3A_340 : vector<16x1xi32> to vector<16xi32>
    %gather3A_342 = tpu.dynamic_gather %add3A_333[%gather3A_341] in [0] : vector<16xi32>, vector<16xi32> -> vector<16xi32>
    %sub3A_343 = arith.constant 1 : i32
    %sub3A_344 = vector.broadcast %sub3A_343 : i32 to vector<16xi32>
    %sub3A_345 = arith.subi %iota3A, %sub3A_344 : vector<16xi32>
    %max3A_346 = arith.constant 0 : i32
    %max3A_347 = vector.broadcast %max3A_346 : i32 to vector<16xi32>
    %max3A_348 = arith.maxsi %sub3A_345, %max3A_347 : vector<16xi32>
    %min3A_349 = arith.constant 1 : i32
    %min3A_350 = vector.broadcast %min3A_349 : i32 to vector<16xi32>
    %min3A_351 = arith.minsi %max3A_348, %min3A_350 : vector<16xi32>
    %mul3A_352 = arith.muli %gather3A_342, %min3A_351 : vector<16xi32>
    %add3A_353 = arith.addi %add3A_333, %mul3A_352 : vector<16xi32>
    %sub3A_354 = arith.constant 4 : i32
    %sub3A_355 = vector.broadcast %sub3A_354 : i32 to vector<16xi32>
    %sub3A_356 = arith.subi %iota3A, %sub3A_355 : vector<16xi32>
    %max3A_357 = arith.constant 0 : i32
    %max3A_358 = vector.broadcast %max3A_357 : i32 to vector<16xi32>
    %max3A_359 = arith.maxsi %sub3A_356, %max3A_358 : vector<16xi32>
    %broadcast_in_dim3A_360 = vector.shape_cast %max3A_359 : vector<16xi32> to vector<16x1xi32>
    %gather3A_361 = vector.shape_cast %broadcast_in_dim3A_360 : vector<16x1xi32> to vector<16xi32>
    %gather3A_362 = tpu.dynamic_gather %add3A_353[%gather3A_361] in [0] : vector<16xi32>, vector<16xi32> -> vector<16xi32>
    %sub3A_363 = arith.constant 3 : i32
    %sub3A_364 = vector.broadcast %sub3A_363 : i32 to vector<16xi32>
    %sub3A_365 = arith.subi %iota3A, %sub3A_364 : vector<16xi32>
    %max3A_366 = arith.constant 0 : i32
    %max3A_367 = vector.broadcast %max3A_366 : i32 to vector<16xi32>
    %max3A_368 = arith.maxsi %sub3A_365, %max3A_367 : vector<16xi32>
    %min3A_369 = arith.constant 1 : i32
    %min3A_370 = vector.broadcast %min3A_369 : i32 to vector<16xi32>
    %min3A_371 = arith.minsi %max3A_368, %min3A_370 : vector<16xi32>
    %mul3A_372 = arith.muli %gather3A_362, %min3A_371 : vector<16xi32>
    %add3A_373 = arith.addi %add3A_353, %mul3A_372 : vector<16xi32>
    %sub3A_374 = arith.constant 8 : i32
    %sub3A_375 = vector.broadcast %sub3A_374 : i32 to vector<16xi32>
    %sub3A_376 = arith.subi %iota3A, %sub3A_375 : vector<16xi32>
    %max3A_377 = arith.constant 0 : i32
    %max3A_378 = vector.broadcast %max3A_377 : i32 to vector<16xi32>
    %max3A_379 = arith.maxsi %sub3A_376, %max3A_378 : vector<16xi32>
    %broadcast_in_dim3A_380 = vector.shape_cast %max3A_379 : vector<16xi32> to vector<16x1xi32>
    %gather3A_381 = vector.shape_cast %broadcast_in_dim3A_380 : vector<16x1xi32> to vector<16xi32>
    %gather3A_382 = tpu.dynamic_gather %add3A_373[%gather3A_381] in [0] : vector<16xi32>, vector<16xi32> -> vector<16xi32>
    %sub3A_383 = arith.constant 7 : i32
    %sub3A_384 = vector.broadcast %sub3A_383 : i32 to vector<16xi32>
    %sub3A_385 = arith.subi %iota3A, %sub3A_384 : vector<16xi32>
    %max3A_386 = arith.constant 0 : i32
    %max3A_387 = vector.broadcast %max3A_386 : i32 to vector<16xi32>
    %max3A_388 = arith.maxsi %sub3A_385, %max3A_387 : vector<16xi32>
    %min3A_389 = arith.constant 1 : i32
    %min3A_390 = vector.broadcast %min3A_389 : i32 to vector<16xi32>
    %min3A_391 = arith.minsi %max3A_388, %min3A_390 : vector<16xi32>
    %mul3A_392 = arith.muli %gather3A_382, %min3A_391 : vector<16xi32>
    %add3A_393 = arith.addi %add3A_373, %mul3A_392 : vector<16xi32>
    %add3A_394 = arith.constant 16 : i32
    %add3A_395 = arith.addi %mul3A_32, %add3A_394 : i32
    %add3A_396 = vector.broadcast %add3A_395 : i32 to vector<16xi32>
    %add3A_397 = arith.addi %add3A_396, %iota3A : vector<16xi32>
    %sub3A_398 = arith.subi %add3A_397, %add3A_277 : vector<16xi32>
    %sub3A_399 = arith.subi %sub3A_398, %add3A_393 : vector<16xi32>
    %jit3A_400 = arith.constant 0 : i32
    %jit3A_401 = arith.constant 8191 : i32
    %max3A_402 = vector.broadcast %jit3A_400 : i32 to vector<16xi32>
    %max3A_403 = arith.maxsi %max3A_402, %sub3A_399 : vector<16xi32>
    %min3A_404 = vector.broadcast %jit3A_401 : i32 to vector<16xi32>
    %min3A_405 = arith.minsi %min3A_404, %max3A_403 : vector<16xi32>
    %swap3A_406 = arith.constant 1 : i32
    %swap3A_407 = arith.index_cast %swap3A_406 : i32 to index
    %swap3A_408 = arith.constant 0 : index
    %swap3A_409 = tpu.vector_load %arg6[%swap3A_407, %swap3A_408] {strides = array<i32>} : memref<64x16xi32, #tpu.memory_space<vmem>>, vector<1x16xi32>,
    %swap3A_410 = vector.shape_cast %swap3A_409 : vector<1x16xi32> to vector<16xi32>
    %swap3A_411 = vector.shape_cast %min3A_405 : vector<16xi32> to vector<1x16xi32>
    tpu.vector_store %arg6[%swap3A_407, %swap3A_408], %swap3A_411 {strides = array<i32>} : memref<64x16xi32, #tpu.memory_space<vmem>>, vector<1x16xi32>,
    %broadcast_in_dim3A_412 = arith.constant 15 : i32
    %broadcast_in_dim3A_413 = vector.broadcast %broadcast_in_dim3A_412 : i32 to vector<16xi32>
    %broadcast_in_dim3A_414 = vector.shape_cast %broadcast_in_dim3A_413 : vector<16xi32> to vector<16x1xi32>
    %gather3A_415 = vector.shape_cast %broadcast_in_dim3A_414 : vector<16x1xi32> to vector<16xi32>
    %gather3A_416 = tpu.dynamic_gather %add3A_393[%gather3A_415] in [0] : vector<16xi32>, vector<16xi32> -> vector<16xi32>
    %add3A_417 = arith.addi %add3A_277, %gather3A_416 : vector<16xi32>
    %dma_start3A_418 = arith.constant 1 : i32
    %dma_start3A_419 = arith.constant 1 : i32
    %dma_start3A_420 = arith.constant 0 : i32
    %dma_start3A_421 = arith.constant 0 : i32
    %dma_start3A_422 = tpu.memref_slice %arg7[%dma_start3A_419, %dma_start3A_420, %dma_start3A_421] : memref<7x16x1024xf32, #tpu.memory_space<vmem>> -> memref<1x16x1024xf32, #tpu.memory_space<vmem>>
    %dma_start3A_423 = tpu.memref_squeeze %dma_start3A_422 : memref<1x16x1024xf32, #tpu.memory_space<vmem>> -> memref<16x1024xf32, #tpu.memory_space<vmem>>
    %dma_start3A_424 = arith.constant 0 : i32
    %dma_start3A_425 = tpu.memref_slice %arg6[%dma_start3A_418, %dma_start3A_424] : memref<64x16xi32, #tpu.memory_space<vmem>> -> memref<1x16xi32, #tpu.memory_space<vmem>>
    %dma_start3A_426 = tpu.memref_squeeze %dma_start3A_425 : memref<1x16xi32, #tpu.memory_space<vmem>> -> memref<16xi32, #tpu.memory_space<vmem>>
    %dma_start3A_427 = arith.constant 0 : i32
    %dma_start3A_428 = arith.constant 0 : i32
    %dma_start3A_429 = tpu.memref_slice %arg3[%dma_start3A_427, %dma_start3A_428] : memref<8192x1024xf32, #tpu.memory_space<hbm>> -> memref<8192x1024xf32, #tpu.memory_space<hbm>>
    tpu.enqueue_indirect_dma source(%dma_start3A_429 : memref<8192x1024xf32, #tpu.memory_space<hbm>>) target(%dma_start3A_423 : memref<16x1024xf32, #tpu.memory_space<vmem>>) offsets(%dma_start3A_426 : memref<16xi32, #tpu.memory_space<vmem>>) semaphore(%arg9 : memref<!tpu.dma_semaphore, #tpu.memory_space<semaphore_mem>>)
    %add3A_430 = arith.constant 32 : i32
    %add3A_431 = arith.addi %mul3A_32, %add3A_430 : i32
    %get3A_432 = arith.index_cast %add3A_431 : i32 to index
    %get3A_433 = tpu.vector_load %arg5[%get3A_432] {strides = array<i32>} : memref<8192xi32, #tpu.memory_space<vmem>>, vector<16xi32>,
    %get3A_434 = vector.shape_cast %get3A_433 : vector<16xi32> to vector<16xi32>
    %sub3A_435 = arith.constant 50257 : i32
    %sub3A_436 = vector.broadcast %sub3A_435 : i32 to vector<16xi32>
    %sub3A_437 = arith.subi %get3A_434, %sub3A_436 : vector<16xi32>
    %abs3A_438 = math.absi %sub3A_437 : vector<16xi32>
    %sub3A_439 = arith.constant 50258 : i32
    %sub3A_440 = vector.broadcast %sub3A_439 : i32 to vector<16xi32>
    %sub3A_441 = arith.subi %get3A_434, %sub3A_440 : vector<16xi32>
    %abs3A_442 = math.absi %sub3A_441 : vector<16xi32>
    %sub3A_443 = arith.constant 50259 : i32
    %sub3A_444 = vector.broadcast %sub3A_443 : i32 to vector<16xi32>
    %sub3A_445 = arith.subi %get3A_434, %sub3A_444 : vector<16xi32>
    %abs3A_446 = math.absi %sub3A_445 : vector<16xi32>
    %min3A_447 = arith.minsi %abs3A_438, %abs3A_442 : vector<16xi32>
    %min3A_448 = arith.minsi %min3A_447, %abs3A_446 : vector<16xi32>
    %min3A_449 = arith.constant 1 : i32
    %min3A_450 = vector.broadcast %min3A_449 : i32 to vector<16xi32>
    %min3A_451 = arith.minsi %min3A_448, %min3A_450 : vector<16xi32>
    %sub3A_452 = arith.constant 1 : i32
    %sub3A_453 = vector.broadcast %sub3A_452 : i32 to vector<16xi32>
    %sub3A_454 = arith.subi %sub3A_453, %min3A_451 : vector<16xi32>
    %sub3A_455 = arith.constant 1 : i32
    %sub3A_456 = vector.broadcast %sub3A_455 : i32 to vector<16xi32>
    %sub3A_457 = arith.subi %iota3A, %sub3A_456 : vector<16xi32>
    %max3A_458 = arith.constant 0 : i32
    %max3A_459 = vector.broadcast %max3A_458 : i32 to vector<16xi32>
    %max3A_460 = arith.maxsi %sub3A_457, %max3A_459 : vector<16xi32>
    %broadcast_in_dim3A_461 = vector.shape_cast %max3A_460 : vector<16xi32> to vector<16x1xi32>
    %gather3A_462 = vector.shape_cast %broadcast_in_dim3A_461 : vector<16x1xi32> to vector<16xi32>
    %gather3A_463 = tpu.dynamic_gather %sub3A_454[%gather3A_462] in [0] : vector<16xi32>, vector<16xi32> -> vector<16xi32>
    %sub3A_464 = arith.constant 0 : i32
    %sub3A_465 = vector.broadcast %sub3A_464 : i32 to vector<16xi32>
    %sub3A_466 = arith.subi %iota3A, %sub3A_465 : vector<16xi32>
    %max3A_467 = arith.constant 0 : i32
    %max3A_468 = vector.broadcast %max3A_467 : i32 to vector<16xi32>
    %max3A_469 = arith.maxsi %sub3A_466, %max3A_468 : vector<16xi32>
    %min3A_470 = arith.constant 1 : i32
    %min3A_471 = vector.broadcast %min3A_470 : i32 to vector<16xi32>
    %min3A_472 = arith.minsi %max3A_469, %min3A_471 : vector<16xi32>
    %mul3A_473 = arith.muli %gather3A_463, %min3A_472 : vector<16xi32>
    %add3A_474 = arith.addi %sub3A_454, %mul3A_473 : vector<16xi32>
    %sub3A_475 = arith.constant 2 : i32
    %sub3A_476 = vector.broadcast %sub3A_475 : i32 to vector<16xi32>
    %sub3A_477 = arith.subi %iota3A, %sub3A_476 : vector<16xi32>
    %max3A_478 = arith.constant 0 : i32
    %max3A_479 = vector.broadcast %max3A_478 : i32 to vector<16xi32>
    %max3A_480 = arith.maxsi %sub3A_477, %max3A_479 : vector<16xi32>
    %broadcast_in_dim3A_481 = vector.shape_cast %max3A_480 : vector<16xi32> to vector<16x1xi32>
    %gather3A_482 = vector.shape_cast %broadcast_in_dim3A_481 : vector<16x1xi32> to vector<16xi32>
    %gather3A_483 = tpu.dynamic_gather %add3A_474[%gather3A_482] in [0] : vector<16xi32>, vector<16xi32> -> vector<16xi32>
    %sub3A_484 = arith.constant 1 : i32
    %sub3A_485 = vector.broadcast %sub3A_484 : i32 to vector<16xi32>
    %sub3A_486 = arith.subi %iota3A, %sub3A_485 : vector<16xi32>
    %max3A_487 = arith.constant 0 : i32
    %max3A_488 = vector.broadcast %max3A_487 : i32 to vector<16xi32>
    %max3A_489 = arith.maxsi %sub3A_486, %max3A_488 : vector<16xi32>
    %min3A_490 = arith.constant 1 : i32
    %min3A_491 = vector.broadcast %min3A_490 : i32 to vector<16xi32>
    %min3A_492 = arith.minsi %max3A_489, %min3A_491 : vector<16xi32>
    %mul3A_493 = arith.muli %gather3A_483, %min3A_492 : vector<16xi32>
    %add3A_494 = arith.addi %add3A_474, %mul3A_493 : vector<16xi32>
    %sub3A_495 = arith.constant 4 : i32
    %sub3A_496 = vector.broadcast %sub3A_495 : i32 to vector<16xi32>
    %sub3A_497 = arith.subi %iota3A, %sub3A_496 : vector<16xi32>
    %max3A_498 = arith.constant 0 : i32
    %max3A_499 = vector.broadcast %max3A_498 : i32 to vector<16xi32>
    %max3A_500 = arith.maxsi %sub3A_497, %max3A_499 : vector<16xi32>
    %broadcast_in_dim3A_501 = vector.shape_cast %max3A_500 : vector<16xi32> to vector<16x1xi32>
    %gather3A_502 = vector.shape_cast %broadcast_in_dim3A_501 : vector<16x1xi32> to vector<16xi32>
    %gather3A_503 = tpu.dynamic_gather %add3A_494[%gather3A_502] in [0] : vector<16xi32>, vector<16xi32> -> vector<16xi32>
    %sub3A_504 = arith.constant 3 : i32
    %sub3A_505 = vector.broadcast %sub3A_504 : i32 to vector<16xi32>
    %sub3A_506 = arith.subi %iota3A, %sub3A_505 : vector<16xi32>
    %max3A_507 = arith.constant 0 : i32
    %max3A_508 = vector.broadcast %max3A_507 : i32 to vector<16xi32>
    %max3A_509 = arith.maxsi %sub3A_506, %max3A_508 : vector<16xi32>
    %min3A_510 = arith.constant 1 : i32
    %min3A_511 = vector.broadcast %min3A_510 : i32 to vector<16xi32>
    %min3A_512 = arith.minsi %max3A_509, %min3A_511 : vector<16xi32>
    %mul3A_513 = arith.muli %gather3A_503, %min3A_512 : vector<16xi32>
    %add3A_514 = arith.addi %add3A_494, %mul3A_513 : vector<16xi32>
    %sub3A_515 = arith.constant 8 : i32
    %sub3A_516 = vector.broadcast %sub3A_515 : i32 to vector<16xi32>
    %sub3A_517 = arith.subi %iota3A, %sub3A_516 : vector<16xi32>
    %max3A_518 = arith.constant 0 : i32
    %max3A_519 = vector.broadcast %max3A_518 : i32 to vector<16xi32>
    %max3A_520 = arith.maxsi %sub3A_517, %max3A_519 : vector<16xi32>
    %broadcast_in_dim3A_521 = vector.shape_cast %max3A_520 : vector<16xi32> to vector<16x1xi32>
    %gather3A_522 = vector.shape_cast %broadcast_in_dim3A_521 : vector<16x1xi32> to vector<16xi32>
    %gather3A_523 = tpu.dynamic_gather %add3A_514[%gather3A_522] in [0] : vector<16xi32>, vector<16xi32> -> vector<16xi32>
    %sub3A_524 = arith.constant 7 : i32
    %sub3A_525 = vector.broadcast %sub3A_524 : i32 to vector<16xi32>
    %sub3A_526 = arith.subi %iota3A, %sub3A_525 : vector<16xi32>
    %max3A_527 = arith.constant 0 : i32
    %max3A_528 = vector.broadcast %max3A_527 : i32 to vector<16xi32>
    %max3A_529 = arith.maxsi %sub3A_526, %max3A_528 : vector<16xi32>
    %min3A_530 = arith.constant 1 : i32
    %min3A_531 = vector.broadcast %min3A_530 : i32 to vector<16xi32>
    %min3A_532 = arith.minsi %max3A_529, %min3A_531 : vector<16xi32>
    %mul3A_533 = arith.muli %gather3A_523, %min3A_532 : vector<16xi32>
    %add3A_534 = arith.addi %add3A_514, %mul3A_533 : vector<16xi32>
    %add3A_535 = arith.constant 32 : i32
    %add3A_536 = arith.addi %mul3A_32, %add3A_535 : i32
    %add3A_537 = vector.broadcast %add3A_536 : i32 to vector<16xi32>
    %add3A_538 = arith.addi %add3A_537, %iota3A : vector<16xi32>
    %sub3A_539 = arith.subi %add3A_538, %add3A_417 : vector<16xi32>
    %sub3A_540 = arith.subi %sub3A_539, %add3A_534 : vector<16xi32>
    %jit3A_541 = arith.constant 0 : i32
    %jit3A_542 = arith.constant 8191 : i32
    %max3A_543 = vector.broadcast %jit3A_541 : i32 to vector<16xi32>
    %max3A_544 = arith.maxsi %max3A_543, %sub3A_540 : vector<16xi32>
    %min3A_545 = vector.broadcast %jit3A_542 : i32 to vector<16xi32>
    %min3A_546 = arith.minsi %min3A_545, %max3A_544 : vector<16xi32>
    %swap3A_547 = arith.constant 2 : i32
    %swap3A_548 = arith.index_cast %swap3A_547 : i32 to index
    %swap3A_549 = arith.constant 0 : index
    %swap3A_550 = tpu.vector_load %arg6[%swap3A_548, %swap3A_549] {strides = array<i32>} : memref<64x16xi32, #tpu.memory_space<vmem>>, vector<1x16xi32>,
    %swap3A_551 = vector.shape_cast %swap3A_550 : vector<1x16xi32> to vector<16xi32>
    %swap3A_552 = vector.shape_cast %min3A_546 : vector<16xi32> to vector<1x16xi32>
    tpu.vector_store %arg6[%swap3A_548, %swap3A_549], %swap3A_552 {strides = array<i32>} : memref<64x16xi32, #tpu.memory_space<vmem>>, vector<1x16xi32>,
    %broadcast_in_dim3A_553 = arith.constant 15 : i32
    %broadcast_in_dim3A_554 = vector.broadcast %broadcast_in_dim3A_553 : i32 to vector<16xi32>
    %broadcast_in_dim3A_555 = vector.shape_cast %broadcast_in_dim3A_554 : vector<16xi32> to vector<16x1xi32>
    %gather3A_556 = vector.shape_cast %broadcast_in_dim3A_555 : vector<16x1xi32> to vector<16xi32>
    %gather3A_557 = tpu.dynamic_gather %add3A_534[%gather3A_556] in [0] : vector<16xi32>, vector<16xi32> -> vector<16xi32>
    %add3A_558 = arith.addi %add3A_417, %gather3A_557 : vector<16xi32>
    %dma_start3A_559 = arith.constant 2 : i32
    %dma_start3A_560 = arith.constant 2 : i32
    %dma_start3A_561 = arith.constant 0 : i32
    %dma_start3A_562 = arith.constant 0 : i32
    %dma_start3A_563 = tpu.memref_slice %arg7[%dma_start3A_560, %dma_start3A_561, %dma_start3A_562] : memref<7x16x1024xf32, #tpu.memory_space<vmem>> -> memref<1x16x1024xf32, #tpu.memory_space<vmem>>
    %dma_start3A_564 = tpu.memref_squeeze %dma_start3A_563 : memref<1x16x1024xf32, #tpu.memory_space<vmem>> -> memref<16x1024xf32, #tpu.memory_space<vmem>>
    %dma_start3A_565 = arith.constant 0 : i32
    %dma_start3A_566 = tpu.memref_slice %arg6[%dma_start3A_559, %dma_start3A_565] : memref<64x16xi32, #tpu.memory_space<vmem>> -> memref<1x16xi32, #tpu.memory_space<vmem>>
    %dma_start3A_567 = tpu.memref_squeeze %dma_start3A_566 : memref<1x16xi32, #tpu.memory_space<vmem>> -> memref<16xi32, #tpu.memory_space<vmem>>
    %dma_start3A_568 = arith.constant 0 : i32
    %dma_start3A_569 = arith.constant 0 : i32
    %dma_start3A_570 = tpu.memref_slice %arg3[%dma_start3A_568, %dma_start3A_569] : memref<8192x1024xf32, #tpu.memory_space<hbm>> -> memref<8192x1024xf32, #tpu.memory_space<hbm>>
    tpu.enqueue_indirect_dma source(%dma_start3A_570 : memref<8192x1024xf32, #tpu.memory_space<hbm>>) target(%dma_start3A_564 : memref<16x1024xf32, #tpu.memory_space<vmem>>) offsets(%dma_start3A_567 : memref<16xi32, #tpu.memory_space<vmem>>) semaphore(%arg10 : memref<!tpu.dma_semaphore, #tpu.memory_space<semaphore_mem>>)
    %add3A_571 = arith.constant 48 : i32
    %add3A_572 = arith.addi %mul3A_32, %add3A_571 : i32
    %get3A_573 = arith.index_cast %add3A_572 : i32 to index
    %get3A_574 = tpu.vector_load %arg5[%get3A_573] {strides = array<i32>} : memref<8192xi32, #tpu.memory_space<vmem>>, vector<16xi32>,
    %get3A_575 = vector.shape_cast %get3A_574 : vector<16xi32> to vector<16xi32>
    %sub3A_576 = arith.constant 50257 : i32
    %sub3A_577 = vector.broadcast %sub3A_576 : i32 to vector<16xi32>
    %sub3A_578 = arith.subi %get3A_575, %sub3A_577 : vector<16xi32>
    %abs3A_579 = math.absi %sub3A_578 : vector<16xi32>
    %sub3A_580 = arith.constant 50258 : i32
    %sub3A_581 = vector.broadcast %sub3A_580 : i32 to vector<16xi32>
    %sub3A_582 = arith.subi %get3A_575, %sub3A_581 : vector<16xi32>
    %abs3A_583 = math.absi %sub3A_582 : vector<16xi32>
    %sub3A_584 = arith.constant 50259 : i32
    %sub3A_585 = vector.broadcast %sub3A_584 : i32 to vector<16xi32>
    %sub3A_586 = arith.subi %get3A_575, %sub3A_585 : vector<16xi32>
    %abs3A_587 = math.absi %sub3A_586 : vector<16xi32>
    %min3A_588 = arith.minsi %abs3A_579, %abs3A_583 : vector<16xi32>
    %min3A_589 = arith.minsi %min3A_588, %abs3A_587 : vector<16xi32>
    %min3A_590 = arith.constant 1 : i32
    %min3A_591 = vector.broadcast %min3A_590 : i32 to vector<16xi32>
    %min3A_592 = arith.minsi %min3A_589, %min3A_591 : vector<16xi32>
    %sub3A_593 = arith.constant 1 : i32
    %sub3A_594 = vector.broadcast %sub3A_593 : i32 to vector<16xi32>
    %sub3A_595 = arith.subi %sub3A_594, %min3A_592 : vector<16xi32>
    %sub3A_596 = arith.constant 1 : i32
    %sub3A_597 = vector.broadcast %sub3A_596 : i32 to vector<16xi32>
    %sub3A_598 = arith.subi %iota3A, %sub3A_597 : vector<16xi32>
    %max3A_599 = arith.constant 0 : i32
    %max3A_600 = vector.broadcast %max3A_599 : i32 to vector<16xi32>
    %max3A_601 = arith.maxsi %sub3A_598, %max3A_600 : vector<16xi32>
    %broadcast_in_dim3A_602 = vector.shape_cast %max3A_601 : vector<16xi32> to vector<16x1xi32>
    %gather3A_603 = vector.shape_cast %broadcast_in_dim3A_602 : vector<16x1xi32> to vector<16xi32>
    %gather3A_604 = tpu.dynamic_gather %sub3A_595[%gather3A_603] in [0] : vector<16xi32>, vector<16xi32> -> vector<16xi32>
    %sub3A_605 = arith.constant 0 : i32
    %sub3A_606 = vector.broadcast %sub3A_605 : i32 to vector<16xi32>
    %sub3A_607 = arith.subi %iota3A, %sub3A_606 : vector<16xi32>
    %max3A_608 = arith.constant 0 : i32
    %max3A_609 = vector.broadcast %max3A_608 : i32 to vector<16xi32>
    %max3A_610 = arith.maxsi %sub3A_607, %max3A_609 : vector<16xi32>
    %min3A_611 = arith.constant 1 : i32
    %min3A_612 = vector.broadcast %min3A_611 : i32 to vector<16xi32>
    %min3A_613 = arith.minsi %max3A_610, %min3A_612 : vector<16xi32>
    %mul3A_614 = arith.muli %gather3A_604, %min3A_613 : vector<16xi32>
    %add3A_615 = arith.addi %sub3A_595, %mul3A_614 : vector<16xi32>
    %sub3A_616 = arith.constant 2 : i32
    %sub3A_617 = vector.broadcast %sub3A_616 : i32 to vector<16xi32>
    %sub3A_618 = arith.subi %iota3A, %sub3A_617 : vector<16xi32>
    %max3A_619 = arith.constant 0 : i32
    %max3A_620 = vector.broadcast %max3A_619 : i32 to vector<16xi32>
    %max3A_621 = arith.maxsi %sub3A_618, %max3A_620 : vector<16xi32>
    %broadcast_in_dim3A_622 = vector.shape_cast %max3A_621 : vector<16xi32> to vector<16x1xi32>
    %gather3A_623 = vector.shape_cast %broadcast_in_dim3A_622 : vector<16x1xi32> to vector<16xi32>
    %gather3A_624 = tpu.dynamic_gather %add3A_615[%gather3A_623] in [0] : vector<16xi32>, vector<16xi32> -> vector<16xi32>
    %sub3A_625 = arith.constant 1 : i32
    %sub3A_626 = vector.broadcast %sub3A_625 : i32 to vector<16xi32>
    %sub3A_627 = arith.subi %iota3A, %sub3A_626 : vector<16xi32>
    %max3A_628 = arith.constant 0 : i32
    %max3A_629 = vector.broadcast %max3A_628 : i32 to vector<16xi32>
    %max3A_630 = arith.maxsi %sub3A_627, %max3A_629 : vector<16xi32>
    %min3A_631 = arith.constant 1 : i32
    %min3A_632 = vector.broadcast %min3A_631 : i32 to vector<16xi32>
    %min3A_633 = arith.minsi %max3A_630, %min3A_632 : vector<16xi32>
    %mul3A_634 = arith.muli %gather3A_624, %min3A_633 : vector<16xi32>
    %add3A_635 = arith.addi %add3A_615, %mul3A_634 : vector<16xi32>
    %sub3A_636 = arith.constant 4 : i32
    %sub3A_637 = vector.broadcast %sub3A_636 : i32 to vector<16xi32>
    %sub3A_638 = arith.subi %iota3A, %sub3A_637 : vector<16xi32>
    %max3A_639 = arith.constant 0 : i32
    %max3A_640 = vector.broadcast %max3A_639 : i32 to vector<16xi32>
    %max3A_641 = arith.maxsi %sub3A_638, %max3A_640 : vector<16xi32>
    %broadcast_in_dim3A_642 = vector.shape_cast %max3A_641 : vector<16xi32> to vector<16x1xi32>
    %gather3A_643 = vector.shape_cast %broadcast_in_dim3A_642 : vector<16x1xi32> to vector<16xi32>
    %gather3A_644 = tpu.dynamic_gather %add3A_635[%gather3A_643] in [0] : vector<16xi32>, vector<16xi32> -> vector<16xi32>
    %sub3A_645 = arith.constant 3 : i32
    %sub3A_646 = vector.broadcast %sub3A_645 : i32 to vector<16xi32>
    %sub3A_647 = arith.subi %iota3A, %sub3A_646 : vector<16xi32>
    %max3A_648 = arith.constant 0 : i32
    %max3A_649 = vector.broadcast %max3A_648 : i32 to vector<16xi32>
    %max3A_650 = arith.maxsi %sub3A_647, %max3A_649 : vector<16xi32>
    %min3A_651 = arith.constant 1 : i32
    %min3A_652 = vector.broadcast %min3A_651 : i32 to vector<16xi32>
    %min3A_653 = arith.minsi %max3A_650, %min3A_652 : vector<16xi32>
    %mul3A_654 = arith.muli %gather3A_644, %min3A_653 : vector<16xi32>
    %add3A_655 = arith.addi %add3A_635, %mul3A_654 : vector<16xi32>
    %sub3A_656 = arith.constant 8 : i32
    %sub3A_657 = vector.broadcast %sub3A_656 : i32 to vector<16xi32>
    %sub3A_658 = arith.subi %iota3A, %sub3A_657 : vector<16xi32>
    %max3A_659 = arith.constant 0 : i32
    %max3A_660 = vector.broadcast %max3A_659 : i32 to vector<16xi32>
    %max3A_661 = arith.maxsi %sub3A_658, %max3A_660 : vector<16xi32>
    %broadcast_in_dim3A_662 = vector.shape_cast %max3A_661 : vector<16xi32> to vector<16x1xi32>
    %gather3A_663 = vector.shape_cast %broadcast_in_dim3A_662 : vector<16x1xi32> to vector<16xi32>
    %gather3A_664 = tpu.dynamic_gather %add3A_655[%gather3A_663] in [0] : vector<16xi32>, vector<16xi32> -> vector<16xi32>
    %sub3A_665 = arith.constant 7 : i32
    %sub3A_666 = vector.broadcast %sub3A_665 : i32 to vector<16xi32>
    %sub3A_667 = arith.subi %iota3A, %sub3A_666 : vector<16xi32>
    %max3A_668 = arith.constant 0 : i32
    %max3A_669 = vector.broadcast %max3A_668 : i32 to vector<16xi32>
    %max3A_670 = arith.maxsi %sub3A_667, %max3A_669 : vector<16xi32>
    %min3A_671 = arith.constant 1 : i32
    %min3A_672 = vector.broadcast %min3A_671 : i32 to vector<16xi32>
    %min3A_673 = arith.minsi %max3A_670, %min3A_672 : vector<16xi32>
    %mul3A_674 = arith.muli %gather3A_664, %min3A_673 : vector<16xi32>
    %add3A_675 = arith.addi %add3A_655, %mul3A_674 : vector<16xi32>
    %add3A_676 = arith.constant 48 : i32
    %add3A_677 = arith.addi %mul3A_32, %add3A_676 : i32
    %add3A_678 = vector.broadcast %add3A_677 : i32 to vector<16xi32>
    %add3A_679 = arith.addi %add3A_678, %iota3A : vector<16xi32>
    %sub3A_680 = arith.subi %add3A_679, %add3A_558 : vector<16xi32>
    %sub3A_681 = arith.subi %sub3A_680, %add3A_675 : vector<16xi32>
    %jit3A_682 = arith.constant 0 : i32
    %jit3A_683 = arith.constant 8191 : i32
    %max3A_684 = vector.broadcast %jit3A_682 : i32 to vector<16xi32>
    %max3A_685 = arith.maxsi %max3A_684, %sub3A_681 : vector<16xi32>
    %min3A_686 = vector.broadcast %jit3A_683 : i32 to vector<16xi32>
    %min3A_687 = arith.minsi %min3A_686, %max3A_685 : vector<16xi32>
    %swap3A_688 = arith.constant 3 : i32
    %swap3A_689 = arith.index_cast %swap3A_688 : i32 to index
    %swap3A_690 = arith.constant 0 : index
    %swap3A_691 = tpu.vector_load %arg6[%swap3A_689, %swap3A_690] {strides = array<i32>} : memref<64x16xi32, #tpu.memory_space<vmem>>, vector<1x16xi32>,
    %swap3A_692 = vector.shape_cast %swap3A_691 : vector<1x16xi32> to vector<16xi32>
    %swap3A_693 = vector.shape_cast %min3A_687 : vector<16xi32> to vector<1x16xi32>
    tpu.vector_store %arg6[%swap3A_689, %swap3A_690], %swap3A_693 {strides = array<i32>} : memref<64x16xi32, #tpu.memory_space<vmem>>, vector<1x16xi32>,
    %broadcast_in_dim3A_694 = arith.constant 15 : i32
    %broadcast_in_dim3A_695 = vector.broadcast %broadcast_in_dim3A_694 : i32 to vector<16xi32>
    %broadcast_in_dim3A_696 = vector.shape_cast %broadcast_in_dim3A_695 : vector<16xi32> to vector<16x1xi32>
    %gather3A_697 = vector.shape_cast %broadcast_in_dim3A_696 : vector<16x1xi32> to vector<16xi32>
    %gather3A_698 = tpu.dynamic_gather %add3A_675[%gather3A_697] in [0] : vector<16xi32>, vector<16xi32> -> vector<16xi32>
    %add3A_699 = arith.addi %add3A_558, %gather3A_698 : vector<16xi32>
    %dma_start3A_700 = arith.constant 3 : i32
    %dma_start3A_701 = arith.constant 3 : i32
    %dma_start3A_702 = arith.constant 0 : i32
    %dma_start3A_703 = arith.constant 0 : i32
    %dma_start3A_704 = tpu.memref_slice %arg7[%dma_start3A_701, %dma_start3A_702, %dma_start3A_703] : memref<7x16x1024xf32, #tpu.memory_space<vmem>> -> memref<1x16x1024xf32, #tpu.memory_space<vmem>>
    %dma_start3A_705 = tpu.memref_squeeze %dma_start3A_704 : memref<1x16x1024xf32, #tpu.memory_space<vmem>> -> memref<16x1024xf32, #tpu.memory_space<vmem>>
    %dma_start3A_706 = arith.constant 0 : i32
    %dma_start3A_707 = tpu.memref_slice %arg6[%dma_start3A_700, %dma_start3A_706] : memref<64x16xi32, #tpu.memory_space<vmem>> -> memref<1x16xi32, #tpu.memory_space<vmem>>
    %dma_start3A_708 = tpu.memref_squeeze %dma_start3A_707 : memref<1x16xi32, #tpu.memory_space<vmem>> -> memref<16xi32, #tpu.memory_space<vmem>>
    %dma_start3A_709 = arith.constant 0 : i32
    %dma_start3A_710 = arith.constant 0 : i32
    %dma_start3A_711 = tpu.memref_slice %arg3[%dma_start3A_709, %dma_start3A_710] : memref<8192x1024xf32, #tpu.memory_space<hbm>> -> memref<8192x1024xf32, #tpu.memory_space<hbm>>
    tpu.enqueue_indirect_dma source(%dma_start3A_711 : memref<8192x1024xf32, #tpu.memory_space<hbm>>) target(%dma_start3A_705 : memref<16x1024xf32, #tpu.memory_space<vmem>>) offsets(%dma_start3A_708 : memref<16xi32, #tpu.memory_space<vmem>>) semaphore(%arg11 : memref<!tpu.dma_semaphore, #tpu.memory_space<semaphore_mem>>)
    %add3A_712 = arith.constant 64 : i32
    %add3A_713 = arith.addi %mul3A_32, %add3A_712 : i32
    %get3A_714 = arith.index_cast %add3A_713 : i32 to index
    %get3A_715 = tpu.vector_load %arg5[%get3A_714] {strides = array<i32>} : memref<8192xi32, #tpu.memory_space<vmem>>, vector<16xi32>,
    %get3A_716 = vector.shape_cast %get3A_715 : vector<16xi32> to vector<16xi32>
    %sub3A_717 = arith.constant 50257 : i32
    %sub3A_718 = vector.broadcast %sub3A_717 : i32 to vector<16xi32>
    %sub3A_719 = arith.subi %get3A_716, %sub3A_718 : vector<16xi32>
    %abs3A_720 = math.absi %sub3A_719 : vector<16xi32>
    %sub3A_721 = arith.constant 50258 : i32
    %sub3A_722 = vector.broadcast %sub3A_721 : i32 to vector<16xi32>
    %sub3A_723 = arith.subi %get3A_716, %sub3A_722 : vector<16xi32>
    %abs3A_724 = math.absi %sub3A_723 : vector<16xi32>
    %sub3A_725 = arith.constant 50259 : i32
    %sub3A_726 = vector.broadcast %sub3A_725 : i32 to vector<16xi32>
    %sub3A_727 = arith.subi %get3A_716, %sub3A_726 : vector<16xi32>
    %abs3A_728 = math.absi %sub3A_727 : vector<16xi32>
    %min3A_729 = arith.minsi %abs3A_720, %abs3A_724 : vector<16xi32>
    %min3A_730 = arith.minsi %min3A_729, %abs3A_728 : vector<16xi32>
    %min3A_731 = arith.constant 1 : i32
    %min3A_732 = vector.broadcast %min3A_731 : i32 to vector<16xi32>
    %min3A_733 = arith.minsi %min3A_730, %min3A_732 : vector<16xi32>
    %sub3A_734 = arith.constant 1 : i32
    %sub3A_735 = vector.broadcast %sub3A_734 : i32 to vector<16xi32>
    %sub3A_736 = arith.subi %sub3A_735, %min3A_733 : vector<16xi32>
    %sub3A_737 = arith.constant 1 : i32
    %sub3A_738 = vector.broadcast %sub3A_737 : i32 to vector<16xi32>
    %sub3A_739 = arith.subi %iota3A, %sub3A_738 : vector<16xi32>
    %max3A_740 = arith.constant 0 : i32
    %max3A_741 = vector.broadcast %max3A_740 : i32 to vector<16xi32>
    %max3A_742 = arith.maxsi %sub3A_739, %max3A_741 : vector<16xi32>
    %broadcast_in_dim3A_743 = vector.shape_cast %max3A_742 : vector<16xi32> to vector<16x1xi32>
    %gather3A_744 = vector.shape_cast %broadcast_in_dim3A_743 : vector<16x1xi32> to vector<16xi32>
    %gather3A_745 = tpu.dynamic_gather %sub3A_736[%gather3A_744] in [0] : vector<16xi32>, vector<16xi32> -> vector<16xi32>
    %sub3A_746 = arith.constant 0 : i32
    %sub3A_747 = vector.broadcast %sub3A_746 : i32 to vector<16xi32>
    %sub3A_748 = arith.subi %iota3A, %sub3A_747 : vector<16xi32>
    %max3A_749 = arith.constant 0 : i32
    %max3A_750 = vector.broadcast %max3A_749 : i32 to vector<16xi32>
    %max3A_751 = arith.maxsi %sub3A_748, %max3A_750 : vector<16xi32>
    %min3A_752 = arith.constant 1 : i32
    %min3A_753 = vector.broadcast %min3A_752 : i32 to vector<16xi32>
    %min3A_754 = arith.minsi %max3A_751, %min3A_753 : vector<16xi32>
    %mul3A_755 = arith.muli %gather3A_745, %min3A_754 : vector<16xi32>
    %add3A_756 = arith.addi %sub3A_736, %mul3A_755 : vector<16xi32>
    %sub3A_757 = arith.constant 2 : i32
    %sub3A_758 = vector.broadcast %sub3A_757 : i32 to vector<16xi32>
    %sub3A_759 = arith.subi %iota3A, %sub3A_758 : vector<16xi32>
    %max3A_760 = arith.constant 0 : i32
    %max3A_761 = vector.broadcast %max3A_760 : i32 to vector<16xi32>
    %max3A_762 = arith.maxsi %sub3A_759, %max3A_761 : vector<16xi32>
    %broadcast_in_dim3A_763 = vector.shape_cast %max3A_762 : vector<16xi32> to vector<16x1xi32>
    %gather3A_764 = vector.shape_cast %broadcast_in_dim3A_763 : vector<16x1xi32> to vector<16xi32>
    %gather3A_765 = tpu.dynamic_gather %add3A_756[%gather3A_764] in [0] : vector<16xi32>, vector<16xi32> -> vector<16xi32>
    %sub3A_766 = arith.constant 1 : i32
    %sub3A_767 = vector.broadcast %sub3A_766 : i32 to vector<16xi32>
    %sub3A_768 = arith.subi %iota3A, %sub3A_767 : vector<16xi32>
    %max3A_769 = arith.constant 0 : i32
    %max3A_770 = vector.broadcast %max3A_769 : i32 to vector<16xi32>
    %max3A_771 = arith.maxsi %sub3A_768, %max3A_770 : vector<16xi32>
    %min3A_772 = arith.constant 1 : i32
    %min3A_773 = vector.broadcast %min3A_772 : i32 to vector<16xi32>
    %min3A_774 = arith.minsi %max3A_771, %min3A_773 : vector<16xi32>
    %mul3A_775 = arith.muli %gather3A_765, %min3A_774 : vector<16xi32>
    %add3A_776 = arith.addi %add3A_756, %mul3A_775 : vector<16xi32>
    %sub3A_777 = arith.constant 4 : i32
    %sub3A_778 = vector.broadcast %sub3A_777 : i32 to vector<16xi32>
    %sub3A_779 = arith.subi %iota3A, %sub3A_778 : vector<16xi32>
    %max3A_780 = arith.constant 0 : i32
    %max3A_781 = vector.broadcast %max3A_780 : i32 to vector<16xi32>
    %max3A_782 = arith.maxsi %sub3A_779, %max3A_781 : vector<16xi32>
    %broadcast_in_dim3A_783 = vector.shape_cast %max3A_782 : vector<16xi32> to vector<16x1xi32>
    %gather3A_784 = vector.shape_cast %broadcast_in_dim3A_783 : vector<16x1xi32> to vector<16xi32>
    %gather3A_785 = tpu.dynamic_gather %add3A_776[%gather3A_784] in [0] : vector<16xi32>, vector<16xi32> -> vector<16xi32>
    %sub3A_786 = arith.constant 3 : i32
    %sub3A_787 = vector.broadcast %sub3A_786 : i32 to vector<16xi32>
    %sub3A_788 = arith.subi %iota3A, %sub3A_787 : vector<16xi32>
    %max3A_789 = arith.constant 0 : i32
    %max3A_790 = vector.broadcast %max3A_789 : i32 to vector<16xi32>
    %max3A_791 = arith.maxsi %sub3A_788, %max3A_790 : vector<16xi32>
    %min3A_792 = arith.constant 1 : i32
    %min3A_793 = vector.broadcast %min3A_792 : i32 to vector<16xi32>
    %min3A_794 = arith.minsi %max3A_791, %min3A_793 : vector<16xi32>
    %mul3A_795 = arith.muli %gather3A_785, %min3A_794 : vector<16xi32>
    %add3A_796 = arith.addi %add3A_776, %mul3A_795 : vector<16xi32>
    %sub3A_797 = arith.constant 8 : i32
    %sub3A_798 = vector.broadcast %sub3A_797 : i32 to vector<16xi32>
    %sub3A_799 = arith.subi %iota3A, %sub3A_798 : vector<16xi32>
    %max3A_800 = arith.constant 0 : i32
    %max3A_801 = vector.broadcast %max3A_800 : i32 to vector<16xi32>
    %max3A_802 = arith.maxsi %sub3A_799, %max3A_801 : vector<16xi32>
    %broadcast_in_dim3A_803 = vector.shape_cast %max3A_802 : vector<16xi32> to vector<16x1xi32>
    %gather3A_804 = vector.shape_cast %broadcast_in_dim3A_803 : vector<16x1xi32> to vector<16xi32>
    %gather3A_805 = tpu.dynamic_gather %add3A_796[%gather3A_804] in [0] : vector<16xi32>, vector<16xi32> -> vector<16xi32>
    %sub3A_806 = arith.constant 7 : i32
    %sub3A_807 = vector.broadcast %sub3A_806 : i32 to vector<16xi32>
    %sub3A_808 = arith.subi %iota3A, %sub3A_807 : vector<16xi32>
    %max3A_809 = arith.constant 0 : i32
    %max3A_810 = vector.broadcast %max3A_809 : i32 to vector<16xi32>
    %max3A_811 = arith.maxsi %sub3A_808, %max3A_810 : vector<16xi32>
    %min3A_812 = arith.constant 1 : i32
    %min3A_813 = vector.broadcast %min3A_812 : i32 to vector<16xi32>
    %min3A_814 = arith.minsi %max3A_811, %min3A_813 : vector<16xi32>
    %mul3A_815 = arith.muli %gather3A_805, %min3A_814 : vector<16xi32>
    %add3A_816 = arith.addi %add3A_796, %mul3A_815 : vector<16xi32>
    %add3A_817 = arith.constant 64 : i32
    %add3A_818 = arith.addi %mul3A_32, %add3A_817 : i32
    %add3A_819 = vector.broadcast %add3A_818 : i32 to vector<16xi32>
    %add3A_820 = arith.addi %add3A_819, %iota3A : vector<16xi32>
    %sub3A_821 = arith.subi %add3A_820, %add3A_699 : vector<16xi32>
    %sub3A_822 = arith.subi %sub3A_821, %add3A_816 : vector<16xi32>
    %jit3A_823 = arith.constant 0 : i32
    %jit3A_824 = arith.constant 8191 : i32
    %max3A_825 = vector.broadcast %jit3A_823 : i32 to vector<16xi32>
    %max3A_826 = arith.maxsi %max3A_825, %sub3A_822 : vector<16xi32>
    %min3A_827 = vector.broadcast %jit3A_824 : i32 to vector<16xi32>
    %min3A_828 = arith.minsi %min3A_827, %max3A_826 : vector<16xi32>
    %swap3A_829 = arith.constant 4 : i32
    %swap3A_830 = arith.index_cast %swap3A_829 : i32 to index
    %swap3A_831 = arith.constant 0 : index
    %swap3A_832 = tpu.vector_load %arg6[%swap3A_830, %swap3A_831] {strides = array<i32>} : memref<64x16xi32, #tpu.memory_space<vmem>>, vector<1x16xi32>,
    %swap3A_833 = vector.shape_cast %swap3A_832 : vector<1x16xi32> to vector<16xi32>
    %swap3A_834 = vector.shape_cast %min3A_828 : vector<16xi32> to vector<1x16xi32>
    tpu.vector_store %arg6[%swap3A_830, %swap3A_831], %swap3A_834 {strides = array<i32>} : memref<64x16xi32, #tpu.memory_space<vmem>>, vector<1x16xi32>,
    %broadcast_in_dim3A_835 = arith.constant 15 : i32
    %broadcast_in_dim3A_836 = vector.broadcast %broadcast_in_dim3A_835 : i32 to vector<16xi32>
    %broadcast_in_dim3A_837 = vector.shape_cast %broadcast_in_dim3A_836 : vector<16xi32> to vector<16x1xi32>
    %gather3A_838 = vector.shape_cast %broadcast_in_dim3A_837 : vector<16x1xi32> to vector<16xi32>
    %gather3A_839 = tpu.dynamic_gather %add3A_816[%gather3A_838] in [0] : vector<16xi32>, vector<16xi32> -> vector<16xi32>
    %add3A_840 = arith.addi %add3A_699, %gather3A_839 : vector<16xi32>
    %dma_start3A_841 = arith.constant 4 : i32
    %dma_start3A_842 = arith.constant 4 : i32
    %dma_start3A_843 = arith.constant 0 : i32
    %dma_start3A_844 = arith.constant 0 : i32
    %dma_start3A_845 = tpu.memref_slice %arg7[%dma_start3A_842, %dma_start3A_843, %dma_start3A_844] : memref<7x16x1024xf32, #tpu.memory_space<vmem>> -> memref<1x16x1024xf32, #tpu.memory_space<vmem>>
    %dma_start3A_846 = tpu.memref_squeeze %dma_start3A_845 : memref<1x16x1024xf32, #tpu.memory_space<vmem>> -> memref<16x1024xf32, #tpu.memory_space<vmem>>
    %dma_start3A_847 = arith.constant 0 : i32
    %dma_start3A_848 = tpu.memref_slice %arg6[%dma_start3A_841, %dma_start3A_847] : memref<64x16xi32, #tpu.memory_space<vmem>> -> memref<1x16xi32, #tpu.memory_space<vmem>>
    %dma_start3A_849 = tpu.memref_squeeze %dma_start3A_848 : memref<1x16xi32, #tpu.memory_space<vmem>> -> memref<16xi32, #tpu.memory_space<vmem>>
    %dma_start3A_850 = arith.constant 0 : i32
    %dma_start3A_851 = arith.constant 0 : i32
    %dma_start3A_852 = tpu.memref_slice %arg3[%dma_start3A_850, %dma_start3A_851] : memref<8192x1024xf32, #tpu.memory_space<hbm>> -> memref<8192x1024xf32, #tpu.memory_space<hbm>>
    tpu.enqueue_indirect_dma source(%dma_start3A_852 : memref<8192x1024xf32, #tpu.memory_space<hbm>>) target(%dma_start3A_846 : memref<16x1024xf32, #tpu.memory_space<vmem>>) offsets(%dma_start3A_849 : memref<16xi32, #tpu.memory_space<vmem>>) semaphore(%arg12 : memref<!tpu.dma_semaphore, #tpu.memory_space<semaphore_mem>>)
    %add3A_853 = arith.constant 80 : i32
    %add3A_854 = arith.addi %mul3A_32, %add3A_853 : i32
    %get3A_855 = arith.index_cast %add3A_854 : i32 to index
    %get3A_856 = tpu.vector_load %arg5[%get3A_855] {strides = array<i32>} : memref<8192xi32, #tpu.memory_space<vmem>>, vector<16xi32>,
    %get3A_857 = vector.shape_cast %get3A_856 : vector<16xi32> to vector<16xi32>
    %sub3A_858 = arith.constant 50257 : i32
    %sub3A_859 = vector.broadcast %sub3A_858 : i32 to vector<16xi32>
    %sub3A_860 = arith.subi %get3A_857, %sub3A_859 : vector<16xi32>
    %abs3A_861 = math.absi %sub3A_860 : vector<16xi32>
    %sub3A_862 = arith.constant 50258 : i32
    %sub3A_863 = vector.broadcast %sub3A_862 : i32 to vector<16xi32>
    %sub3A_864 = arith.subi %get3A_857, %sub3A_863 : vector<16xi32>
    %abs3A_865 = math.absi %sub3A_864 : vector<16xi32>
    %sub3A_866 = arith.constant 50259 : i32
    %sub3A_867 = vector.broadcast %sub3A_866 : i32 to vector<16xi32>
    %sub3A_868 = arith.subi %get3A_857, %sub3A_867 : vector<16xi32>
    %abs3A_869 = math.absi %sub3A_868 : vector<16xi32>
    %min3A_870 = arith.minsi %abs3A_861, %abs3A_865 : vector<16xi32>
    %min3A_871 = arith.minsi %min3A_870, %abs3A_869 : vector<16xi32>
    %min3A_872 = arith.constant 1 : i32
    %min3A_873 = vector.broadcast %min3A_872 : i32 to vector<16xi32>
    %min3A_874 = arith.minsi %min3A_871, %min3A_873 : vector<16xi32>
    %sub3A_875 = arith.constant 1 : i32
    %sub3A_876 = vector.broadcast %sub3A_875 : i32 to vector<16xi32>
    %sub3A_877 = arith.subi %sub3A_876, %min3A_874 : vector<16xi32>
    %sub3A_878 = arith.constant 1 : i32
    %sub3A_879 = vector.broadcast %sub3A_878 : i32 to vector<16xi32>
    %sub3A_880 = arith.subi %iota3A, %sub3A_879 : vector<16xi32>
    %max3A_881 = arith.constant 0 : i32
    %max3A_882 = vector.broadcast %max3A_881 : i32 to vector<16xi32>
    %max3A_883 = arith.maxsi %sub3A_880, %max3A_882 : vector<16xi32>
    %broadcast_in_dim3A_884 = vector.shape_cast %max3A_883 : vector<16xi32> to vector<16x1xi32>
    %gather3A_885 = vector.shape_cast %broadcast_in_dim3A_884 : vector<16x1xi32> to vector<16xi32>
    %gather3A_886 = tpu.dynamic_gather %sub3A_877[%gather3A_885] in [0] : vector<16xi32>, vector<16xi32> -> vector<16xi32>
    %sub3A_887 = arith.constant 0 : i32
    %sub3A_888 = vector.broadcast %sub3A_887 : i32 to vector<16xi32>
    %sub3A_889 = arith.subi %iota3A, %sub3A_888 : vector<16xi32>
    %max3A_890 = arith.constant 0 : i32
    %max3A_891 = vector.broadcast %max3A_890 : i32 to vector<16xi32>
    %max3A_892 = arith.maxsi %sub3A_889, %max3A_891 : vector<16xi32>
    %min3A_893 = arith.constant 1 : i32
    %min3A_894 = vector.broadcast %min3A_893 : i32 to vector<16xi32>
    %min3A_895 = arith.minsi %max3A_892, %min3A_894 : vector<16xi32>
    %mul3A_896 = arith.muli %gather3A_886, %min3A_895 : vector<16xi32>
    %add3A_897 = arith.addi %sub3A_877, %mul3A_896 : vector<16xi32>
    %sub3A_898 = arith.constant 2 : i32
    %sub3A_899 = vector.broadcast %sub3A_898 : i32 to vector<16xi32>
    %sub3A_900 = arith.subi %iota3A, %sub3A_899 : vector<16xi32>
    %max3A_901 = arith.constant 0 : i32
    %max3A_902 = vector.broadcast %max3A_901 : i32 to vector<16xi32>
    %max3A_903 = arith.maxsi %sub3A_900, %max3A_902 : vector<16xi32>
    %broadcast_in_dim3A_904 = vector.shape_cast %max3A_903 : vector<16xi32> to vector<16x1xi32>
    %gather3A_905 = vector.shape_cast %broadcast_in_dim3A_904 : vector<16x1xi32> to vector<16xi32>
    %gather3A_906 = tpu.dynamic_gather %add3A_897[%gather3A_905] in [0] : vector<16xi32>, vector<16xi32> -> vector<16xi32>
    %sub3A_907 = arith.constant 1 : i32
    %sub3A_908 = vector.broadcast %sub3A_907 : i32 to vector<16xi32>
    %sub3A_909 = arith.subi %iota3A, %sub3A_908 : vector<16xi32>
    %max3A_910 = arith.constant 0 : i32
    %max3A_911 = vector.broadcast %max3A_910 : i32 to vector<16xi32>
    %max3A_912 = arith.maxsi %sub3A_909, %max3A_911 : vector<16xi32>
    %min3A_913 = arith.constant 1 : i32
    %min3A_914 = vector.broadcast %min3A_913 : i32 to vector<16xi32>
    %min3A_915 = arith.minsi %max3A_912, %min3A_914 : vector<16xi32>
    %mul3A_916 = arith.muli %gather3A_906, %min3A_915 : vector<16xi32>
    %add3A_917 = arith.addi %add3A_897, %mul3A_916 : vector<16xi32>
    %sub3A_918 = arith.constant 4 : i32
    %sub3A_919 = vector.broadcast %sub3A_918 : i32 to vector<16xi32>
    %sub3A_920 = arith.subi %iota3A, %sub3A_919 : vector<16xi32>
    %max3A_921 = arith.constant 0 : i32
    %max3A_922 = vector.broadcast %max3A_921 : i32 to vector<16xi32>
    %max3A_923 = arith.maxsi %sub3A_920, %max3A_922 : vector<16xi32>
    %broadcast_in_dim3A_924 = vector.shape_cast %max3A_923 : vector<16xi32> to vector<16x1xi32>
    %gather3A_925 = vector.shape_cast %broadcast_in_dim3A_924 : vector<16x1xi32> to vector<16xi32>
    %gather3A_926 = tpu.dynamic_gather %add3A_917[%gather3A_925] in [0] : vector<16xi32>, vector<16xi32> -> vector<16xi32>
    %sub3A_927 = arith.constant 3 : i32
    %sub3A_928 = vector.broadcast %sub3A_927 : i32 to vector<16xi32>
    %sub3A_929 = arith.subi %iota3A, %sub3A_928 : vector<16xi32>
    %max3A_930 = arith.constant 0 : i32
    %max3A_931 = vector.broadcast %max3A_930 : i32 to vector<16xi32>
    %max3A_932 = arith.maxsi %sub3A_929, %max3A_931 : vector<16xi32>
    %min3A_933 = arith.constant 1 : i32
    %min3A_934 = vector.broadcast %min3A_933 : i32 to vector<16xi32>
    %min3A_935 = arith.minsi %max3A_932, %min3A_934 : vector<16xi32>
    %mul3A_936 = arith.muli %gather3A_926, %min3A_935 : vector<16xi32>
    %add3A_937 = arith.addi %add3A_917, %mul3A_936 : vector<16xi32>
    %sub3A_938 = arith.constant 8 : i32
    %sub3A_939 = vector.broadcast %sub3A_938 : i32 to vector<16xi32>
    %sub3A_940 = arith.subi %iota3A, %sub3A_939 : vector<16xi32>
    %max3A_941 = arith.constant 0 : i32
    %max3A_942 = vector.broadcast %max3A_941 : i32 to vector<16xi32>
    %max3A_943 = arith.maxsi %sub3A_940, %max3A_942 : vector<16xi32>
    %broadcast_in_dim3A_944 = vector.shape_cast %max3A_943 : vector<16xi32> to vector<16x1xi32>
    %gather3A_945 = vector.shape_cast %broadcast_in_dim3A_944 : vector<16x1xi32> to vector<16xi32>
    %gather3A_946 = tpu.dynamic_gather %add3A_937[%gather3A_945] in [0] : vector<16xi32>, vector<16xi32> -> vector<16xi32>
    %sub3A_947 = arith.constant 7 : i32
    %sub3A_948 = vector.broadcast %sub3A_947 : i32 to vector<16xi32>
    %sub3A_949 = arith.subi %iota3A, %sub3A_948 : vector<16xi32>
    %max3A_950 = arith.constant 0 : i32
    %max3A_951 = vector.broadcast %max3A_950 : i32 to vector<16xi32>
    %max3A_952 = arith.maxsi %sub3A_949, %max3A_951 : vector<16xi32>
    %min3A_953 = arith.constant 1 : i32
    %min3A_954 = vector.broadcast %min3A_953 : i32 to vector<16xi32>
    %min3A_955 = arith.minsi %max3A_952, %min3A_954 : vector<16xi32>
    %mul3A_956 = arith.muli %gather3A_946, %min3A_955 : vector<16xi32>
    %add3A_957 = arith.addi %add3A_937, %mul3A_956 : vector<16xi32>
    %add3A_958 = arith.constant 80 : i32
    %add3A_959 = arith.addi %mul3A_32, %add3A_958 : i32
    %add3A_960 = vector.broadcast %add3A_959 : i32 to vector<16xi32>
    %add3A_961 = arith.addi %add3A_960, %iota3A : vector<16xi32>
    %sub3A_962 = arith.subi %add3A_961, %add3A_840 : vector<16xi32>
    %sub3A_963 = arith.subi %sub3A_962, %add3A_957 : vector<16xi32>
    %jit3A_964 = arith.constant 0 : i32
    %jit3A_965 = arith.constant 8191 : i32
    %max3A_966 = vector.broadcast %jit3A_964 : i32 to vector<16xi32>
    %max3A_967 = arith.maxsi %max3A_966, %sub3A_963 : vector<16xi32>
    %min3A_968 = vector.broadcast %jit3A_965 : i32 to vector<16xi32>
    %min3A_969 = arith.minsi %min3A_968, %max3A_967 : vector<16xi32>
    %swap3A_970 = arith.constant 5 : i32
    %swap3A_971 = arith.index_cast %swap3A_970 : i32 to index
    %swap3A_972 = arith.constant 0 : index
    %swap3A_973 = tpu.vector_load %arg6[%swap3A_971, %swap3A_972] {strides = array<i32>} : memref<64x16xi32, #tpu.memory_space<vmem>>, vector<1x16xi32>,
    %swap3A_974 = vector.shape_cast %swap3A_973 : vector<1x16xi32> to vector<16xi32>
    %swap3A_975 = vector.shape_cast %min3A_969 : vector<16xi32> to vector<1x16xi32>
    tpu.vector_store %arg6[%swap3A_971, %swap3A_972], %swap3A_975 {strides = array<i32>} : memref<64x16xi32, #tpu.memory_space<vmem>>, vector<1x16xi32>,
    %broadcast_in_dim3A_976 = arith.constant 15 : i32
    %broadcast_in_dim3A_977 = vector.broadcast %broadcast_in_dim3A_976 : i32 to vector<16xi32>
    %broadcast_in_dim3A_978 = vector.shape_cast %broadcast_in_dim3A_977 : vector<16xi32> to vector<16x1xi32>
    %gather3A_979 = vector.shape_cast %broadcast_in_dim3A_978 : vector<16x1xi32> to vector<16xi32>
    %gather3A_980 = tpu.dynamic_gather %add3A_957[%gather3A_979] in [0] : vector<16xi32>, vector<16xi32> -> vector<16xi32>
    %add3A_981 = arith.addi %add3A_840, %gather3A_980 : vector<16xi32>
    %dma_start3A_982 = arith.constant 5 : i32
    %dma_start3A_983 = arith.constant 5 : i32
    %dma_start3A_984 = arith.constant 0 : i32
    %dma_start3A_985 = arith.constant 0 : i32
    %dma_start3A_986 = tpu.memref_slice %arg7[%dma_start3A_983, %dma_start3A_984, %dma_start3A_985] : memref<7x16x1024xf32, #tpu.memory_space<vmem>> -> memref<1x16x1024xf32, #tpu.memory_space<vmem>>
    %dma_start3A_987 = tpu.memref_squeeze %dma_start3A_986 : memref<1x16x1024xf32, #tpu.memory_space<vmem>> -> memref<16x1024xf32, #tpu.memory_space<vmem>>
    %dma_start3A_988 = arith.constant 0 : i32
    %dma_start3A_989 = tpu.memref_slice %arg6[%dma_start3A_982, %dma_start3A_988] : memref<64x16xi32, #tpu.memory_space<vmem>> -> memref<1x16xi32, #tpu.memory_space<vmem>>
    %dma_start3A_990 = tpu.memref_squeeze %dma_start3A_989 : memref<1x16xi32, #tpu.memory_space<vmem>> -> memref<16xi32, #tpu.memory_space<vmem>>
    %dma_start3A_991 = arith.constant 0 : i32
    %dma_start3A_992 = arith.constant 0 : i32
    %dma_start3A_993 = tpu.memref_slice %arg3[%dma_start3A_991, %dma_start3A_992] : memref<8192x1024xf32, #tpu.memory_space<hbm>> -> memref<8192x1024xf32, #tpu.memory_space<hbm>>
    tpu.enqueue_indirect_dma source(%dma_start3A_993 : memref<8192x1024xf32, #tpu.memory_space<hbm>>) target(%dma_start3A_987 : memref<16x1024xf32, #tpu.memory_space<vmem>>) offsets(%dma_start3A_990 : memref<16xi32, #tpu.memory_space<vmem>>) semaphore(%arg13 : memref<!tpu.dma_semaphore, #tpu.memory_space<semaphore_mem>>)
    %add3A_994 = arith.constant 96 : i32
    %add3A_995 = arith.addi %mul3A_32, %add3A_994 : i32
    %get3A_996 = arith.index_cast %add3A_995 : i32 to index
    %get3A_997 = tpu.vector_load %arg5[%get3A_996] {strides = array<i32>} : memref<8192xi32, #tpu.memory_space<vmem>>, vector<16xi32>,
    %get3A_998 = vector.shape_cast %get3A_997 : vector<16xi32> to vector<16xi32>
    %sub3A_999 = arith.constant 50257 : i32
    %sub3A_1000 = vector.broadcast %sub3A_999 : i32 to vector<16xi32>
    %sub3A_1001 = arith.subi %get3A_998, %sub3A_1000 : vector<16xi32>
    %abs3A_1002 = math.absi %sub3A_1001 : vector<16xi32>
    %sub3A_1003 = arith.constant 50258 : i32
    %sub3A_1004 = vector.broadcast %sub3A_1003 : i32 to vector<16xi32>
    %sub3A_1005 = arith.subi %get3A_998, %sub3A_1004 : vector<16xi32>
    %abs3A_1006 = math.absi %sub3A_1005 : vector<16xi32>
    %sub3A_1007 = arith.constant 50259 : i32
    %sub3A_1008 = vector.broadcast %sub3A_1007 : i32 to vector<16xi32>
    %sub3A_1009 = arith.subi %get3A_998, %sub3A_1008 : vector<16xi32>
    %abs3A_1010 = math.absi %sub3A_1009 : vector<16xi32>
    %min3A_1011 = arith.minsi %abs3A_1002, %abs3A_1006 : vector<16xi32>
    %min3A_1012 = arith.minsi %min3A_1011, %abs3A_1010 : vector<16xi32>
    %min3A_1013 = arith.constant 1 : i32
    %min3A_1014 = vector.broadcast %min3A_1013 : i32 to vector<16xi32>
    %min3A_1015 = arith.minsi %min3A_1012, %min3A_1014 : vector<16xi32>
    %sub3A_1016 = arith.constant 1 : i32
    %sub3A_1017 = vector.broadcast %sub3A_1016 : i32 to vector<16xi32>
    %sub3A_1018 = arith.subi %sub3A_1017, %min3A_1015 : vector<16xi32>
    %sub3A_1019 = arith.constant 1 : i32
    %sub3A_1020 = vector.broadcast %sub3A_1019 : i32 to vector<16xi32>
    %sub3A_1021 = arith.subi %iota3A, %sub3A_1020 : vector<16xi32>
    %max3A_1022 = arith.constant 0 : i32
    %max3A_1023 = vector.broadcast %max3A_1022 : i32 to vector<16xi32>
    %max3A_1024 = arith.maxsi %sub3A_1021, %max3A_1023 : vector<16xi32>
    %broadcast_in_dim3A_1025 = vector.shape_cast %max3A_1024 : vector<16xi32> to vector<16x1xi32>
    %gather3A_1026 = vector.shape_cast %broadcast_in_dim3A_1025 : vector<16x1xi32> to vector<16xi32>
    %gather3A_1027 = tpu.dynamic_gather %sub3A_1018[%gather3A_1026] in [0] : vector<16xi32>, vector<16xi32> -> vector<16xi32>
    %sub3A_1028 = arith.constant 0 : i32
    %sub3A_1029 = vector.broadcast %sub3A_1028 : i32 to vector<16xi32>
    %sub3A_1030 = arith.subi %iota3A, %sub3A_1029 : vector<16xi32>
    %max3A_1031 = arith.constant 0 : i32
    %max3A_1032 = vector.broadcast %max3A_1031 : i32 to vector<16xi32>
    %max3A_1033 = arith.maxsi %sub3A_1030, %max3A_1032 : vector<16xi32>
    %min3A_1034 = arith.constant 1 : i32
    %min3A_1035 = vector.broadcast %min3A_1034 : i32 to vector<16xi32>
    %min3A_1036 = arith.minsi %max3A_1033, %min3A_1035 : vector<16xi32>
    %mul3A_1037 = arith.muli %gather3A_1027, %min3A_1036 : vector<16xi32>
    %add3A_1038 = arith.addi %sub3A_1018, %mul3A_1037 : vector<16xi32>
    %sub3A_1039 = arith.constant 2 : i32
    %sub3A_1040 = vector.broadcast %sub3A_1039 : i32 to vector<16xi32>
    %sub3A_1041 = arith.subi %iota3A, %sub3A_1040 : vector<16xi32>
    %max3A_1042 = arith.constant 0 : i32
    %max3A_1043 = vector.broadcast %max3A_1042 : i32 to vector<16xi32>
    %max3A_1044 = arith.maxsi %sub3A_1041, %max3A_1043 : vector<16xi32>
    %broadcast_in_dim3A_1045 = vector.shape_cast %max3A_1044 : vector<16xi32> to vector<16x1xi32>
    %gather3A_1046 = vector.shape_cast %broadcast_in_dim3A_1045 : vector<16x1xi32> to vector<16xi32>
    %gather3A_1047 = tpu.dynamic_gather %add3A_1038[%gather3A_1046] in [0] : vector<16xi32>, vector<16xi32> -> vector<16xi32>
    %sub3A_1048 = arith.constant 1 : i32
    %sub3A_1049 = vector.broadcast %sub3A_1048 : i32 to vector<16xi32>
    %sub3A_1050 = arith.subi %iota3A, %sub3A_1049 : vector<16xi32>
    %max3A_1051 = arith.constant 0 : i32
    %max3A_1052 = vector.broadcast %max3A_1051 : i32 to vector<16xi32>
    %max3A_1053 = arith.maxsi %sub3A_1050, %max3A_1052 : vector<16xi32>
    %min3A_1054 = arith.constant 1 : i32
    %min3A_1055 = vector.broadcast %min3A_1054 : i32 to vector<16xi32>
    %min3A_1056 = arith.minsi %max3A_1053, %min3A_1055 : vector<16xi32>
    %mul3A_1057 = arith.muli %gather3A_1047, %min3A_1056 : vector<16xi32>
    %add3A_1058 = arith.addi %add3A_1038, %mul3A_1057 : vector<16xi32>
    %sub3A_1059 = arith.constant 4 : i32
    %sub3A_1060 = vector.broadcast %sub3A_1059 : i32 to vector<16xi32>
    %sub3A_1061 = arith.subi %iota3A, %sub3A_1060 : vector<16xi32>
    %max3A_1062 = arith.constant 0 : i32
    %max3A_1063 = vector.broadcast %max3A_1062 : i32 to vector<16xi32>
    %max3A_1064 = arith.maxsi %sub3A_1061, %max3A_1063 : vector<16xi32>
    %broadcast_in_dim3A_1065 = vector.shape_cast %max3A_1064 : vector<16xi32> to vector<16x1xi32>
    %gather3A_1066 = vector.shape_cast %broadcast_in_dim3A_1065 : vector<16x1xi32> to vector<16xi32>
    %gather3A_1067 = tpu.dynamic_gather %add3A_1058[%gather3A_1066] in [0] : vector<16xi32>, vector<16xi32> -> vector<16xi32>
    %sub3A_1068 = arith.constant 3 : i32
    %sub3A_1069 = vector.broadcast %sub3A_1068 : i32 to vector<16xi32>
    %sub3A_1070 = arith.subi %iota3A, %sub3A_1069 : vector<16xi32>
    %max3A_1071 = arith.constant 0 : i32
    %max3A_1072 = vector.broadcast %max3A_1071 : i32 to vector<16xi32>
    %max3A_1073 = arith.maxsi %sub3A_1070, %max3A_1072 : vector<16xi32>
    %min3A_1074 = arith.constant 1 : i32
    %min3A_1075 = vector.broadcast %min3A_1074 : i32 to vector<16xi32>
    %min3A_1076 = arith.minsi %max3A_1073, %min3A_1075 : vector<16xi32>
    %mul3A_1077 = arith.muli %gather3A_1067, %min3A_1076 : vector<16xi32>
    %add3A_1078 = arith.addi %add3A_1058, %mul3A_1077 : vector<16xi32>
    %sub3A_1079 = arith.constant 8 : i32
    %sub3A_1080 = vector.broadcast %sub3A_1079 : i32 to vector<16xi32>
    %sub3A_1081 = arith.subi %iota3A, %sub3A_1080 : vector<16xi32>
    %max3A_1082 = arith.constant 0 : i32
    %max3A_1083 = vector.broadcast %max3A_1082 : i32 to vector<16xi32>
    %max3A_1084 = arith.maxsi %sub3A_1081, %max3A_1083 : vector<16xi32>
    %broadcast_in_dim3A_1085 = vector.shape_cast %max3A_1084 : vector<16xi32> to vector<16x1xi32>
    %gather3A_1086 = vector.shape_cast %broadcast_in_dim3A_1085 : vector<16x1xi32> to vector<16xi32>
    %gather3A_1087 = tpu.dynamic_gather %add3A_1078[%gather3A_1086] in [0] : vector<16xi32>, vector<16xi32> -> vector<16xi32>
    %sub3A_1088 = arith.constant 7 : i32
    %sub3A_1089 = vector.broadcast %sub3A_1088 : i32 to vector<16xi32>
    %sub3A_1090 = arith.subi %iota3A, %sub3A_1089 : vector<16xi32>
    %max3A_1091 = arith.constant 0 : i32
    %max3A_1092 = vector.broadcast %max3A_1091 : i32 to vector<16xi32>
    %max3A_1093 = arith.maxsi %sub3A_1090, %max3A_1092 : vector<16xi32>
    %min3A_1094 = arith.constant 1 : i32
    %min3A_1095 = vector.broadcast %min3A_1094 : i32 to vector<16xi32>
    %min3A_1096 = arith.minsi %max3A_1093, %min3A_1095 : vector<16xi32>
    %mul3A_1097 = arith.muli %gather3A_1087, %min3A_1096 : vector<16xi32>
    %add3A_1098 = arith.addi %add3A_1078, %mul3A_1097 : vector<16xi32>
    %add3A_1099 = arith.constant 96 : i32
    %add3A_1100 = arith.addi %mul3A_32, %add3A_1099 : i32
    %add3A_1101 = vector.broadcast %add3A_1100 : i32 to vector<16xi32>
    %add3A_1102 = arith.addi %add3A_1101, %iota3A : vector<16xi32>
    %sub3A_1103 = arith.subi %add3A_1102, %add3A_981 : vector<16xi32>
    %sub3A_1104 = arith.subi %sub3A_1103, %add3A_1098 : vector<16xi32>
    %jit3A_1105 = arith.constant 0 : i32
    %jit3A_1106 = arith.constant 8191 : i32
    %max3A_1107 = vector.broadcast %jit3A_1105 : i32 to vector<16xi32>
    %max3A_1108 = arith.maxsi %max3A_1107, %sub3A_1104 : vector<16xi32>
    %min3A_1109 = vector.broadcast %jit3A_1106 : i32 to vector<16xi32>
    %min3A_1110 = arith.minsi %min3A_1109, %max3A_1108 : vector<16xi32>
    %swap3A_1111 = arith.constant 6 : i32
    %swap3A_1112 = arith.index_cast %swap3A_1111 : i32 to index
    %swap3A_1113 = arith.constant 0 : index
    %swap3A_1114 = tpu.vector_load %arg6[%swap3A_1112, %swap3A_1113] {strides = array<i32>} : memref<64x16xi32, #tpu.memory_space<vmem>>, vector<1x16xi32>,
    %swap3A_1115 = vector.shape_cast %swap3A_1114 : vector<1x16xi32> to vector<16xi32>
    %swap3A_1116 = vector.shape_cast %min3A_1110 : vector<16xi32> to vector<1x16xi32>
    tpu.vector_store %arg6[%swap3A_1112, %swap3A_1113], %swap3A_1116 {strides = array<i32>} : memref<64x16xi32, #tpu.memory_space<vmem>>, vector<1x16xi32>,
    %broadcast_in_dim3A_1117 = arith.constant 15 : i32
    %broadcast_in_dim3A_1118 = vector.broadcast %broadcast_in_dim3A_1117 : i32 to vector<16xi32>
    %broadcast_in_dim3A_1119 = vector.shape_cast %broadcast_in_dim3A_1118 : vector<16xi32> to vector<16x1xi32>
    %gather3A_1120 = vector.shape_cast %broadcast_in_dim3A_1119 : vector<16x1xi32> to vector<16xi32>
    %gather3A_1121 = tpu.dynamic_gather %add3A_1098[%gather3A_1120] in [0] : vector<16xi32>, vector<16xi32> -> vector<16xi32>
    %add3A_1122 = arith.addi %add3A_981, %gather3A_1121 : vector<16xi32>
    %dma_start3A_1123 = arith.constant 6 : i32
    %dma_start3A_1124 = arith.constant 6 : i32
    %dma_start3A_1125 = arith.constant 0 : i32
    %dma_start3A_1126 = arith.constant 0 : i32
    %dma_start3A_1127 = tpu.memref_slice %arg7[%dma_start3A_1124, %dma_start3A_1125, %dma_start3A_1126] : memref<7x16x1024xf32, #tpu.memory_space<vmem>> -> memref<1x16x1024xf32, #tpu.memory_space<vmem>>
    %dma_start3A_1128 = tpu.memref_squeeze %dma_start3A_1127 : memref<1x16x1024xf32, #tpu.memory_space<vmem>> -> memref<16x1024xf32, #tpu.memory_space<vmem>>
    %dma_start3A_1129 = arith.constant 0 : i32
    %dma_start3A_1130 = tpu.memref_slice %arg6[%dma_start3A_1123, %dma_start3A_1129] : memref<64x16xi32, #tpu.memory_space<vmem>> -> memref<1x16xi32, #tpu.memory_space<vmem>>
    %dma_start3A_1131 = tpu.memref_squeeze %dma_start3A_1130 : memref<1x16xi32, #tpu.memory_space<vmem>> -> memref<16xi32, #tpu.memory_space<vmem>>
    %dma_start3A_1132 = arith.constant 0 : i32
    %dma_start3A_1133 = arith.constant 0 : i32
    %dma_start3A_1134 = tpu.memref_slice %arg3[%dma_start3A_1132, %dma_start3A_1133] : memref<8192x1024xf32, #tpu.memory_space<hbm>> -> memref<8192x1024xf32, #tpu.memory_space<hbm>>
    tpu.enqueue_indirect_dma source(%dma_start3A_1134 : memref<8192x1024xf32, #tpu.memory_space<hbm>>) target(%dma_start3A_1128 : memref<16x1024xf32, #tpu.memory_space<vmem>>) offsets(%dma_start3A_1131 : memref<16xi32, #tpu.memory_space<vmem>>) semaphore(%arg14 : memref<!tpu.dma_semaphore, #tpu.memory_space<semaphore_mem>>)
    %scan3A = arith.constant 7 : i32
    %scan3A_1135 = arith.constant 57 : i32
    %scan3A_1136 = arith.addi %scan3A, %scan3A_1135 : i32
    %scan3A_1137 = arith.constant 1 : i32
    %scan3A_1138 = scf.for %scan3A_1237 = %scan3A to %scan3A_1136 step %scan3A_1137 iter_args(%scan3A_1238 = %add3A_1122) -> (vector<16xi32>)  : i32 {
      %mul3A_1239 = arith.constant 16 : i32
      %mul3A_1240 = arith.muli %scan3A_1237, %mul3A_1239 : i32
      %add3A_1241 = arith.addi %mul3A_32, %mul3A_1240 : i32
      %get3A_1242 = arith.index_cast %add3A_1241 : i32 to index
      %get3A_1243 = tpu.vector_load %arg5[%get3A_1242] {strides = array<i32>} : memref<8192xi32, #tpu.memory_space<vmem>>, vector<16xi32>,
      %get3A_1244 = vector.shape_cast %get3A_1243 : vector<16xi32> to vector<16xi32>
      %sub3A_1245 = arith.constant 50257 : i32
      %sub3A_1246 = vector.broadcast %sub3A_1245 : i32 to vector<16xi32>
      %sub3A_1247 = arith.subi %get3A_1244, %sub3A_1246 : vector<16xi32>
      %abs3A_1248 = math.absi %sub3A_1247 : vector<16xi32>
      %sub3A_1249 = arith.constant 50258 : i32
      %sub3A_1250 = vector.broadcast %sub3A_1249 : i32 to vector<16xi32>
      %sub3A_1251 = arith.subi %get3A_1244, %sub3A_1250 : vector<16xi32>
      %abs3A_1252 = math.absi %sub3A_1251 : vector<16xi32>
      %sub3A_1253 = arith.constant 50259 : i32
      %sub3A_1254 = vector.broadcast %sub3A_1253 : i32 to vector<16xi32>
      %sub3A_1255 = arith.subi %get3A_1244, %sub3A_1254 : vector<16xi32>
      %abs3A_1256 = math.absi %sub3A_1255 : vector<16xi32>
      %min3A_1257 = arith.minsi %abs3A_1248, %abs3A_1252 : vector<16xi32>
      %min3A_1258 = arith.minsi %min3A_1257, %abs3A_1256 : vector<16xi32>
      %min3A_1259 = arith.constant 1 : i32
      %min3A_1260 = vector.broadcast %min3A_1259 : i32 to vector<16xi32>
      %min3A_1261 = arith.minsi %min3A_1258, %min3A_1260 : vector<16xi32>
      %sub3A_1262 = arith.constant 1 : i32
      %sub3A_1263 = vector.broadcast %sub3A_1262 : i32 to vector<16xi32>
      %sub3A_1264 = arith.subi %sub3A_1263, %min3A_1261 : vector<16xi32>
      %sub3A_1265 = arith.constant 1 : i32
      %sub3A_1266 = vector.broadcast %sub3A_1265 : i32 to vector<16xi32>
      %sub3A_1267 = arith.subi %iota3A, %sub3A_1266 : vector<16xi32>
      %max3A_1268 = arith.constant 0 : i32
      %max3A_1269 = vector.broadcast %max3A_1268 : i32 to vector<16xi32>
      %max3A_1270 = arith.maxsi %sub3A_1267, %max3A_1269 : vector<16xi32>
      %broadcast_in_dim3A_1271 = vector.shape_cast %max3A_1270 : vector<16xi32> to vector<16x1xi32>
      %gather3A_1272 = vector.shape_cast %broadcast_in_dim3A_1271 : vector<16x1xi32> to vector<16xi32>
      %gather3A_1273 = tpu.dynamic_gather %sub3A_1264[%gather3A_1272] in [0] : vector<16xi32>, vector<16xi32> -> vector<16xi32>
      %sub3A_1274 = arith.constant 0 : i32
      %sub3A_1275 = vector.broadcast %sub3A_1274 : i32 to vector<16xi32>
      %sub3A_1276 = arith.subi %iota3A, %sub3A_1275 : vector<16xi32>
      %max3A_1277 = arith.constant 0 : i32
      %max3A_1278 = vector.broadcast %max3A_1277 : i32 to vector<16xi32>
      %max3A_1279 = arith.maxsi %sub3A_1276, %max3A_1278 : vector<16xi32>
      %min3A_1280 = arith.constant 1 : i32
      %min3A_1281 = vector.broadcast %min3A_1280 : i32 to vector<16xi32>
      %min3A_1282 = arith.minsi %max3A_1279, %min3A_1281 : vector<16xi32>
      %mul3A_1283 = arith.muli %gather3A_1273, %min3A_1282 : vector<16xi32>
      %add3A_1284 = arith.addi %sub3A_1264, %mul3A_1283 : vector<16xi32>
      %sub3A_1285 = arith.constant 2 : i32
      %sub3A_1286 = vector.broadcast %sub3A_1285 : i32 to vector<16xi32>
      %sub3A_1287 = arith.subi %iota3A, %sub3A_1286 : vector<16xi32>
      %max3A_1288 = arith.constant 0 : i32
      %max3A_1289 = vector.broadcast %max3A_1288 : i32 to vector<16xi32>
      %max3A_1290 = arith.maxsi %sub3A_1287, %max3A_1289 : vector<16xi32>
      %broadcast_in_dim3A_1291 = vector.shape_cast %max3A_1290 : vector<16xi32> to vector<16x1xi32>
      %gather3A_1292 = vector.shape_cast %broadcast_in_dim3A_1291 : vector<16x1xi32> to vector<16xi32>
      %gather3A_1293 = tpu.dynamic_gather %add3A_1284[%gather3A_1292] in [0] : vector<16xi32>, vector<16xi32> -> vector<16xi32>
      %sub3A_1294 = arith.constant 1 : i32
      %sub3A_1295 = vector.broadcast %sub3A_1294 : i32 to vector<16xi32>
      %sub3A_1296 = arith.subi %iota3A, %sub3A_1295 : vector<16xi32>
      %max3A_1297 = arith.constant 0 : i32
      %max3A_1298 = vector.broadcast %max3A_1297 : i32 to vector<16xi32>
      %max3A_1299 = arith.maxsi %sub3A_1296, %max3A_1298 : vector<16xi32>
      %min3A_1300 = arith.constant 1 : i32
      %min3A_1301 = vector.broadcast %min3A_1300 : i32 to vector<16xi32>
      %min3A_1302 = arith.minsi %max3A_1299, %min3A_1301 : vector<16xi32>
      %mul3A_1303 = arith.muli %gather3A_1293, %min3A_1302 : vector<16xi32>
      %add3A_1304 = arith.addi %add3A_1284, %mul3A_1303 : vector<16xi32>
      %sub3A_1305 = arith.constant 4 : i32
      %sub3A_1306 = vector.broadcast %sub3A_1305 : i32 to vector<16xi32>
      %sub3A_1307 = arith.subi %iota3A, %sub3A_1306 : vector<16xi32>
      %max3A_1308 = arith.constant 0 : i32
      %max3A_1309 = vector.broadcast %max3A_1308 : i32 to vector<16xi32>
      %max3A_1310 = arith.maxsi %sub3A_1307, %max3A_1309 : vector<16xi32>
      %broadcast_in_dim3A_1311 = vector.shape_cast %max3A_1310 : vector<16xi32> to vector<16x1xi32>
      %gather3A_1312 = vector.shape_cast %broadcast_in_dim3A_1311 : vector<16x1xi32> to vector<16xi32>
      %gather3A_1313 = tpu.dynamic_gather %add3A_1304[%gather3A_1312] in [0] : vector<16xi32>, vector<16xi32> -> vector<16xi32>
      %sub3A_1314 = arith.constant 3 : i32
      %sub3A_1315 = vector.broadcast %sub3A_1314 : i32 to vector<16xi32>
      %sub3A_1316 = arith.subi %iota3A, %sub3A_1315 : vector<16xi32>
      %max3A_1317 = arith.constant 0 : i32
      %max3A_1318 = vector.broadcast %max3A_1317 : i32 to vector<16xi32>
      %max3A_1319 = arith.maxsi %sub3A_1316, %max3A_1318 : vector<16xi32>
      %min3A_1320 = arith.constant 1 : i32
      %min3A_1321 = vector.broadcast %min3A_1320 : i32 to vector<16xi32>
      %min3A_1322 = arith.minsi %max3A_1319, %min3A_1321 : vector<16xi32>
      %mul3A_1323 = arith.muli %gather3A_1313, %min3A_1322 : vector<16xi32>
      %add3A_1324 = arith.addi %add3A_1304, %mul3A_1323 : vector<16xi32>
      %sub3A_1325 = arith.constant 8 : i32
      %sub3A_1326 = vector.broadcast %sub3A_1325 : i32 to vector<16xi32>
      %sub3A_1327 = arith.subi %iota3A, %sub3A_1326 : vector<16xi32>
      %max3A_1328 = arith.constant 0 : i32
      %max3A_1329 = vector.broadcast %max3A_1328 : i32 to vector<16xi32>
      %max3A_1330 = arith.maxsi %sub3A_1327, %max3A_1329 : vector<16xi32>
      %broadcast_in_dim3A_1331 = vector.shape_cast %max3A_1330 : vector<16xi32> to vector<16x1xi32>
      %gather3A_1332 = vector.shape_cast %broadcast_in_dim3A_1331 : vector<16x1xi32> to vector<16xi32>
      %gather3A_1333 = tpu.dynamic_gather %add3A_1324[%gather3A_1332] in [0] : vector<16xi32>, vector<16xi32> -> vector<16xi32>
      %sub3A_1334 = arith.constant 7 : i32
      %sub3A_1335 = vector.broadcast %sub3A_1334 : i32 to vector<16xi32>
      %sub3A_1336 = arith.subi %iota3A, %sub3A_1335 : vector<16xi32>
      %max3A_1337 = arith.constant 0 : i32
      %max3A_1338 = vector.broadcast %max3A_1337 : i32 to vector<16xi32>
      %max3A_1339 = arith.maxsi %sub3A_1336, %max3A_1338 : vector<16xi32>
      %min3A_1340 = arith.constant 1 : i32
      %min3A_1341 = vector.broadcast %min3A_1340 : i32 to vector<16xi32>
      %min3A_1342 = arith.minsi %max3A_1339, %min3A_1341 : vector<16xi32>
      %mul3A_1343 = arith.muli %gather3A_1333, %min3A_1342 : vector<16xi32>
      %add3A_1344 = arith.addi %add3A_1324, %mul3A_1343 : vector<16xi32>
      %mul3A_1345 = arith.constant 16 : i32
      %mul3A_1346 = arith.muli %scan3A_1237, %mul3A_1345 : i32
      %add3A_1347 = arith.addi %mul3A_32, %mul3A_1346 : i32
      %add3A_1348 = vector.broadcast %add3A_1347 : i32 to vector<16xi32>
      %add3A_1349 = arith.addi %add3A_1348, %iota3A : vector<16xi32>
      %sub3A_1350 = arith.subi %add3A_1349, %scan3A_1238 : vector<16xi32>
      %sub3A_1351 = arith.subi %sub3A_1350, %add3A_1344 : vector<16xi32>
      %jit3A_1352 = arith.constant 0 : i32
      %jit3A_1353 = arith.constant 8191 : i32
      %max3A_1354 = vector.broadcast %jit3A_1352 : i32 to vector<16xi32>
      %max3A_1355 = arith.maxsi %max3A_1354, %sub3A_1351 : vector<16xi32>
      %min3A_1356 = vector.broadcast %jit3A_1353 : i32 to vector<16xi32>
      %min3A_1357 = arith.minsi %min3A_1356, %max3A_1355 : vector<16xi32>
      %swap3A_1358 = arith.index_cast %scan3A_1237 : i32 to index
      %swap3A_1359 = arith.constant 0 : index
      %swap3A_1360 = tpu.vector_load %arg6[%swap3A_1358, %swap3A_1359] {strides = array<i32>} : memref<64x16xi32, #tpu.memory_space<vmem>>, vector<1x16xi32>,
      %swap3A_1361 = vector.shape_cast %swap3A_1360 : vector<1x16xi32> to vector<16xi32>
      %swap3A_1362 = vector.shape_cast %min3A_1357 : vector<16xi32> to vector<1x16xi32>
      tpu.vector_store %arg6[%swap3A_1358, %swap3A_1359], %swap3A_1362 {strides = array<i32>} : memref<64x16xi32, #tpu.memory_space<vmem>>, vector<1x16xi32>,
      %broadcast_in_dim3A_1363 = arith.constant 15 : i32
      %broadcast_in_dim3A_1364 = vector.broadcast %broadcast_in_dim3A_1363 : i32 to vector<16xi32>
      %broadcast_in_dim3A_1365 = vector.shape_cast %broadcast_in_dim3A_1364 : vector<16xi32> to vector<16x1xi32>
      %gather3A_1366 = vector.shape_cast %broadcast_in_dim3A_1365 : vector<16x1xi32> to vector<16xi32>
      %gather3A_1367 = tpu.dynamic_gather %add3A_1344[%gather3A_1366] in [0] : vector<16xi32>, vector<16xi32> -> vector<16xi32>
      %add3A_1368 = arith.addi %scan3A_1238, %gather3A_1367 : vector<16xi32>
      scf.yield %add3A_1368 : vector<16xi32>
    }
    %scan3A_1139 = arith.constant 57 : i32
    %scan3A_1140 = arith.constant 0 : i32
    %scan3A_1141 = arith.constant 0 : i32
    %scan3A_1142 = arith.constant 10 : i32
    %scan3A_1143 = arith.addi %scan3A_1141, %scan3A_1142 : i32
    %scan3A_1144 = arith.constant 1 : i32
    %scan3A_1145 = scf.for %scan3A_1237 = %scan3A_1141 to %scan3A_1143 step %scan3A_1144 iter_args(%scan3A_1238 = %scan3A_1140) -> (i32)  : i32 {
      %mul3A_1239 = arith.constant 7 : i32
      %mul3A_1240 = arith.muli %scan3A_1237, %mul3A_1239 : i32
      %add3A_1241 = arith.constant 0 : i32
      %add3A_1242 = arith.addi %mul3A_1240, %add3A_1241 : i32
      %lt3A_1243 = arith.constant 64 : i32
      %lt3A_1244 = arith.cmpi slt, %add3A_1242, %lt3A_1243 : i32
      %convert_element_type3A = arith.extui %lt3A_1244 : i1 to i32
      %cond3A = arith.constant 0 : i32
      %cond3A_1245 = arith.cmpi ne, %convert_element_type3A, %cond3A : i32
      scf.if %cond3A_1245 {
        %dma_wait3A_1352 = arith.constant 0 : i32
        %dma_wait3A_1353 = arith.constant 0 : i32
        %dma_wait3A_1354 = arith.constant 0 : i32
        %dma_wait3A_1355 = tpu.memref_slice %arg7[%dma_wait3A_1352, %dma_wait3A_1353, %dma_wait3A_1354] : memref<7x16x1024xf32, #tpu.memory_space<vmem>> -> memref<1x16x1024xf32, #tpu.memory_space<vmem>>
        %dma_wait3A_1356 = tpu.memref_squeeze %dma_wait3A_1355 : memref<1x16x1024xf32, #tpu.memory_space<vmem>> -> memref<16x1024xf32, #tpu.memory_space<vmem>>
        %dma_wait3A_1357 = arith.constant 0 : i32
        %dma_wait3A_1358 = arith.constant 0 : i32
        %dma_wait3A_1359 = tpu.memref_slice %arg3[%dma_wait3A_1357, %dma_wait3A_1358] : memref<8192x1024xf32, #tpu.memory_space<hbm>> -> memref<16x1024xf32, #tpu.memory_space<hbm>>
        %dma_wait3A_1360 = arith.constant 0 : i32
        %dma_wait3A_1361 = arith.constant 0 : i32
        %dma_wait3A_1362 = tpu.memref_slice %arg7[%dma_wait3A_1352, %dma_wait3A_1360, %dma_wait3A_1361] : memref<7x16x1024xf32, #tpu.memory_space<vmem>> -> memref<1x16x1024xf32, #tpu.memory_space<vmem>>
        %dma_wait3A_1363 = tpu.memref_squeeze %dma_wait3A_1362 : memref<1x16x1024xf32, #tpu.memory_space<vmem>> -> memref<16x1024xf32, #tpu.memory_space<vmem>>
        %dma_wait3A_1364 = arith.constant 0 : i32
        %dma_wait3A_1365 = arith.constant 0 : i32
        %dma_wait3A_1366 = tpu.memref_slice %arg3[%dma_wait3A_1364, %dma_wait3A_1365] : memref<8192x1024xf32, #tpu.memory_space<hbm>> -> memref<16x1024xf32, #tpu.memory_space<hbm>>
        tpu.wait_dma2 semaphore(%arg8 : memref<!tpu.dma_semaphore, #tpu.memory_space<semaphore_mem>>) src(%dma_wait3A_1366 : memref<16x1024xf32, #tpu.memory_space<hbm>>) dst(%dma_wait3A_1363 : memref<16x1024xf32, #tpu.memory_space<vmem>>)
        %add3A_1367 = arith.constant 0 : i32
        %add3A_1368 = arith.addi %mul3A_1240, %add3A_1367 : i32
        %mul3A_1369 = arith.constant 16 : i32
        %mul3A_1370 = arith.muli %add3A_1368, %mul3A_1369 : i32
        %add3A_1371 = arith.addi %mul3A_151, %mul3A_1370 : i32
        %dma_start3A_1372 = arith.constant 0 : i32
        %dma_start3A_1373 = arith.constant 0 : i32
        %dma_start3A_1374 = arith.constant 0 : i32
        %dma_start3A_1375 = tpu.memref_slice %arg7[%dma_start3A_1372, %dma_start3A_1373, %dma_start3A_1374] : memref<7x16x1024xf32, #tpu.memory_space<vmem>> -> memref<1x16x1024xf32, #tpu.memory_space<vmem>>
        %dma_start3A_1376 = tpu.memref_squeeze %dma_start3A_1375 : memref<1x16x1024xf32, #tpu.memory_space<vmem>> -> memref<16x1024xf32, #tpu.memory_space<vmem>>
        %dma_start3A_1377 = arith.constant 0 : i32
        %dma_start3A_1378 = tpu.memref_slice %arg4[%add3A_1371, %dma_start3A_1377] : memref<32768x1024xf32, #tpu.memory_space<hbm>> -> memref<16x1024xf32, #tpu.memory_space<hbm>>
        %dma_start3A_1379 = arith.constant 0 : i32
        %dma_start3A_1380 = tpu.memref_slice %arg4[%add3A_1371, %dma_start3A_1379] : memref<32768x1024xf32, #tpu.memory_space<hbm>> -> memref<16x1024xf32, #tpu.memory_space<hbm>>
        %dma_start3A_1381 = arith.constant 0 : i32
        %dma_start3A_1382 = arith.constant 0 : i32
        %dma_start3A_1383 = tpu.memref_slice %arg7[%dma_start3A_1372, %dma_start3A_1381, %dma_start3A_1382] : memref<7x16x1024xf32, #tpu.memory_space<vmem>> -> memref<1x16x1024xf32, #tpu.memory_space<vmem>>
        %dma_start3A_1384 = tpu.memref_squeeze %dma_start3A_1383 : memref<1x16x1024xf32, #tpu.memory_space<vmem>> -> memref<16x1024xf32, #tpu.memory_space<vmem>>
        tpu.enqueue_dma source(%dma_start3A_1384 : memref<16x1024xf32, #tpu.memory_space<vmem>>) target(%dma_start3A_1380 : memref<16x1024xf32, #tpu.memory_space<hbm>>) target_semaphore(%arg15 : memref<!tpu.dma_semaphore, #tpu.memory_space<semaphore_mem>>)
      } else {
      }
      %add3A_1246 = arith.constant 1 : i32
      %add3A_1247 = arith.addi %mul3A_1240, %add3A_1246 : i32
      %lt3A_1248 = arith.constant 64 : i32
      %lt3A_1249 = arith.cmpi slt, %add3A_1247, %lt3A_1248 : i32
      %convert_element_type3A_1250 = arith.extui %lt3A_1249 : i1 to i32
      %cond3A_1251 = arith.constant 0 : i32
      %cond3A_1252 = arith.cmpi ne, %convert_element_type3A_1250, %cond3A_1251 : i32
      scf.if %cond3A_1252 {
        %dma_wait3A_1352 = arith.constant 1 : i32
        %dma_wait3A_1353 = arith.constant 0 : i32
        %dma_wait3A_1354 = arith.constant 0 : i32
        %dma_wait3A_1355 = tpu.memref_slice %arg7[%dma_wait3A_1352, %dma_wait3A_1353, %dma_wait3A_1354] : memref<7x16x1024xf32, #tpu.memory_space<vmem>> -> memref<1x16x1024xf32, #tpu.memory_space<vmem>>
        %dma_wait3A_1356 = tpu.memref_squeeze %dma_wait3A_1355 : memref<1x16x1024xf32, #tpu.memory_space<vmem>> -> memref<16x1024xf32, #tpu.memory_space<vmem>>
        %dma_wait3A_1357 = arith.constant 0 : i32
        %dma_wait3A_1358 = arith.constant 0 : i32
        %dma_wait3A_1359 = tpu.memref_slice %arg3[%dma_wait3A_1357, %dma_wait3A_1358] : memref<8192x1024xf32, #tpu.memory_space<hbm>> -> memref<16x1024xf32, #tpu.memory_space<hbm>>
        %dma_wait3A_1360 = arith.constant 0 : i32
        %dma_wait3A_1361 = arith.constant 0 : i32
        %dma_wait3A_1362 = tpu.memref_slice %arg7[%dma_wait3A_1352, %dma_wait3A_1360, %dma_wait3A_1361] : memref<7x16x1024xf32, #tpu.memory_space<vmem>> -> memref<1x16x1024xf32, #tpu.memory_space<vmem>>
        %dma_wait3A_1363 = tpu.memref_squeeze %dma_wait3A_1362 : memref<1x16x1024xf32, #tpu.memory_space<vmem>> -> memref<16x1024xf32, #tpu.memory_space<vmem>>
        %dma_wait3A_1364 = arith.constant 0 : i32
        %dma_wait3A_1365 = arith.constant 0 : i32
        %dma_wait3A_1366 = tpu.memref_slice %arg3[%dma_wait3A_1364, %dma_wait3A_1365] : memref<8192x1024xf32, #tpu.memory_space<hbm>> -> memref<16x1024xf32, #tpu.memory_space<hbm>>
        tpu.wait_dma2 semaphore(%arg9 : memref<!tpu.dma_semaphore, #tpu.memory_space<semaphore_mem>>) src(%dma_wait3A_1366 : memref<16x1024xf32, #tpu.memory_space<hbm>>) dst(%dma_wait3A_1363 : memref<16x1024xf32, #tpu.memory_space<vmem>>)
        %add3A_1367 = arith.constant 1 : i32
        %add3A_1368 = arith.addi %mul3A_1240, %add3A_1367 : i32
        %mul3A_1369 = arith.constant 16 : i32
        %mul3A_1370 = arith.muli %add3A_1368, %mul3A_1369 : i32
        %add3A_1371 = arith.addi %mul3A_151, %mul3A_1370 : i32
        %dma_start3A_1372 = arith.constant 1 : i32
        %dma_start3A_1373 = arith.constant 0 : i32
        %dma_start3A_1374 = arith.constant 0 : i32
        %dma_start3A_1375 = tpu.memref_slice %arg7[%dma_start3A_1372, %dma_start3A_1373, %dma_start3A_1374] : memref<7x16x1024xf32, #tpu.memory_space<vmem>> -> memref<1x16x1024xf32, #tpu.memory_space<vmem>>
        %dma_start3A_1376 = tpu.memref_squeeze %dma_start3A_1375 : memref<1x16x1024xf32, #tpu.memory_space<vmem>> -> memref<16x1024xf32, #tpu.memory_space<vmem>>
        %dma_start3A_1377 = arith.constant 0 : i32
        %dma_start3A_1378 = tpu.memref_slice %arg4[%add3A_1371, %dma_start3A_1377] : memref<32768x1024xf32, #tpu.memory_space<hbm>> -> memref<16x1024xf32, #tpu.memory_space<hbm>>
        %dma_start3A_1379 = arith.constant 0 : i32
        %dma_start3A_1380 = tpu.memref_slice %arg4[%add3A_1371, %dma_start3A_1379] : memref<32768x1024xf32, #tpu.memory_space<hbm>> -> memref<16x1024xf32, #tpu.memory_space<hbm>>
        %dma_start3A_1381 = arith.constant 0 : i32
        %dma_start3A_1382 = arith.constant 0 : i32
        %dma_start3A_1383 = tpu.memref_slice %arg7[%dma_start3A_1372, %dma_start3A_1381, %dma_start3A_1382] : memref<7x16x1024xf32, #tpu.memory_space<vmem>> -> memref<1x16x1024xf32, #tpu.memory_space<vmem>>
        %dma_start3A_1384 = tpu.memref_squeeze %dma_start3A_1383 : memref<1x16x1024xf32, #tpu.memory_space<vmem>> -> memref<16x1024xf32, #tpu.memory_space<vmem>>
        tpu.enqueue_dma source(%dma_start3A_1384 : memref<16x1024xf32, #tpu.memory_space<vmem>>) target(%dma_start3A_1380 : memref<16x1024xf32, #tpu.memory_space<hbm>>) target_semaphore(%arg16 : memref<!tpu.dma_semaphore, #tpu.memory_space<semaphore_mem>>)
      } else {
      }
      %add3A_1253 = arith.constant 2 : i32
      %add3A_1254 = arith.addi %mul3A_1240, %add3A_1253 : i32
      %lt3A_1255 = arith.constant 64 : i32
      %lt3A_1256 = arith.cmpi slt, %add3A_1254, %lt3A_1255 : i32
      %convert_element_type3A_1257 = arith.extui %lt3A_1256 : i1 to i32
      %cond3A_1258 = arith.constant 0 : i32
      %cond3A_1259 = arith.cmpi ne, %convert_element_type3A_1257, %cond3A_1258 : i32
      scf.if %cond3A_1259 {
        %dma_wait3A_1352 = arith.constant 2 : i32
        %dma_wait3A_1353 = arith.constant 0 : i32
        %dma_wait3A_1354 = arith.constant 0 : i32
        %dma_wait3A_1355 = tpu.memref_slice %arg7[%dma_wait3A_1352, %dma_wait3A_1353, %dma_wait3A_1354] : memref<7x16x1024xf32, #tpu.memory_space<vmem>> -> memref<1x16x1024xf32, #tpu.memory_space<vmem>>
        %dma_wait3A_1356 = tpu.memref_squeeze %dma_wait3A_1355 : memref<1x16x1024xf32, #tpu.memory_space<vmem>> -> memref<16x1024xf32, #tpu.memory_space<vmem>>
        %dma_wait3A_1357 = arith.constant 0 : i32
        %dma_wait3A_1358 = arith.constant 0 : i32
        %dma_wait3A_1359 = tpu.memref_slice %arg3[%dma_wait3A_1357, %dma_wait3A_1358] : memref<8192x1024xf32, #tpu.memory_space<hbm>> -> memref<16x1024xf32, #tpu.memory_space<hbm>>
        %dma_wait3A_1360 = arith.constant 0 : i32
        %dma_wait3A_1361 = arith.constant 0 : i32
        %dma_wait3A_1362 = tpu.memref_slice %arg7[%dma_wait3A_1352, %dma_wait3A_1360, %dma_wait3A_1361] : memref<7x16x1024xf32, #tpu.memory_space<vmem>> -> memref<1x16x1024xf32, #tpu.memory_space<vmem>>
        %dma_wait3A_1363 = tpu.memref_squeeze %dma_wait3A_1362 : memref<1x16x1024xf32, #tpu.memory_space<vmem>> -> memref<16x1024xf32, #tpu.memory_space<vmem>>
        %dma_wait3A_1364 = arith.constant 0 : i32
        %dma_wait3A_1365 = arith.constant 0 : i32
        %dma_wait3A_1366 = tpu.memref_slice %arg3[%dma_wait3A_1364, %dma_wait3A_1365] : memref<8192x1024xf32, #tpu.memory_space<hbm>> -> memref<16x1024xf32, #tpu.memory_space<hbm>>
        tpu.wait_dma2 semaphore(%arg10 : memref<!tpu.dma_semaphore, #tpu.memory_space<semaphore_mem>>) src(%dma_wait3A_1366 : memref<16x1024xf32, #tpu.memory_space<hbm>>) dst(%dma_wait3A_1363 : memref<16x1024xf32, #tpu.memory_space<vmem>>)
        %add3A_1367 = arith.constant 2 : i32
        %add3A_1368 = arith.addi %mul3A_1240, %add3A_1367 : i32
        %mul3A_1369 = arith.constant 16 : i32
        %mul3A_1370 = arith.muli %add3A_1368, %mul3A_1369 : i32
        %add3A_1371 = arith.addi %mul3A_151, %mul3A_1370 : i32
        %dma_start3A_1372 = arith.constant 2 : i32
        %dma_start3A_1373 = arith.constant 0 : i32
        %dma_start3A_1374 = arith.constant 0 : i32
        %dma_start3A_1375 = tpu.memref_slice %arg7[%dma_start3A_1372, %dma_start3A_1373, %dma_start3A_1374] : memref<7x16x1024xf32, #tpu.memory_space<vmem>> -> memref<1x16x1024xf32, #tpu.memory_space<vmem>>
        %dma_start3A_1376 = tpu.memref_squeeze %dma_start3A_1375 : memref<1x16x1024xf32, #tpu.memory_space<vmem>> -> memref<16x1024xf32, #tpu.memory_space<vmem>>
        %dma_start3A_1377 = arith.constant 0 : i32
        %dma_start3A_1378 = tpu.memref_slice %arg4[%add3A_1371, %dma_start3A_1377] : memref<32768x1024xf32, #tpu.memory_space<hbm>> -> memref<16x1024xf32, #tpu.memory_space<hbm>>
        %dma_start3A_1379 = arith.constant 0 : i32
        %dma_start3A_1380 = tpu.memref_slice %arg4[%add3A_1371, %dma_start3A_1379] : memref<32768x1024xf32, #tpu.memory_space<hbm>> -> memref<16x1024xf32, #tpu.memory_space<hbm>>
        %dma_start3A_1381 = arith.constant 0 : i32
        %dma_start3A_1382 = arith.constant 0 : i32
        %dma_start3A_1383 = tpu.memref_slice %arg7[%dma_start3A_1372, %dma_start3A_1381, %dma_start3A_1382] : memref<7x16x1024xf32, #tpu.memory_space<vmem>> -> memref<1x16x1024xf32, #tpu.memory_space<vmem>>
        %dma_start3A_1384 = tpu.memref_squeeze %dma_start3A_1383 : memref<1x16x1024xf32, #tpu.memory_space<vmem>> -> memref<16x1024xf32, #tpu.memory_space<vmem>>
        tpu.enqueue_dma source(%dma_start3A_1384 : memref<16x1024xf32, #tpu.memory_space<vmem>>) target(%dma_start3A_1380 : memref<16x1024xf32, #tpu.memory_space<hbm>>) target_semaphore(%arg17 : memref<!tpu.dma_semaphore, #tpu.memory_space<semaphore_mem>>)
      } else {
      }
      %add3A_1260 = arith.constant 3 : i32
      %add3A_1261 = arith.addi %mul3A_1240, %add3A_1260 : i32
      %lt3A_1262 = arith.constant 64 : i32
      %lt3A_1263 = arith.cmpi slt, %add3A_1261, %lt3A_1262 : i32
      %convert_element_type3A_1264 = arith.extui %lt3A_1263 : i1 to i32
      %cond3A_1265 = arith.constant 0 : i32
      %cond3A_1266 = arith.cmpi ne, %convert_element_type3A_1264, %cond3A_1265 : i32
      scf.if %cond3A_1266 {
        %dma_wait3A_1352 = arith.constant 3 : i32
        %dma_wait3A_1353 = arith.constant 0 : i32
        %dma_wait3A_1354 = arith.constant 0 : i32
        %dma_wait3A_1355 = tpu.memref_slice %arg7[%dma_wait3A_1352, %dma_wait3A_1353, %dma_wait3A_1354] : memref<7x16x1024xf32, #tpu.memory_space<vmem>> -> memref<1x16x1024xf32, #tpu.memory_space<vmem>>
        %dma_wait3A_1356 = tpu.memref_squeeze %dma_wait3A_1355 : memref<1x16x1024xf32, #tpu.memory_space<vmem>> -> memref<16x1024xf32, #tpu.memory_space<vmem>>
        %dma_wait3A_1357 = arith.constant 0 : i32
        %dma_wait3A_1358 = arith.constant 0 : i32
        %dma_wait3A_1359 = tpu.memref_slice %arg3[%dma_wait3A_1357, %dma_wait3A_1358] : memref<8192x1024xf32, #tpu.memory_space<hbm>> -> memref<16x1024xf32, #tpu.memory_space<hbm>>
        %dma_wait3A_1360 = arith.constant 0 : i32
        %dma_wait3A_1361 = arith.constant 0 : i32
        %dma_wait3A_1362 = tpu.memref_slice %arg7[%dma_wait3A_1352, %dma_wait3A_1360, %dma_wait3A_1361] : memref<7x16x1024xf32, #tpu.memory_space<vmem>> -> memref<1x16x1024xf32, #tpu.memory_space<vmem>>
        %dma_wait3A_1363 = tpu.memref_squeeze %dma_wait3A_1362 : memref<1x16x1024xf32, #tpu.memory_space<vmem>> -> memref<16x1024xf32, #tpu.memory_space<vmem>>
        %dma_wait3A_1364 = arith.constant 0 : i32
        %dma_wait3A_1365 = arith.constant 0 : i32
        %dma_wait3A_1366 = tpu.memref_slice %arg3[%dma_wait3A_1364, %dma_wait3A_1365] : memref<8192x1024xf32, #tpu.memory_space<hbm>> -> memref<16x1024xf32, #tpu.memory_space<hbm>>
        tpu.wait_dma2 semaphore(%arg11 : memref<!tpu.dma_semaphore, #tpu.memory_space<semaphore_mem>>) src(%dma_wait3A_1366 : memref<16x1024xf32, #tpu.memory_space<hbm>>) dst(%dma_wait3A_1363 : memref<16x1024xf32, #tpu.memory_space<vmem>>)
        %add3A_1367 = arith.constant 3 : i32
        %add3A_1368 = arith.addi %mul3A_1240, %add3A_1367 : i32
        %mul3A_1369 = arith.constant 16 : i32
        %mul3A_1370 = arith.muli %add3A_1368, %mul3A_1369 : i32
        %add3A_1371 = arith.addi %mul3A_151, %mul3A_1370 : i32
        %dma_start3A_1372 = arith.constant 3 : i32
        %dma_start3A_1373 = arith.constant 0 : i32
        %dma_start3A_1374 = arith.constant 0 : i32
        %dma_start3A_1375 = tpu.memref_slice %arg7[%dma_start3A_1372, %dma_start3A_1373, %dma_start3A_1374] : memref<7x16x1024xf32, #tpu.memory_space<vmem>> -> memref<1x16x1024xf32, #tpu.memory_space<vmem>>
        %dma_start3A_1376 = tpu.memref_squeeze %dma_start3A_1375 : memref<1x16x1024xf32, #tpu.memory_space<vmem>> -> memref<16x1024xf32, #tpu.memory_space<vmem>>
        %dma_start3A_1377 = arith.constant 0 : i32
        %dma_start3A_1378 = tpu.memref_slice %arg4[%add3A_1371, %dma_start3A_1377] : memref<32768x1024xf32, #tpu.memory_space<hbm>> -> memref<16x1024xf32, #tpu.memory_space<hbm>>
        %dma_start3A_1379 = arith.constant 0 : i32
        %dma_start3A_1380 = tpu.memref_slice %arg4[%add3A_1371, %dma_start3A_1379] : memref<32768x1024xf32, #tpu.memory_space<hbm>> -> memref<16x1024xf32, #tpu.memory_space<hbm>>
        %dma_start3A_1381 = arith.constant 0 : i32
        %dma_start3A_1382 = arith.constant 0 : i32
        %dma_start3A_1383 = tpu.memref_slice %arg7[%dma_start3A_1372, %dma_start3A_1381, %dma_start3A_1382] : memref<7x16x1024xf32, #tpu.memory_space<vmem>> -> memref<1x16x1024xf32, #tpu.memory_space<vmem>>
        %dma_start3A_1384 = tpu.memref_squeeze %dma_start3A_1383 : memref<1x16x1024xf32, #tpu.memory_space<vmem>> -> memref<16x1024xf32, #tpu.memory_space<vmem>>
        tpu.enqueue_dma source(%dma_start3A_1384 : memref<16x1024xf32, #tpu.memory_space<vmem>>) target(%dma_start3A_1380 : memref<16x1024xf32, #tpu.memory_space<hbm>>) target_semaphore(%arg18 : memref<!tpu.dma_semaphore, #tpu.memory_space<semaphore_mem>>)
      } else {
      }
      %add3A_1267 = arith.constant 4 : i32
      %add3A_1268 = arith.addi %mul3A_1240, %add3A_1267 : i32
      %lt3A_1269 = arith.constant 64 : i32
      %lt3A_1270 = arith.cmpi slt, %add3A_1268, %lt3A_1269 : i32
      %convert_element_type3A_1271 = arith.extui %lt3A_1270 : i1 to i32
      %cond3A_1272 = arith.constant 0 : i32
      %cond3A_1273 = arith.cmpi ne, %convert_element_type3A_1271, %cond3A_1272 : i32
      scf.if %cond3A_1273 {
        %dma_wait3A_1352 = arith.constant 4 : i32
        %dma_wait3A_1353 = arith.constant 0 : i32
        %dma_wait3A_1354 = arith.constant 0 : i32
        %dma_wait3A_1355 = tpu.memref_slice %arg7[%dma_wait3A_1352, %dma_wait3A_1353, %dma_wait3A_1354] : memref<7x16x1024xf32, #tpu.memory_space<vmem>> -> memref<1x16x1024xf32, #tpu.memory_space<vmem>>
        %dma_wait3A_1356 = tpu.memref_squeeze %dma_wait3A_1355 : memref<1x16x1024xf32, #tpu.memory_space<vmem>> -> memref<16x1024xf32, #tpu.memory_space<vmem>>
        %dma_wait3A_1357 = arith.constant 0 : i32
        %dma_wait3A_1358 = arith.constant 0 : i32
        %dma_wait3A_1359 = tpu.memref_slice %arg3[%dma_wait3A_1357, %dma_wait3A_1358] : memref<8192x1024xf32, #tpu.memory_space<hbm>> -> memref<16x1024xf32, #tpu.memory_space<hbm>>
        %dma_wait3A_1360 = arith.constant 0 : i32
        %dma_wait3A_1361 = arith.constant 0 : i32
        %dma_wait3A_1362 = tpu.memref_slice %arg7[%dma_wait3A_1352, %dma_wait3A_1360, %dma_wait3A_1361] : memref<7x16x1024xf32, #tpu.memory_space<vmem>> -> memref<1x16x1024xf32, #tpu.memory_space<vmem>>
        %dma_wait3A_1363 = tpu.memref_squeeze %dma_wait3A_1362 : memref<1x16x1024xf32, #tpu.memory_space<vmem>> -> memref<16x1024xf32, #tpu.memory_space<vmem>>
        %dma_wait3A_1364 = arith.constant 0 : i32
        %dma_wait3A_1365 = arith.constant 0 : i32
        %dma_wait3A_1366 = tpu.memref_slice %arg3[%dma_wait3A_1364, %dma_wait3A_1365] : memref<8192x1024xf32, #tpu.memory_space<hbm>> -> memref<16x1024xf32, #tpu.memory_space<hbm>>
        tpu.wait_dma2 semaphore(%arg12 : memref<!tpu.dma_semaphore, #tpu.memory_space<semaphore_mem>>) src(%dma_wait3A_1366 : memref<16x1024xf32, #tpu.memory_space<hbm>>) dst(%dma_wait3A_1363 : memref<16x1024xf32, #tpu.memory_space<vmem>>)
        %add3A_1367 = arith.constant 4 : i32
        %add3A_1368 = arith.addi %mul3A_1240, %add3A_1367 : i32
        %mul3A_1369 = arith.constant 16 : i32
        %mul3A_1370 = arith.muli %add3A_1368, %mul3A_1369 : i32
        %add3A_1371 = arith.addi %mul3A_151, %mul3A_1370 : i32
        %dma_start3A_1372 = arith.constant 4 : i32
        %dma_start3A_1373 = arith.constant 0 : i32
        %dma_start3A_1374 = arith.constant 0 : i32
        %dma_start3A_1375 = tpu.memref_slice %arg7[%dma_start3A_1372, %dma_start3A_1373, %dma_start3A_1374] : memref<7x16x1024xf32, #tpu.memory_space<vmem>> -> memref<1x16x1024xf32, #tpu.memory_space<vmem>>
        %dma_start3A_1376 = tpu.memref_squeeze %dma_start3A_1375 : memref<1x16x1024xf32, #tpu.memory_space<vmem>> -> memref<16x1024xf32, #tpu.memory_space<vmem>>
        %dma_start3A_1377 = arith.constant 0 : i32
        %dma_start3A_1378 = tpu.memref_slice %arg4[%add3A_1371, %dma_start3A_1377] : memref<32768x1024xf32, #tpu.memory_space<hbm>> -> memref<16x1024xf32, #tpu.memory_space<hbm>>
        %dma_start3A_1379 = arith.constant 0 : i32
        %dma_start3A_1380 = tpu.memref_slice %arg4[%add3A_1371, %dma_start3A_1379] : memref<32768x1024xf32, #tpu.memory_space<hbm>> -> memref<16x1024xf32, #tpu.memory_space<hbm>>
        %dma_start3A_1381 = arith.constant 0 : i32
        %dma_start3A_1382 = arith.constant 0 : i32
        %dma_start3A_1383 = tpu.memref_slice %arg7[%dma_start3A_1372, %dma_start3A_1381, %dma_start3A_1382] : memref<7x16x1024xf32, #tpu.memory_space<vmem>> -> memref<1x16x1024xf32, #tpu.memory_space<vmem>>
        %dma_start3A_1384 = tpu.memref_squeeze %dma_start3A_1383 : memref<1x16x1024xf32, #tpu.memory_space<vmem>> -> memref<16x1024xf32, #tpu.memory_space<vmem>>
        tpu.enqueue_dma source(%dma_start3A_1384 : memref<16x1024xf32, #tpu.memory_space<vmem>>) target(%dma_start3A_1380 : memref<16x1024xf32, #tpu.memory_space<hbm>>) target_semaphore(%arg19 : memref<!tpu.dma_semaphore, #tpu.memory_space<semaphore_mem>>)
      } else {
      }
      %add3A_1274 = arith.constant 5 : i32
      %add3A_1275 = arith.addi %mul3A_1240, %add3A_1274 : i32
      %lt3A_1276 = arith.constant 64 : i32
      %lt3A_1277 = arith.cmpi slt, %add3A_1275, %lt3A_1276 : i32
      %convert_element_type3A_1278 = arith.extui %lt3A_1277 : i1 to i32
      %cond3A_1279 = arith.constant 0 : i32
      %cond3A_1280 = arith.cmpi ne, %convert_element_type3A_1278, %cond3A_1279 : i32
      scf.if %cond3A_1280 {
        %dma_wait3A_1352 = arith.constant 5 : i32
        %dma_wait3A_1353 = arith.constant 0 : i32
        %dma_wait3A_1354 = arith.constant 0 : i32
        %dma_wait3A_1355 = tpu.memref_slice %arg7[%dma_wait3A_1352, %dma_wait3A_1353, %dma_wait3A_1354] : memref<7x16x1024xf32, #tpu.memory_space<vmem>> -> memref<1x16x1024xf32, #tpu.memory_space<vmem>>
        %dma_wait3A_1356 = tpu.memref_squeeze %dma_wait3A_1355 : memref<1x16x1024xf32, #tpu.memory_space<vmem>> -> memref<16x1024xf32, #tpu.memory_space<vmem>>
        %dma_wait3A_1357 = arith.constant 0 : i32
        %dma_wait3A_1358 = arith.constant 0 : i32
        %dma_wait3A_1359 = tpu.memref_slice %arg3[%dma_wait3A_1357, %dma_wait3A_1358] : memref<8192x1024xf32, #tpu.memory_space<hbm>> -> memref<16x1024xf32, #tpu.memory_space<hbm>>
        %dma_wait3A_1360 = arith.constant 0 : i32
        %dma_wait3A_1361 = arith.constant 0 : i32
        %dma_wait3A_1362 = tpu.memref_slice %arg7[%dma_wait3A_1352, %dma_wait3A_1360, %dma_wait3A_1361] : memref<7x16x1024xf32, #tpu.memory_space<vmem>> -> memref<1x16x1024xf32, #tpu.memory_space<vmem>>
        %dma_wait3A_1363 = tpu.memref_squeeze %dma_wait3A_1362 : memref<1x16x1024xf32, #tpu.memory_space<vmem>> -> memref<16x1024xf32, #tpu.memory_space<vmem>>
        %dma_wait3A_1364 = arith.constant 0 : i32
        %dma_wait3A_1365 = arith.constant 0 : i32
        %dma_wait3A_1366 = tpu.memref_slice %arg3[%dma_wait3A_1364, %dma_wait3A_1365] : memref<8192x1024xf32, #tpu.memory_space<hbm>> -> memref<16x1024xf32, #tpu.memory_space<hbm>>
        tpu.wait_dma2 semaphore(%arg13 : memref<!tpu.dma_semaphore, #tpu.memory_space<semaphore_mem>>) src(%dma_wait3A_1366 : memref<16x1024xf32, #tpu.memory_space<hbm>>) dst(%dma_wait3A_1363 : memref<16x1024xf32, #tpu.memory_space<vmem>>)
        %add3A_1367 = arith.constant 5 : i32
        %add3A_1368 = arith.addi %mul3A_1240, %add3A_1367 : i32
        %mul3A_1369 = arith.constant 16 : i32
        %mul3A_1370 = arith.muli %add3A_1368, %mul3A_1369 : i32
        %add3A_1371 = arith.addi %mul3A_151, %mul3A_1370 : i32
        %dma_start3A_1372 = arith.constant 5 : i32
        %dma_start3A_1373 = arith.constant 0 : i32
        %dma_start3A_1374 = arith.constant 0 : i32
        %dma_start3A_1375 = tpu.memref_slice %arg7[%dma_start3A_1372, %dma_start3A_1373, %dma_start3A_1374] : memref<7x16x1024xf32, #tpu.memory_space<vmem>> -> memref<1x16x1024xf32, #tpu.memory_space<vmem>>
        %dma_start3A_1376 = tpu.memref_squeeze %dma_start3A_1375 : memref<1x16x1024xf32, #tpu.memory_space<vmem>> -> memref<16x1024xf32, #tpu.memory_space<vmem>>
        %dma_start3A_1377 = arith.constant 0 : i32
        %dma_start3A_1378 = tpu.memref_slice %arg4[%add3A_1371, %dma_start3A_1377] : memref<32768x1024xf32, #tpu.memory_space<hbm>> -> memref<16x1024xf32, #tpu.memory_space<hbm>>
        %dma_start3A_1379 = arith.constant 0 : i32
        %dma_start3A_1380 = tpu.memref_slice %arg4[%add3A_1371, %dma_start3A_1379] : memref<32768x1024xf32, #tpu.memory_space<hbm>> -> memref<16x1024xf32, #tpu.memory_space<hbm>>
        %dma_start3A_1381 = arith.constant 0 : i32
        %dma_start3A_1382 = arith.constant 0 : i32
        %dma_start3A_1383 = tpu.memref_slice %arg7[%dma_start3A_1372, %dma_start3A_1381, %dma_start3A_1382] : memref<7x16x1024xf32, #tpu.memory_space<vmem>> -> memref<1x16x1024xf32, #tpu.memory_space<vmem>>
        %dma_start3A_1384 = tpu.memref_squeeze %dma_start3A_1383 : memref<1x16x1024xf32, #tpu.memory_space<vmem>> -> memref<16x1024xf32, #tpu.memory_space<vmem>>
        tpu.enqueue_dma source(%dma_start3A_1384 : memref<16x1024xf32, #tpu.memory_space<vmem>>) target(%dma_start3A_1380 : memref<16x1024xf32, #tpu.memory_space<hbm>>) target_semaphore(%arg20 : memref<!tpu.dma_semaphore, #tpu.memory_space<semaphore_mem>>)
      } else {
      }
      %add3A_1281 = arith.constant 6 : i32
      %add3A_1282 = arith.addi %mul3A_1240, %add3A_1281 : i32
      %lt3A_1283 = arith.constant 64 : i32
      %lt3A_1284 = arith.cmpi slt, %add3A_1282, %lt3A_1283 : i32
      %convert_element_type3A_1285 = arith.extui %lt3A_1284 : i1 to i32
      %cond3A_1286 = arith.constant 0 : i32
      %cond3A_1287 = arith.cmpi ne, %convert_element_type3A_1285, %cond3A_1286 : i32
      scf.if %cond3A_1287 {
        %dma_wait3A_1352 = arith.constant 6 : i32
        %dma_wait3A_1353 = arith.constant 0 : i32
        %dma_wait3A_1354 = arith.constant 0 : i32
        %dma_wait3A_1355 = tpu.memref_slice %arg7[%dma_wait3A_1352, %dma_wait3A_1353, %dma_wait3A_1354] : memref<7x16x1024xf32, #tpu.memory_space<vmem>> -> memref<1x16x1024xf32, #tpu.memory_space<vmem>>
        %dma_wait3A_1356 = tpu.memref_squeeze %dma_wait3A_1355 : memref<1x16x1024xf32, #tpu.memory_space<vmem>> -> memref<16x1024xf32, #tpu.memory_space<vmem>>
        %dma_wait3A_1357 = arith.constant 0 : i32
        %dma_wait3A_1358 = arith.constant 0 : i32
        %dma_wait3A_1359 = tpu.memref_slice %arg3[%dma_wait3A_1357, %dma_wait3A_1358] : memref<8192x1024xf32, #tpu.memory_space<hbm>> -> memref<16x1024xf32, #tpu.memory_space<hbm>>
        %dma_wait3A_1360 = arith.constant 0 : i32
        %dma_wait3A_1361 = arith.constant 0 : i32
        %dma_wait3A_1362 = tpu.memref_slice %arg7[%dma_wait3A_1352, %dma_wait3A_1360, %dma_wait3A_1361] : memref<7x16x1024xf32, #tpu.memory_space<vmem>> -> memref<1x16x1024xf32, #tpu.memory_space<vmem>>
        %dma_wait3A_1363 = tpu.memref_squeeze %dma_wait3A_1362 : memref<1x16x1024xf32, #tpu.memory_space<vmem>> -> memref<16x1024xf32, #tpu.memory_space<vmem>>
        %dma_wait3A_1364 = arith.constant 0 : i32
        %dma_wait3A_1365 = arith.constant 0 : i32
        %dma_wait3A_1366 = tpu.memref_slice %arg3[%dma_wait3A_1364, %dma_wait3A_1365] : memref<8192x1024xf32, #tpu.memory_space<hbm>> -> memref<16x1024xf32, #tpu.memory_space<hbm>>
        tpu.wait_dma2 semaphore(%arg14 : memref<!tpu.dma_semaphore, #tpu.memory_space<semaphore_mem>>) src(%dma_wait3A_1366 : memref<16x1024xf32, #tpu.memory_space<hbm>>) dst(%dma_wait3A_1363 : memref<16x1024xf32, #tpu.memory_space<vmem>>)
        %add3A_1367 = arith.constant 6 : i32
        %add3A_1368 = arith.addi %mul3A_1240, %add3A_1367 : i32
        %mul3A_1369 = arith.constant 16 : i32
        %mul3A_1370 = arith.muli %add3A_1368, %mul3A_1369 : i32
        %add3A_1371 = arith.addi %mul3A_151, %mul3A_1370 : i32
        %dma_start3A_1372 = arith.constant 6 : i32
        %dma_start3A_1373 = arith.constant 0 : i32
        %dma_start3A_1374 = arith.constant 0 : i32
        %dma_start3A_1375 = tpu.memref_slice %arg7[%dma_start3A_1372, %dma_start3A_1373, %dma_start3A_1374] : memref<7x16x1024xf32, #tpu.memory_space<vmem>> -> memref<1x16x1024xf32, #tpu.memory_space<vmem>>
        %dma_start3A_1376 = tpu.memref_squeeze %dma_start3A_1375 : memref<1x16x1024xf32, #tpu.memory_space<vmem>> -> memref<16x1024xf32, #tpu.memory_space<vmem>>
        %dma_start3A_1377 = arith.constant 0 : i32
        %dma_start3A_1378 = tpu.memref_slice %arg4[%add3A_1371, %dma_start3A_1377] : memref<32768x1024xf32, #tpu.memory_space<hbm>> -> memref<16x1024xf32, #tpu.memory_space<hbm>>
        %dma_start3A_1379 = arith.constant 0 : i32
        %dma_start3A_1380 = tpu.memref_slice %arg4[%add3A_1371, %dma_start3A_1379] : memref<32768x1024xf32, #tpu.memory_space<hbm>> -> memref<16x1024xf32, #tpu.memory_space<hbm>>
        %dma_start3A_1381 = arith.constant 0 : i32
        %dma_start3A_1382 = arith.constant 0 : i32
        %dma_start3A_1383 = tpu.memref_slice %arg7[%dma_start3A_1372, %dma_start3A_1381, %dma_start3A_1382] : memref<7x16x1024xf32, #tpu.memory_space<vmem>> -> memref<1x16x1024xf32, #tpu.memory_space<vmem>>
        %dma_start3A_1384 = tpu.memref_squeeze %dma_start3A_1383 : memref<1x16x1024xf32, #tpu.memory_space<vmem>> -> memref<16x1024xf32, #tpu.memory_space<vmem>>
        tpu.enqueue_dma source(%dma_start3A_1384 : memref<16x1024xf32, #tpu.memory_space<vmem>>) target(%dma_start3A_1380 : memref<16x1024xf32, #tpu.memory_space<hbm>>) target_semaphore(%arg21 : memref<!tpu.dma_semaphore, #tpu.memory_space<semaphore_mem>>)
      } else {
      }
      %add3A_1288 = arith.constant 0 : i32
      %add3A_1289 = arith.addi %mul3A_1240, %add3A_1288 : i32
      %add3A_1290 = arith.constant 7 : i32
      %add3A_1291 = arith.addi %add3A_1289, %add3A_1290 : i32
      %lt3A_1292 = arith.constant 64 : i32
      %lt3A_1293 = arith.cmpi slt, %add3A_1291, %lt3A_1292 : i32
      %convert_element_type3A_1294 = arith.extui %lt3A_1293 : i1 to i32
      %cond3A_1295 = arith.constant 0 : i32
      %cond3A_1296 = arith.cmpi ne, %convert_element_type3A_1294, %cond3A_1295 : i32
      scf.if %cond3A_1296 {
        %dma_wait3A_1352 = arith.constant 0 : i32
        %dma_wait3A_1353 = arith.constant 0 : i32
        %dma_wait3A_1354 = arith.constant 0 : i32
        %dma_wait3A_1355 = tpu.memref_slice %arg7[%dma_wait3A_1352, %dma_wait3A_1353, %dma_wait3A_1354] : memref<7x16x1024xf32, #tpu.memory_space<vmem>> -> memref<1x16x1024xf32, #tpu.memory_space<vmem>>
        %dma_wait3A_1356 = tpu.memref_squeeze %dma_wait3A_1355 : memref<1x16x1024xf32, #tpu.memory_space<vmem>> -> memref<16x1024xf32, #tpu.memory_space<vmem>>
        %dma_wait3A_1357 = arith.constant 0 : i32
        %dma_wait3A_1358 = tpu.memref_slice %arg4[%mul3A_151, %dma_wait3A_1357] : memref<32768x1024xf32, #tpu.memory_space<hbm>> -> memref<16x1024xf32, #tpu.memory_space<hbm>>
        %dma_wait3A_1359 = arith.constant 0 : i32
        %dma_wait3A_1360 = tpu.memref_slice %arg4[%mul3A_151, %dma_wait3A_1359] : memref<32768x1024xf32, #tpu.memory_space<hbm>> -> memref<16x1024xf32, #tpu.memory_space<hbm>>
        %dma_wait3A_1361 = arith.constant 0 : i32
        %dma_wait3A_1362 = arith.constant 0 : i32
        %dma_wait3A_1363 = tpu.memref_slice %arg7[%dma_wait3A_1352, %dma_wait3A_1361, %dma_wait3A_1362] : memref<7x16x1024xf32, #tpu.memory_space<vmem>> -> memref<1x16x1024xf32, #tpu.memory_space<vmem>>
        %dma_wait3A_1364 = tpu.memref_squeeze %dma_wait3A_1363 : memref<1x16x1024xf32, #tpu.memory_space<vmem>> -> memref<16x1024xf32, #tpu.memory_space<vmem>>
        tpu.wait_dma2 semaphore(%arg15 : memref<!tpu.dma_semaphore, #tpu.memory_space<semaphore_mem>>) src(%dma_wait3A_1364 : memref<16x1024xf32, #tpu.memory_space<vmem>>) dst(%dma_wait3A_1360 : memref<16x1024xf32, #tpu.memory_space<hbm>>)
        %add3A_1365 = arith.constant 0 : i32
        %add3A_1366 = arith.addi %mul3A_1240, %add3A_1365 : i32
        %add3A_1367 = arith.constant 7 : i32
        %add3A_1368 = arith.addi %add3A_1366, %add3A_1367 : i32
        %dma_start3A_1369 = arith.constant 0 : i32
        %dma_start3A_1370 = arith.constant 0 : i32
        %dma_start3A_1371 = arith.constant 0 : i32
        %dma_start3A_1372 = tpu.memref_slice %arg7[%dma_start3A_1369, %dma_start3A_1370, %dma_start3A_1371] : memref<7x16x1024xf32, #tpu.memory_space<vmem>> -> memref<1x16x1024xf32, #tpu.memory_space<vmem>>
        %dma_start3A_1373 = tpu.memref_squeeze %dma_start3A_1372 : memref<1x16x1024xf32, #tpu.memory_space<vmem>> -> memref<16x1024xf32, #tpu.memory_space<vmem>>
        %dma_start3A_1374 = arith.constant 0 : i32
        %dma_start3A_1375 = tpu.memref_slice %arg6[%add3A_1368, %dma_start3A_1374] : memref<64x16xi32, #tpu.memory_space<vmem>> -> memref<1x16xi32, #tpu.memory_space<vmem>>
        %dma_start3A_1376 = tpu.memref_squeeze %dma_start3A_1375 : memref<1x16xi32, #tpu.memory_space<vmem>> -> memref<16xi32, #tpu.memory_space<vmem>>
        %dma_start3A_1377 = arith.constant 0 : i32
        %dma_start3A_1378 = arith.constant 0 : i32
        %dma_start3A_1379 = tpu.memref_slice %arg3[%dma_start3A_1377, %dma_start3A_1378] : memref<8192x1024xf32, #tpu.memory_space<hbm>> -> memref<8192x1024xf32, #tpu.memory_space<hbm>>
        tpu.enqueue_indirect_dma source(%dma_start3A_1379 : memref<8192x1024xf32, #tpu.memory_space<hbm>>) target(%dma_start3A_1373 : memref<16x1024xf32, #tpu.memory_space<vmem>>) offsets(%dma_start3A_1376 : memref<16xi32, #tpu.memory_space<vmem>>) semaphore(%arg8 : memref<!tpu.dma_semaphore, #tpu.memory_space<semaphore_mem>>)
      } else {
      }
      %add3A_1297 = arith.constant 1 : i32
      %add3A_1298 = arith.addi %mul3A_1240, %add3A_1297 : i32
      %add3A_1299 = arith.constant 7 : i32
      %add3A_1300 = arith.addi %add3A_1298, %add3A_1299 : i32
      %lt3A_1301 = arith.constant 64 : i32
      %lt3A_1302 = arith.cmpi slt, %add3A_1300, %lt3A_1301 : i32
      %convert_element_type3A_1303 = arith.extui %lt3A_1302 : i1 to i32
      %cond3A_1304 = arith.constant 0 : i32
      %cond3A_1305 = arith.cmpi ne, %convert_element_type3A_1303, %cond3A_1304 : i32
      scf.if %cond3A_1305 {
        %dma_wait3A_1352 = arith.constant 1 : i32
        %dma_wait3A_1353 = arith.constant 0 : i32
        %dma_wait3A_1354 = arith.constant 0 : i32
        %dma_wait3A_1355 = tpu.memref_slice %arg7[%dma_wait3A_1352, %dma_wait3A_1353, %dma_wait3A_1354] : memref<7x16x1024xf32, #tpu.memory_space<vmem>> -> memref<1x16x1024xf32, #tpu.memory_space<vmem>>
        %dma_wait3A_1356 = tpu.memref_squeeze %dma_wait3A_1355 : memref<1x16x1024xf32, #tpu.memory_space<vmem>> -> memref<16x1024xf32, #tpu.memory_space<vmem>>
        %dma_wait3A_1357 = arith.constant 0 : i32
        %dma_wait3A_1358 = tpu.memref_slice %arg4[%mul3A_151, %dma_wait3A_1357] : memref<32768x1024xf32, #tpu.memory_space<hbm>> -> memref<16x1024xf32, #tpu.memory_space<hbm>>
        %dma_wait3A_1359 = arith.constant 0 : i32
        %dma_wait3A_1360 = tpu.memref_slice %arg4[%mul3A_151, %dma_wait3A_1359] : memref<32768x1024xf32, #tpu.memory_space<hbm>> -> memref<16x1024xf32, #tpu.memory_space<hbm>>
        %dma_wait3A_1361 = arith.constant 0 : i32
        %dma_wait3A_1362 = arith.constant 0 : i32
        %dma_wait3A_1363 = tpu.memref_slice %arg7[%dma_wait3A_1352, %dma_wait3A_1361, %dma_wait3A_1362] : memref<7x16x1024xf32, #tpu.memory_space<vmem>> -> memref<1x16x1024xf32, #tpu.memory_space<vmem>>
        %dma_wait3A_1364 = tpu.memref_squeeze %dma_wait3A_1363 : memref<1x16x1024xf32, #tpu.memory_space<vmem>> -> memref<16x1024xf32, #tpu.memory_space<vmem>>
        tpu.wait_dma2 semaphore(%arg16 : memref<!tpu.dma_semaphore, #tpu.memory_space<semaphore_mem>>) src(%dma_wait3A_1364 : memref<16x1024xf32, #tpu.memory_space<vmem>>) dst(%dma_wait3A_1360 : memref<16x1024xf32, #tpu.memory_space<hbm>>)
        %add3A_1365 = arith.constant 1 : i32
        %add3A_1366 = arith.addi %mul3A_1240, %add3A_1365 : i32
        %add3A_1367 = arith.constant 7 : i32
        %add3A_1368 = arith.addi %add3A_1366, %add3A_1367 : i32
        %dma_start3A_1369 = arith.constant 1 : i32
        %dma_start3A_1370 = arith.constant 0 : i32
        %dma_start3A_1371 = arith.constant 0 : i32
        %dma_start3A_1372 = tpu.memref_slice %arg7[%dma_start3A_1369, %dma_start3A_1370, %dma_start3A_1371] : memref<7x16x1024xf32, #tpu.memory_space<vmem>> -> memref<1x16x1024xf32, #tpu.memory_space<vmem>>
        %dma_start3A_1373 = tpu.memref_squeeze %dma_start3A_1372 : memref<1x16x1024xf32, #tpu.memory_space<vmem>> -> memref<16x1024xf32, #tpu.memory_space<vmem>>
        %dma_start3A_1374 = arith.constant 0 : i32
        %dma_start3A_1375 = tpu.memref_slice %arg6[%add3A_1368, %dma_start3A_1374] : memref<64x16xi32, #tpu.memory_space<vmem>> -> memref<1x16xi32, #tpu.memory_space<vmem>>
        %dma_start3A_1376 = tpu.memref_squeeze %dma_start3A_1375 : memref<1x16xi32, #tpu.memory_space<vmem>> -> memref<16xi32, #tpu.memory_space<vmem>>
        %dma_start3A_1377 = arith.constant 0 : i32
        %dma_start3A_1378 = arith.constant 0 : i32
        %dma_start3A_1379 = tpu.memref_slice %arg3[%dma_start3A_1377, %dma_start3A_1378] : memref<8192x1024xf32, #tpu.memory_space<hbm>> -> memref<8192x1024xf32, #tpu.memory_space<hbm>>
        tpu.enqueue_indirect_dma source(%dma_start3A_1379 : memref<8192x1024xf32, #tpu.memory_space<hbm>>) target(%dma_start3A_1373 : memref<16x1024xf32, #tpu.memory_space<vmem>>) offsets(%dma_start3A_1376 : memref<16xi32, #tpu.memory_space<vmem>>) semaphore(%arg9 : memref<!tpu.dma_semaphore, #tpu.memory_space<semaphore_mem>>)
      } else {
      }
      %add3A_1306 = arith.constant 2 : i32
      %add3A_1307 = arith.addi %mul3A_1240, %add3A_1306 : i32
      %add3A_1308 = arith.constant 7 : i32
      %add3A_1309 = arith.addi %add3A_1307, %add3A_1308 : i32
      %lt3A_1310 = arith.constant 64 : i32
      %lt3A_1311 = arith.cmpi slt, %add3A_1309, %lt3A_1310 : i32
      %convert_element_type3A_1312 = arith.extui %lt3A_1311 : i1 to i32
      %cond3A_1313 = arith.constant 0 : i32
      %cond3A_1314 = arith.cmpi ne, %convert_element_type3A_1312, %cond3A_1313 : i32
      scf.if %cond3A_1314 {
        %dma_wait3A_1352 = arith.constant 2 : i32
        %dma_wait3A_1353 = arith.constant 0 : i32
        %dma_wait3A_1354 = arith.constant 0 : i32
        %dma_wait3A_1355 = tpu.memref_slice %arg7[%dma_wait3A_1352, %dma_wait3A_1353, %dma_wait3A_1354] : memref<7x16x1024xf32, #tpu.memory_space<vmem>> -> memref<1x16x1024xf32, #tpu.memory_space<vmem>>
        %dma_wait3A_1356 = tpu.memref_squeeze %dma_wait3A_1355 : memref<1x16x1024xf32, #tpu.memory_space<vmem>> -> memref<16x1024xf32, #tpu.memory_space<vmem>>
        %dma_wait3A_1357 = arith.constant 0 : i32
        %dma_wait3A_1358 = tpu.memref_slice %arg4[%mul3A_151, %dma_wait3A_1357] : memref<32768x1024xf32, #tpu.memory_space<hbm>> -> memref<16x1024xf32, #tpu.memory_space<hbm>>
        %dma_wait3A_1359 = arith.constant 0 : i32
        %dma_wait3A_1360 = tpu.memref_slice %arg4[%mul3A_151, %dma_wait3A_1359] : memref<32768x1024xf32, #tpu.memory_space<hbm>> -> memref<16x1024xf32, #tpu.memory_space<hbm>>
        %dma_wait3A_1361 = arith.constant 0 : i32
        %dma_wait3A_1362 = arith.constant 0 : i32
        %dma_wait3A_1363 = tpu.memref_slice %arg7[%dma_wait3A_1352, %dma_wait3A_1361, %dma_wait3A_1362] : memref<7x16x1024xf32, #tpu.memory_space<vmem>> -> memref<1x16x1024xf32, #tpu.memory_space<vmem>>
        %dma_wait3A_1364 = tpu.memref_squeeze %dma_wait3A_1363 : memref<1x16x1024xf32, #tpu.memory_space<vmem>> -> memref<16x1024xf32, #tpu.memory_space<vmem>>
        tpu.wait_dma2 semaphore(%arg17 : memref<!tpu.dma_semaphore, #tpu.memory_space<semaphore_mem>>) src(%dma_wait3A_1364 : memref<16x1024xf32, #tpu.memory_space<vmem>>) dst(%dma_wait3A_1360 : memref<16x1024xf32, #tpu.memory_space<hbm>>)
        %add3A_1365 = arith.constant 2 : i32
        %add3A_1366 = arith.addi %mul3A_1240, %add3A_1365 : i32
        %add3A_1367 = arith.constant 7 : i32
        %add3A_1368 = arith.addi %add3A_1366, %add3A_1367 : i32
        %dma_start3A_1369 = arith.constant 2 : i32
        %dma_start3A_1370 = arith.constant 0 : i32
        %dma_start3A_1371 = arith.constant 0 : i32
        %dma_start3A_1372 = tpu.memref_slice %arg7[%dma_start3A_1369, %dma_start3A_1370, %dma_start3A_1371] : memref<7x16x1024xf32, #tpu.memory_space<vmem>> -> memref<1x16x1024xf32, #tpu.memory_space<vmem>>
        %dma_start3A_1373 = tpu.memref_squeeze %dma_start3A_1372 : memref<1x16x1024xf32, #tpu.memory_space<vmem>> -> memref<16x1024xf32, #tpu.memory_space<vmem>>
        %dma_start3A_1374 = arith.constant 0 : i32
        %dma_start3A_1375 = tpu.memref_slice %arg6[%add3A_1368, %dma_start3A_1374] : memref<64x16xi32, #tpu.memory_space<vmem>> -> memref<1x16xi32, #tpu.memory_space<vmem>>
        %dma_start3A_1376 = tpu.memref_squeeze %dma_start3A_1375 : memref<1x16xi32, #tpu.memory_space<vmem>> -> memref<16xi32, #tpu.memory_space<vmem>>
        %dma_start3A_1377 = arith.constant 0 : i32
        %dma_start3A_1378 = arith.constant 0 : i32
        %dma_start3A_1379 = tpu.memref_slice %arg3[%dma_start3A_1377, %dma_start3A_1378] : memref<8192x1024xf32, #tpu.memory_space<hbm>> -> memref<8192x1024xf32, #tpu.memory_space<hbm>>
        tpu.enqueue_indirect_dma source(%dma_start3A_1379 : memref<8192x1024xf32, #tpu.memory_space<hbm>>) target(%dma_start3A_1373 : memref<16x1024xf32, #tpu.memory_space<vmem>>) offsets(%dma_start3A_1376 : memref<16xi32, #tpu.memory_space<vmem>>) semaphore(%arg10 : memref<!tpu.dma_semaphore, #tpu.memory_space<semaphore_mem>>)
      } else {
      }
      %add3A_1315 = arith.constant 3 : i32
      %add3A_1316 = arith.addi %mul3A_1240, %add3A_1315 : i32
      %add3A_1317 = arith.constant 7 : i32
      %add3A_1318 = arith.addi %add3A_1316, %add3A_1317 : i32
      %lt3A_1319 = arith.constant 64 : i32
      %lt3A_1320 = arith.cmpi slt, %add3A_1318, %lt3A_1319 : i32
      %convert_element_type3A_1321 = arith.extui %lt3A_1320 : i1 to i32
      %cond3A_1322 = arith.constant 0 : i32
      %cond3A_1323 = arith.cmpi ne, %convert_element_type3A_1321, %cond3A_1322 : i32
      scf.if %cond3A_1323 {
        %dma_wait3A_1352 = arith.constant 3 : i32
        %dma_wait3A_1353 = arith.constant 0 : i32
        %dma_wait3A_1354 = arith.constant 0 : i32
        %dma_wait3A_1355 = tpu.memref_slice %arg7[%dma_wait3A_1352, %dma_wait3A_1353, %dma_wait3A_1354] : memref<7x16x1024xf32, #tpu.memory_space<vmem>> -> memref<1x16x1024xf32, #tpu.memory_space<vmem>>
        %dma_wait3A_1356 = tpu.memref_squeeze %dma_wait3A_1355 : memref<1x16x1024xf32, #tpu.memory_space<vmem>> -> memref<16x1024xf32, #tpu.memory_space<vmem>>
        %dma_wait3A_1357 = arith.constant 0 : i32
        %dma_wait3A_1358 = tpu.memref_slice %arg4[%mul3A_151, %dma_wait3A_1357] : memref<32768x1024xf32, #tpu.memory_space<hbm>> -> memref<16x1024xf32, #tpu.memory_space<hbm>>
        %dma_wait3A_1359 = arith.constant 0 : i32
        %dma_wait3A_1360 = tpu.memref_slice %arg4[%mul3A_151, %dma_wait3A_1359] : memref<32768x1024xf32, #tpu.memory_space<hbm>> -> memref<16x1024xf32, #tpu.memory_space<hbm>>
        %dma_wait3A_1361 = arith.constant 0 : i32
        %dma_wait3A_1362 = arith.constant 0 : i32
        %dma_wait3A_1363 = tpu.memref_slice %arg7[%dma_wait3A_1352, %dma_wait3A_1361, %dma_wait3A_1362] : memref<7x16x1024xf32, #tpu.memory_space<vmem>> -> memref<1x16x1024xf32, #tpu.memory_space<vmem>>
        %dma_wait3A_1364 = tpu.memref_squeeze %dma_wait3A_1363 : memref<1x16x1024xf32, #tpu.memory_space<vmem>> -> memref<16x1024xf32, #tpu.memory_space<vmem>>
        tpu.wait_dma2 semaphore(%arg18 : memref<!tpu.dma_semaphore, #tpu.memory_space<semaphore_mem>>) src(%dma_wait3A_1364 : memref<16x1024xf32, #tpu.memory_space<vmem>>) dst(%dma_wait3A_1360 : memref<16x1024xf32, #tpu.memory_space<hbm>>)
        %add3A_1365 = arith.constant 3 : i32
        %add3A_1366 = arith.addi %mul3A_1240, %add3A_1365 : i32
        %add3A_1367 = arith.constant 7 : i32
        %add3A_1368 = arith.addi %add3A_1366, %add3A_1367 : i32
        %dma_start3A_1369 = arith.constant 3 : i32
        %dma_start3A_1370 = arith.constant 0 : i32
        %dma_start3A_1371 = arith.constant 0 : i32
        %dma_start3A_1372 = tpu.memref_slice %arg7[%dma_start3A_1369, %dma_start3A_1370, %dma_start3A_1371] : memref<7x16x1024xf32, #tpu.memory_space<vmem>> -> memref<1x16x1024xf32, #tpu.memory_space<vmem>>
        %dma_start3A_1373 = tpu.memref_squeeze %dma_start3A_1372 : memref<1x16x1024xf32, #tpu.memory_space<vmem>> -> memref<16x1024xf32, #tpu.memory_space<vmem>>
        %dma_start3A_1374 = arith.constant 0 : i32
        %dma_start3A_1375 = tpu.memref_slice %arg6[%add3A_1368, %dma_start3A_1374] : memref<64x16xi32, #tpu.memory_space<vmem>> -> memref<1x16xi32, #tpu.memory_space<vmem>>
        %dma_start3A_1376 = tpu.memref_squeeze %dma_start3A_1375 : memref<1x16xi32, #tpu.memory_space<vmem>> -> memref<16xi32, #tpu.memory_space<vmem>>
        %dma_start3A_1377 = arith.constant 0 : i32
        %dma_start3A_1378 = arith.constant 0 : i32
        %dma_start3A_1379 = tpu.memref_slice %arg3[%dma_start3A_1377, %dma_start3A_1378] : memref<8192x1024xf32, #tpu.memory_space<hbm>> -> memref<8192x1024xf32, #tpu.memory_space<hbm>>
        tpu.enqueue_indirect_dma source(%dma_start3A_1379 : memref<8192x1024xf32, #tpu.memory_space<hbm>>) target(%dma_start3A_1373 : memref<16x1024xf32, #tpu.memory_space<vmem>>) offsets(%dma_start3A_1376 : memref<16xi32, #tpu.memory_space<vmem>>) semaphore(%arg11 : memref<!tpu.dma_semaphore, #tpu.memory_space<semaphore_mem>>)
      } else {
      }
      %add3A_1324 = arith.constant 4 : i32
      %add3A_1325 = arith.addi %mul3A_1240, %add3A_1324 : i32
      %add3A_1326 = arith.constant 7 : i32
      %add3A_1327 = arith.addi %add3A_1325, %add3A_1326 : i32
      %lt3A_1328 = arith.constant 64 : i32
      %lt3A_1329 = arith.cmpi slt, %add3A_1327, %lt3A_1328 : i32
      %convert_element_type3A_1330 = arith.extui %lt3A_1329 : i1 to i32
      %cond3A_1331 = arith.constant 0 : i32
      %cond3A_1332 = arith.cmpi ne, %convert_element_type3A_1330, %cond3A_1331 : i32
      scf.if %cond3A_1332 {
        %dma_wait3A_1352 = arith.constant 4 : i32
        %dma_wait3A_1353 = arith.constant 0 : i32
        %dma_wait3A_1354 = arith.constant 0 : i32
        %dma_wait3A_1355 = tpu.memref_slice %arg7[%dma_wait3A_1352, %dma_wait3A_1353, %dma_wait3A_1354] : memref<7x16x1024xf32, #tpu.memory_space<vmem>> -> memref<1x16x1024xf32, #tpu.memory_space<vmem>>
        %dma_wait3A_1356 = tpu.memref_squeeze %dma_wait3A_1355 : memref<1x16x1024xf32, #tpu.memory_space<vmem>> -> memref<16x1024xf32, #tpu.memory_space<vmem>>
        %dma_wait3A_1357 = arith.constant 0 : i32
        %dma_wait3A_1358 = tpu.memref_slice %arg4[%mul3A_151, %dma_wait3A_1357] : memref<32768x1024xf32, #tpu.memory_space<hbm>> -> memref<16x1024xf32, #tpu.memory_space<hbm>>
        %dma_wait3A_1359 = arith.constant 0 : i32
        %dma_wait3A_1360 = tpu.memref_slice %arg4[%mul3A_151, %dma_wait3A_1359] : memref<32768x1024xf32, #tpu.memory_space<hbm>> -> memref<16x1024xf32, #tpu.memory_space<hbm>>
        %dma_wait3A_1361 = arith.constant 0 : i32
        %dma_wait3A_1362 = arith.constant 0 : i32
        %dma_wait3A_1363 = tpu.memref_slice %arg7[%dma_wait3A_1352, %dma_wait3A_1361, %dma_wait3A_1362] : memref<7x16x1024xf32, #tpu.memory_space<vmem>> -> memref<1x16x1024xf32, #tpu.memory_space<vmem>>
        %dma_wait3A_1364 = tpu.memref_squeeze %dma_wait3A_1363 : memref<1x16x1024xf32, #tpu.memory_space<vmem>> -> memref<16x1024xf32, #tpu.memory_space<vmem>>
        tpu.wait_dma2 semaphore(%arg19 : memref<!tpu.dma_semaphore, #tpu.memory_space<semaphore_mem>>) src(%dma_wait3A_1364 : memref<16x1024xf32, #tpu.memory_space<vmem>>) dst(%dma_wait3A_1360 : memref<16x1024xf32, #tpu.memory_space<hbm>>)
        %add3A_1365 = arith.constant 4 : i32
        %add3A_1366 = arith.addi %mul3A_1240, %add3A_1365 : i32
        %add3A_1367 = arith.constant 7 : i32
        %add3A_1368 = arith.addi %add3A_1366, %add3A_1367 : i32
        %dma_start3A_1369 = arith.constant 4 : i32
        %dma_start3A_1370 = arith.constant 0 : i32
        %dma_start3A_1371 = arith.constant 0 : i32
        %dma_start3A_1372 = tpu.memref_slice %arg7[%dma_start3A_1369, %dma_start3A_1370, %dma_start3A_1371] : memref<7x16x1024xf32, #tpu.memory_space<vmem>> -> memref<1x16x1024xf32, #tpu.memory_space<vmem>>
        %dma_start3A_1373 = tpu.memref_squeeze %dma_start3A_1372 : memref<1x16x1024xf32, #tpu.memory_space<vmem>> -> memref<16x1024xf32, #tpu.memory_space<vmem>>
        %dma_start3A_1374 = arith.constant 0 : i32
        %dma_start3A_1375 = tpu.memref_slice %arg6[%add3A_1368, %dma_start3A_1374] : memref<64x16xi32, #tpu.memory_space<vmem>> -> memref<1x16xi32, #tpu.memory_space<vmem>>
        %dma_start3A_1376 = tpu.memref_squeeze %dma_start3A_1375 : memref<1x16xi32, #tpu.memory_space<vmem>> -> memref<16xi32, #tpu.memory_space<vmem>>
        %dma_start3A_1377 = arith.constant 0 : i32
        %dma_start3A_1378 = arith.constant 0 : i32
        %dma_start3A_1379 = tpu.memref_slice %arg3[%dma_start3A_1377, %dma_start3A_1378] : memref<8192x1024xf32, #tpu.memory_space<hbm>> -> memref<8192x1024xf32, #tpu.memory_space<hbm>>
        tpu.enqueue_indirect_dma source(%dma_start3A_1379 : memref<8192x1024xf32, #tpu.memory_space<hbm>>) target(%dma_start3A_1373 : memref<16x1024xf32, #tpu.memory_space<vmem>>) offsets(%dma_start3A_1376 : memref<16xi32, #tpu.memory_space<vmem>>) semaphore(%arg12 : memref<!tpu.dma_semaphore, #tpu.memory_space<semaphore_mem>>)
      } else {
      }
      %add3A_1333 = arith.constant 5 : i32
      %add3A_1334 = arith.addi %mul3A_1240, %add3A_1333 : i32
      %add3A_1335 = arith.constant 7 : i32
      %add3A_1336 = arith.addi %add3A_1334, %add3A_1335 : i32
      %lt3A_1337 = arith.constant 64 : i32
      %lt3A_1338 = arith.cmpi slt, %add3A_1336, %lt3A_1337 : i32
      %convert_element_type3A_1339 = arith.extui %lt3A_1338 : i1 to i32
      %cond3A_1340 = arith.constant 0 : i32
      %cond3A_1341 = arith.cmpi ne, %convert_element_type3A_1339, %cond3A_1340 : i32
      scf.if %cond3A_1341 {
        %dma_wait3A_1352 = arith.constant 5 : i32
        %dma_wait3A_1353 = arith.constant 0 : i32
        %dma_wait3A_1354 = arith.constant 0 : i32
        %dma_wait3A_1355 = tpu.memref_slice %arg7[%dma_wait3A_1352, %dma_wait3A_1353, %dma_wait3A_1354] : memref<7x16x1024xf32, #tpu.memory_space<vmem>> -> memref<1x16x1024xf32, #tpu.memory_space<vmem>>
        %dma_wait3A_1356 = tpu.memref_squeeze %dma_wait3A_1355 : memref<1x16x1024xf32, #tpu.memory_space<vmem>> -> memref<16x1024xf32, #tpu.memory_space<vmem>>
        %dma_wait3A_1357 = arith.constant 0 : i32
        %dma_wait3A_1358 = tpu.memref_slice %arg4[%mul3A_151, %dma_wait3A_1357] : memref<32768x1024xf32, #tpu.memory_space<hbm>> -> memref<16x1024xf32, #tpu.memory_space<hbm>>
        %dma_wait3A_1359 = arith.constant 0 : i32
        %dma_wait3A_1360 = tpu.memref_slice %arg4[%mul3A_151, %dma_wait3A_1359] : memref<32768x1024xf32, #tpu.memory_space<hbm>> -> memref<16x1024xf32, #tpu.memory_space<hbm>>
        %dma_wait3A_1361 = arith.constant 0 : i32
        %dma_wait3A_1362 = arith.constant 0 : i32
        %dma_wait3A_1363 = tpu.memref_slice %arg7[%dma_wait3A_1352, %dma_wait3A_1361, %dma_wait3A_1362] : memref<7x16x1024xf32, #tpu.memory_space<vmem>> -> memref<1x16x1024xf32, #tpu.memory_space<vmem>>
        %dma_wait3A_1364 = tpu.memref_squeeze %dma_wait3A_1363 : memref<1x16x1024xf32, #tpu.memory_space<vmem>> -> memref<16x1024xf32, #tpu.memory_space<vmem>>
        tpu.wait_dma2 semaphore(%arg20 : memref<!tpu.dma_semaphore, #tpu.memory_space<semaphore_mem>>) src(%dma_wait3A_1364 : memref<16x1024xf32, #tpu.memory_space<vmem>>) dst(%dma_wait3A_1360 : memref<16x1024xf32, #tpu.memory_space<hbm>>)
        %add3A_1365 = arith.constant 5 : i32
        %add3A_1366 = arith.addi %mul3A_1240, %add3A_1365 : i32
        %add3A_1367 = arith.constant 7 : i32
        %add3A_1368 = arith.addi %add3A_1366, %add3A_1367 : i32
        %dma_start3A_1369 = arith.constant 5 : i32
        %dma_start3A_1370 = arith.constant 0 : i32
        %dma_start3A_1371 = arith.constant 0 : i32
        %dma_start3A_1372 = tpu.memref_slice %arg7[%dma_start3A_1369, %dma_start3A_1370, %dma_start3A_1371] : memref<7x16x1024xf32, #tpu.memory_space<vmem>> -> memref<1x16x1024xf32, #tpu.memory_space<vmem>>
        %dma_start3A_1373 = tpu.memref_squeeze %dma_start3A_1372 : memref<1x16x1024xf32, #tpu.memory_space<vmem>> -> memref<16x1024xf32, #tpu.memory_space<vmem>>
        %dma_start3A_1374 = arith.constant 0 : i32
        %dma_start3A_1375 = tpu.memref_slice %arg6[%add3A_1368, %dma_start3A_1374] : memref<64x16xi32, #tpu.memory_space<vmem>> -> memref<1x16xi32, #tpu.memory_space<vmem>>
        %dma_start3A_1376 = tpu.memref_squeeze %dma_start3A_1375 : memref<1x16xi32, #tpu.memory_space<vmem>> -> memref<16xi32, #tpu.memory_space<vmem>>
        %dma_start3A_1377 = arith.constant 0 : i32
        %dma_start3A_1378 = arith.constant 0 : i32
        %dma_start3A_1379 = tpu.memref_slice %arg3[%dma_start3A_1377, %dma_start3A_1378] : memref<8192x1024xf32, #tpu.memory_space<hbm>> -> memref<8192x1024xf32, #tpu.memory_space<hbm>>
        tpu.enqueue_indirect_dma source(%dma_start3A_1379 : memref<8192x1024xf32, #tpu.memory_space<hbm>>) target(%dma_start3A_1373 : memref<16x1024xf32, #tpu.memory_space<vmem>>) offsets(%dma_start3A_1376 : memref<16xi32, #tpu.memory_space<vmem>>) semaphore(%arg13 : memref<!tpu.dma_semaphore, #tpu.memory_space<semaphore_mem>>)
      } else {
      }
      %add3A_1342 = arith.constant 6 : i32
      %add3A_1343 = arith.addi %mul3A_1240, %add3A_1342 : i32
      %add3A_1344 = arith.constant 7 : i32
      %add3A_1345 = arith.addi %add3A_1343, %add3A_1344 : i32
      %lt3A_1346 = arith.constant 64 : i32
      %lt3A_1347 = arith.cmpi slt, %add3A_1345, %lt3A_1346 : i32
      %convert_element_type3A_1348 = arith.extui %lt3A_1347 : i1 to i32
      %cond3A_1349 = arith.constant 0 : i32
      %cond3A_1350 = arith.cmpi ne, %convert_element_type3A_1348, %cond3A_1349 : i32
      scf.if %cond3A_1350 {
        %dma_wait3A_1352 = arith.constant 6 : i32
        %dma_wait3A_1353 = arith.constant 0 : i32
        %dma_wait3A_1354 = arith.constant 0 : i32
        %dma_wait3A_1355 = tpu.memref_slice %arg7[%dma_wait3A_1352, %dma_wait3A_1353, %dma_wait3A_1354] : memref<7x16x1024xf32, #tpu.memory_space<vmem>> -> memref<1x16x1024xf32, #tpu.memory_space<vmem>>
        %dma_wait3A_1356 = tpu.memref_squeeze %dma_wait3A_1355 : memref<1x16x1024xf32, #tpu.memory_space<vmem>> -> memref<16x1024xf32, #tpu.memory_space<vmem>>
        %dma_wait3A_1357 = arith.constant 0 : i32
        %dma_wait3A_1358 = tpu.memref_slice %arg4[%mul3A_151, %dma_wait3A_1357] : memref<32768x1024xf32, #tpu.memory_space<hbm>> -> memref<16x1024xf32, #tpu.memory_space<hbm>>
        %dma_wait3A_1359 = arith.constant 0 : i32
        %dma_wait3A_1360 = tpu.memref_slice %arg4[%mul3A_151, %dma_wait3A_1359] : memref<32768x1024xf32, #tpu.memory_space<hbm>> -> memref<16x1024xf32, #tpu.memory_space<hbm>>
        %dma_wait3A_1361 = arith.constant 0 : i32
        %dma_wait3A_1362 = arith.constant 0 : i32
        %dma_wait3A_1363 = tpu.memref_slice %arg7[%dma_wait3A_1352, %dma_wait3A_1361, %dma_wait3A_1362] : memref<7x16x1024xf32, #tpu.memory_space<vmem>> -> memref<1x16x1024xf32, #tpu.memory_space<vmem>>
        %dma_wait3A_1364 = tpu.memref_squeeze %dma_wait3A_1363 : memref<1x16x1024xf32, #tpu.memory_space<vmem>> -> memref<16x1024xf32, #tpu.memory_space<vmem>>
        tpu.wait_dma2 semaphore(%arg21 : memref<!tpu.dma_semaphore, #tpu.memory_space<semaphore_mem>>) src(%dma_wait3A_1364 : memref<16x1024xf32, #tpu.memory_space<vmem>>) dst(%dma_wait3A_1360 : memref<16x1024xf32, #tpu.memory_space<hbm>>)
        %add3A_1365 = arith.constant 6 : i32
        %add3A_1366 = arith.addi %mul3A_1240, %add3A_1365 : i32
        %add3A_1367 = arith.constant 7 : i32
        %add3A_1368 = arith.addi %add3A_1366, %add3A_1367 : i32
        %dma_start3A_1369 = arith.constant 6 : i32
        %dma_start3A_1370 = arith.constant 0 : i32
        %dma_start3A_1371 = arith.constant 0 : i32
        %dma_start3A_1372 = tpu.memref_slice %arg7[%dma_start3A_1369, %dma_start3A_1370, %dma_start3A_1371] : memref<7x16x1024xf32, #tpu.memory_space<vmem>> -> memref<1x16x1024xf32, #tpu.memory_space<vmem>>
        %dma_start3A_1373 = tpu.memref_squeeze %dma_start3A_1372 : memref<1x16x1024xf32, #tpu.memory_space<vmem>> -> memref<16x1024xf32, #tpu.memory_space<vmem>>
        %dma_start3A_1374 = arith.constant 0 : i32
        %dma_start3A_1375 = tpu.memref_slice %arg6[%add3A_1368, %dma_start3A_1374] : memref<64x16xi32, #tpu.memory_space<vmem>> -> memref<1x16xi32, #tpu.memory_space<vmem>>
        %dma_start3A_1376 = tpu.memref_squeeze %dma_start3A_1375 : memref<1x16xi32, #tpu.memory_space<vmem>> -> memref<16xi32, #tpu.memory_space<vmem>>
        %dma_start3A_1377 = arith.constant 0 : i32
        %dma_start3A_1378 = arith.constant 0 : i32
        %dma_start3A_1379 = tpu.memref_slice %arg3[%dma_start3A_1377, %dma_start3A_1378] : memref<8192x1024xf32, #tpu.memory_space<hbm>> -> memref<8192x1024xf32, #tpu.memory_space<hbm>>
        tpu.enqueue_indirect_dma source(%dma_start3A_1379 : memref<8192x1024xf32, #tpu.memory_space<hbm>>) target(%dma_start3A_1373 : memref<16x1024xf32, #tpu.memory_space<vmem>>) offsets(%dma_start3A_1376 : memref<16xi32, #tpu.memory_space<vmem>>) semaphore(%arg14 : memref<!tpu.dma_semaphore, #tpu.memory_space<semaphore_mem>>)
      } else {
      }
      %scan3A_1351 = arith.constant 0 : i32
      scf.yield %scan3A_1351 : i32
    }
    %scan3A_1146 = arith.constant 10 : i32
    %dma_wait3A = arith.constant 0 : i32
    %dma_wait3A_1147 = arith.constant 0 : i32
    %dma_wait3A_1148 = arith.constant 0 : i32
    %dma_wait3A_1149 = tpu.memref_slice %arg7[%dma_wait3A, %dma_wait3A_1147, %dma_wait3A_1148] : memref<7x16x1024xf32, #tpu.memory_space<vmem>> -> memref<1x16x1024xf32, #tpu.memory_space<vmem>>
    %dma_wait3A_1150 = tpu.memref_squeeze %dma_wait3A_1149 : memref<1x16x1024xf32, #tpu.memory_space<vmem>> -> memref<16x1024xf32, #tpu.memory_space<vmem>>
    %dma_wait3A_1151 = arith.constant 0 : i32
    %dma_wait3A_1152 = tpu.memref_slice %arg4[%mul3A_151, %dma_wait3A_1151] : memref<32768x1024xf32, #tpu.memory_space<hbm>> -> memref<16x1024xf32, #tpu.memory_space<hbm>>
    %dma_wait3A_1153 = arith.constant 0 : i32
    %dma_wait3A_1154 = tpu.memref_slice %arg4[%mul3A_151, %dma_wait3A_1153] : memref<32768x1024xf32, #tpu.memory_space<hbm>> -> memref<16x1024xf32, #tpu.memory_space<hbm>>
    %dma_wait3A_1155 = arith.constant 0 : i32
    %dma_wait3A_1156 = arith.constant 0 : i32
    %dma_wait3A_1157 = tpu.memref_slice %arg7[%dma_wait3A, %dma_wait3A_1155, %dma_wait3A_1156] : memref<7x16x1024xf32, #tpu.memory_space<vmem>> -> memref<1x16x1024xf32, #tpu.memory_space<vmem>>
    %dma_wait3A_1158 = tpu.memref_squeeze %dma_wait3A_1157 : memref<1x16x1024xf32, #tpu.memory_space<vmem>> -> memref<16x1024xf32, #tpu.memory_space<vmem>>
    tpu.wait_dma2 semaphore(%arg15 : memref<!tpu.dma_semaphore, #tpu.memory_space<semaphore_mem>>) src(%dma_wait3A_1158 : memref<16x1024xf32, #tpu.memory_space<vmem>>) dst(%dma_wait3A_1154 : memref<16x1024xf32, #tpu.memory_space<hbm>>)
    %dma_wait3A_1159 = arith.constant 1 : i32
    %dma_wait3A_1160 = arith.constant 0 : i32
    %dma_wait3A_1161 = arith.constant 0 : i32
    %dma_wait3A_1162 = tpu.memref_slice %arg7[%dma_wait3A_1159, %dma_wait3A_1160, %dma_wait3A_1161] : memref<7x16x1024xf32, #tpu.memory_space<vmem>> -> memref<1x16x1024xf32, #tpu.memory_space<vmem>>
    %dma_wait3A_1163 = tpu.memref_squeeze %dma_wait3A_1162 : memref<1x16x1024xf32, #tpu.memory_space<vmem>> -> memref<16x1024xf32, #tpu.memory_space<vmem>>
    %dma_wait3A_1164 = arith.constant 0 : i32
    %dma_wait3A_1165 = tpu.memref_slice %arg4[%mul3A_151, %dma_wait3A_1164] : memref<32768x1024xf32, #tpu.memory_space<hbm>> -> memref<16x1024xf32, #tpu.memory_space<hbm>>
    %dma_wait3A_1166 = arith.constant 0 : i32
    %dma_wait3A_1167 = tpu.memref_slice %arg4[%mul3A_151, %dma_wait3A_1166] : memref<32768x1024xf32, #tpu.memory_space<hbm>> -> memref<16x1024xf32, #tpu.memory_space<hbm>>
    %dma_wait3A_1168 = arith.constant 0 : i32
    %dma_wait3A_1169 = arith.constant 0 : i32
    %dma_wait3A_1170 = tpu.memref_slice %arg7[%dma_wait3A_1159, %dma_wait3A_1168, %dma_wait3A_1169] : memref<7x16x1024xf32, #tpu.memory_space<vmem>> -> memref<1x16x1024xf32, #tpu.memory_space<vmem>>
    %dma_wait3A_1171 = tpu.memref_squeeze %dma_wait3A_1170 : memref<1x16x1024xf32, #tpu.memory_space<vmem>> -> memref<16x1024xf32, #tpu.memory_space<vmem>>
    tpu.wait_dma2 semaphore(%arg16 : memref<!tpu.dma_semaphore, #tpu.memory_space<semaphore_mem>>) src(%dma_wait3A_1171 : memref<16x1024xf32, #tpu.memory_space<vmem>>) dst(%dma_wait3A_1167 : memref<16x1024xf32, #tpu.memory_space<hbm>>)
    %dma_wait3A_1172 = arith.constant 2 : i32
    %dma_wait3A_1173 = arith.constant 0 : i32
    %dma_wait3A_1174 = arith.constant 0 : i32
    %dma_wait3A_1175 = tpu.memref_slice %arg7[%dma_wait3A_1172, %dma_wait3A_1173, %dma_wait3A_1174] : memref<7x16x1024xf32, #tpu.memory_space<vmem>> -> memref<1x16x1024xf32, #tpu.memory_space<vmem>>
    %dma_wait3A_1176 = tpu.memref_squeeze %dma_wait3A_1175 : memref<1x16x1024xf32, #tpu.memory_space<vmem>> -> memref<16x1024xf32, #tpu.memory_space<vmem>>
    %dma_wait3A_1177 = arith.constant 0 : i32
    %dma_wait3A_1178 = tpu.memref_slice %arg4[%mul3A_151, %dma_wait3A_1177] : memref<32768x1024xf32, #tpu.memory_space<hbm>> -> memref<16x1024xf32, #tpu.memory_space<hbm>>
    %dma_wait3A_1179 = arith.constant 0 : i32
    %dma_wait3A_1180 = tpu.memref_slice %arg4[%mul3A_151, %dma_wait3A_1179] : memref<32768x1024xf32, #tpu.memory_space<hbm>> -> memref<16x1024xf32, #tpu.memory_space<hbm>>
    %dma_wait3A_1181 = arith.constant 0 : i32
    %dma_wait3A_1182 = arith.constant 0 : i32
    %dma_wait3A_1183 = tpu.memref_slice %arg7[%dma_wait3A_1172, %dma_wait3A_1181, %dma_wait3A_1182] : memref<7x16x1024xf32, #tpu.memory_space<vmem>> -> memref<1x16x1024xf32, #tpu.memory_space<vmem>>
    %dma_wait3A_1184 = tpu.memref_squeeze %dma_wait3A_1183 : memref<1x16x1024xf32, #tpu.memory_space<vmem>> -> memref<16x1024xf32, #tpu.memory_space<vmem>>
    tpu.wait_dma2 semaphore(%arg17 : memref<!tpu.dma_semaphore, #tpu.memory_space<semaphore_mem>>) src(%dma_wait3A_1184 : memref<16x1024xf32, #tpu.memory_space<vmem>>) dst(%dma_wait3A_1180 : memref<16x1024xf32, #tpu.memory_space<hbm>>)
    %dma_wait3A_1185 = arith.constant 3 : i32
    %dma_wait3A_1186 = arith.constant 0 : i32
    %dma_wait3A_1187 = arith.constant 0 : i32
    %dma_wait3A_1188 = tpu.memref_slice %arg7[%dma_wait3A_1185, %dma_wait3A_1186, %dma_wait3A_1187] : memref<7x16x1024xf32, #tpu.memory_space<vmem>> -> memref<1x16x1024xf32, #tpu.memory_space<vmem>>
    %dma_wait3A_1189 = tpu.memref_squeeze %dma_wait3A_1188 : memref<1x16x1024xf32, #tpu.memory_space<vmem>> -> memref<16x1024xf32, #tpu.memory_space<vmem>>
    %dma_wait3A_1190 = arith.constant 0 : i32
    %dma_wait3A_1191 = tpu.memref_slice %arg4[%mul3A_151, %dma_wait3A_1190] : memref<32768x1024xf32, #tpu.memory_space<hbm>> -> memref<16x1024xf32, #tpu.memory_space<hbm>>
    %dma_wait3A_1192 = arith.constant 0 : i32
    %dma_wait3A_1193 = tpu.memref_slice %arg4[%mul3A_151, %dma_wait3A_1192] : memref<32768x1024xf32, #tpu.memory_space<hbm>> -> memref<16x1024xf32, #tpu.memory_space<hbm>>
    %dma_wait3A_1194 = arith.constant 0 : i32
    %dma_wait3A_1195 = arith.constant 0 : i32
    %dma_wait3A_1196 = tpu.memref_slice %arg7[%dma_wait3A_1185, %dma_wait3A_1194, %dma_wait3A_1195] : memref<7x16x1024xf32, #tpu.memory_space<vmem>> -> memref<1x16x1024xf32, #tpu.memory_space<vmem>>
    %dma_wait3A_1197 = tpu.memref_squeeze %dma_wait3A_1196 : memref<1x16x1024xf32, #tpu.memory_space<vmem>> -> memref<16x1024xf32, #tpu.memory_space<vmem>>
    tpu.wait_dma2 semaphore(%arg18 : memref<!tpu.dma_semaphore, #tpu.memory_space<semaphore_mem>>) src(%dma_wait3A_1197 : memref<16x1024xf32, #tpu.memory_space<vmem>>) dst(%dma_wait3A_1193 : memref<16x1024xf32, #tpu.memory_space<hbm>>)
    %dma_wait3A_1198 = arith.constant 4 : i32
    %dma_wait3A_1199 = arith.constant 0 : i32
    %dma_wait3A_1200 = arith.constant 0 : i32
    %dma_wait3A_1201 = tpu.memref_slice %arg7[%dma_wait3A_1198, %dma_wait3A_1199, %dma_wait3A_1200] : memref<7x16x1024xf32, #tpu.memory_space<vmem>> -> memref<1x16x1024xf32, #tpu.memory_space<vmem>>
    %dma_wait3A_1202 = tpu.memref_squeeze %dma_wait3A_1201 : memref<1x16x1024xf32, #tpu.memory_space<vmem>> -> memref<16x1024xf32, #tpu.memory_space<vmem>>
    %dma_wait3A_1203 = arith.constant 0 : i32
    %dma_wait3A_1204 = tpu.memref_slice %arg4[%mul3A_151, %dma_wait3A_1203] : memref<32768x1024xf32, #tpu.memory_space<hbm>> -> memref<16x1024xf32, #tpu.memory_space<hbm>>
    %dma_wait3A_1205 = arith.constant 0 : i32
    %dma_wait3A_1206 = tpu.memref_slice %arg4[%mul3A_151, %dma_wait3A_1205] : memref<32768x1024xf32, #tpu.memory_space<hbm>> -> memref<16x1024xf32, #tpu.memory_space<hbm>>
    %dma_wait3A_1207 = arith.constant 0 : i32
    %dma_wait3A_1208 = arith.constant 0 : i32
    %dma_wait3A_1209 = tpu.memref_slice %arg7[%dma_wait3A_1198, %dma_wait3A_1207, %dma_wait3A_1208] : memref<7x16x1024xf32, #tpu.memory_space<vmem>> -> memref<1x16x1024xf32, #tpu.memory_space<vmem>>
    %dma_wait3A_1210 = tpu.memref_squeeze %dma_wait3A_1209 : memref<1x16x1024xf32, #tpu.memory_space<vmem>> -> memref<16x1024xf32, #tpu.memory_space<vmem>>
    tpu.wait_dma2 semaphore(%arg19 : memref<!tpu.dma_semaphore, #tpu.memory_space<semaphore_mem>>) src(%dma_wait3A_1210 : memref<16x1024xf32, #tpu.memory_space<vmem>>) dst(%dma_wait3A_1206 : memref<16x1024xf32, #tpu.memory_space<hbm>>)
    %dma_wait3A_1211 = arith.constant 5 : i32
    %dma_wait3A_1212 = arith.constant 0 : i32
    %dma_wait3A_1213 = arith.constant 0 : i32
    %dma_wait3A_1214 = tpu.memref_slice %arg7[%dma_wait3A_1211, %dma_wait3A_1212, %dma_wait3A_1213] : memref<7x16x1024xf32, #tpu.memory_space<vmem>> -> memref<1x16x1024xf32, #tpu.memory_space<vmem>>
    %dma_wait3A_1215 = tpu.memref_squeeze %dma_wait3A_1214 : memref<1x16x1024xf32, #tpu.memory_space<vmem>> -> memref<16x1024xf32, #tpu.memory_space<vmem>>
    %dma_wait3A_1216 = arith.constant 0 : i32
    %dma_wait3A_1217 = tpu.memref_slice %arg4[%mul3A_151, %dma_wait3A_1216] : memref<32768x1024xf32, #tpu.memory_space<hbm>> -> memref<16x1024xf32, #tpu.memory_space<hbm>>
    %dma_wait3A_1218 = arith.constant 0 : i32
    %dma_wait3A_1219 = tpu.memref_slice %arg4[%mul3A_151, %dma_wait3A_1218] : memref<32768x1024xf32, #tpu.memory_space<hbm>> -> memref<16x1024xf32, #tpu.memory_space<hbm>>
    %dma_wait3A_1220 = arith.constant 0 : i32
    %dma_wait3A_1221 = arith.constant 0 : i32
    %dma_wait3A_1222 = tpu.memref_slice %arg7[%dma_wait3A_1211, %dma_wait3A_1220, %dma_wait3A_1221] : memref<7x16x1024xf32, #tpu.memory_space<vmem>> -> memref<1x16x1024xf32, #tpu.memory_space<vmem>>
    %dma_wait3A_1223 = tpu.memref_squeeze %dma_wait3A_1222 : memref<1x16x1024xf32, #tpu.memory_space<vmem>> -> memref<16x1024xf32, #tpu.memory_space<vmem>>
    tpu.wait_dma2 semaphore(%arg20 : memref<!tpu.dma_semaphore, #tpu.memory_space<semaphore_mem>>) src(%dma_wait3A_1223 : memref<16x1024xf32, #tpu.memory_space<vmem>>) dst(%dma_wait3A_1219 : memref<16x1024xf32, #tpu.memory_space<hbm>>)
    %dma_wait3A_1224 = arith.constant 6 : i32
    %dma_wait3A_1225 = arith.constant 0 : i32
    %dma_wait3A_1226 = arith.constant 0 : i32
    %dma_wait3A_1227 = tpu.memref_slice %arg7[%dma_wait3A_1224, %dma_wait3A_1225, %dma_wait3A_1226] : memref<7x16x1024xf32, #tpu.memory_space<vmem>> -> memref<1x16x1024xf32, #tpu.memory_space<vmem>>
    %dma_wait3A_1228 = tpu.memref_squeeze %dma_wait3A_1227 : memref<1x16x1024xf32, #tpu.memory_space<vmem>> -> memref<16x1024xf32, #tpu.memory_space<vmem>>
    %dma_wait3A_1229 = arith.constant 0 : i32
    %dma_wait3A_1230 = tpu.memref_slice %arg4[%mul3A_151, %dma_wait3A_1229] : memref<32768x1024xf32, #tpu.memory_space<hbm>> -> memref<16x1024xf32, #tpu.memory_space<hbm>>
    %dma_wait3A_1231 = arith.constant 0 : i32
    %dma_wait3A_1232 = tpu.memref_slice %arg4[%mul3A_151, %dma_wait3A_1231] : memref<32768x1024xf32, #tpu.memory_space<hbm>> -> memref<16x1024xf32, #tpu.memory_space<hbm>>
    %dma_wait3A_1233 = arith.constant 0 : i32
    %dma_wait3A_1234 = arith.constant 0 : i32
    %dma_wait3A_1235 = tpu.memref_slice %arg7[%dma_wait3A_1224, %dma_wait3A_1233, %dma_wait3A_1234] : memref<7x16x1024xf32, #tpu.memory_space<vmem>> -> memref<1x16x1024xf32, #tpu.memory_space<vmem>>
    %dma_wait3A_1236 = tpu.memref_squeeze %dma_wait3A_1235 : memref<1x16x1024xf32, #tpu.memory_space<vmem>> -> memref<16x1024xf32, #tpu.memory_space<vmem>>
    tpu.wait_dma2 semaphore(%arg21 : memref<!tpu.dma_semaphore, #tpu.memory_space<semaphore_mem>>) src(%dma_wait3A_1236 : memref<16x1024xf32, #tpu.memory_space<vmem>>) dst(%dma_wait3A_1232 : memref<16x1024xf32, #tpu.memory_space<hbm>>)
    return
  }
}

</mosaic_0001>

<sc_bundles>
// kernel: kernel.3.cloned.1.call-start
scs
__scs_entry_jumppad:
0x0: {  	(pc) =	sbr.rel $0x88, $3  }
0x1: {  	(tag) =	ssettag $0x0;
	lr =	simm.s32 $0x1  }
0x2: {  	[smem:$0x3F9F] =	sst lr;
	_ =	strace $0xD0000000  }
0x3: {  	_ = 	snop  }
0x4: {  	_ = 	snop  }
0x5: {  	_ = 	snop  }
0x6: {  	_ = 	snop  }
0x7: {  	_ = 	snop  }
__scs_overlays_trampoline_lowered:
0x8: {  	[smem:$0x3FAE] =	sst s0  }
0x9: {  	[smem:$0x3FAF] =	sst s1  }
0xa: {  	[smem:$0x3FB0] =	sst s2  }
0xb: {  	[smem:$0x3FB1] =	sst s3  }
0xc: {  	[smem:$0x3FB2] =	sst s4  }
0xd: {  	[smem:$0x3FB3] =	sst s5  }
0xe: {  	[smem:$0x3FB4] =	sst s6  }
0xf: {  	[smem:$0x3FB5] =	sst s7  }
0x10: {  	[smem:$0x3FB6] =	sst s8  }
0x11: {  	[smem:$0x3FB7] =	sst s9;
	s0 =	simm.s32 @!p0 $0x0  }
0x12: {  	s1 =	sld [smem:$0x3F9D];
	s0 =	simm.s32 @p0 $0x1  }
0x13: {  	[smem:$0x3FB8] =	sst s0;
	s0 =	simm.s32 @!p1 $0x0  }
0x14: {  	s2 =	sld [smem:$0x3F9C];
	s0 =	simm.s32 @p1 $0x1  }
0x15: {  	[smem:$0x3FB9] =	sst s0;
	s0 =	simm.s32 @!p2 $0x0  }
0x16: {  	s3 =	sld [smem:$0x3FDB];
	s0 =	simm.s32 @p2 $0x1  }
0x17: {  	s4 =	simm.s32 $0x1BF5;
	[smem:$0x3FBB] =	sst s0  }
0x18: {  	s0 =	sld [smem:$0x3F9E];
	_ =	swait.ge [sflag:s4], $0x0  }
0x19: {  	s7 =	sld [smem:$0x3F9F]  }
0x1a: {  	s8 =	sadd.s32 $0xFFFFE003, lr  }
0x1b: {  	s9 =	sadd.s32 $0xFFFFFEF7, lr;
	s5 =	simm.s32 $0xFFFFFFFF;
	p2 =	slt.u32 s8, $0xFFFFF086  }
0x1c: {  	p1 =	slt.u32 s9, $0xF7A;
	s5 =	simm.s32 @!p2 $0x0  }
0x1d: {  	s5 =	simm.s32 @p1 $0x1;
	p0 =	seq.s32 s7, s2  }
0x1e: {  	s7 =	smul.u32 @!p0 $0xF7A, s2;
	p2 =	seq.s32 @!p0 s5, $0x0  }
0x1f: {  	s9 =	smul.u32 $0xF7A, s1;
	s8 =	simm.s32 @!p0 $0x1BF5;
	p2 =	por !p2, p0  }
0x20: {  	[sflag:s8] =	ssyncset.s32 @!p0 $0xFFFFF086;
	s6 =	sadd.s32 @!p0 s3, s7;
	s7 =	simm.s32 @!p0 $0x108  }
0x21: {  	s3 =	sadd.s32 s3, s9;
	s6 =	sadd.s32 @!p0 $0x88, s6;
	s7 =	simm.s32 @p2 $0x1082  }
0x22: {  	[simem:s7], [sflag:s8] =	dma.local @!p0 [hbm:s6], $0xF7A  }
0x23: {  	s9 =	sor.u32 $0xD0000000, s2;
	s6 =	simm.s32 $0x108;
	_ =	swait.ge @!p0 [sflag:s8], $0x0  }
0x24: {  	s3 =	sadd.s32 $0x88, s3;
	s6 =	simm.s32 @!p1 $0x1082;
	[sflag:s4] =	ssyncset.s32 $0xFFFFF086  }
0x25: {  	[simem:s6], [sflag:s4] =	dma.local [hbm:s3], $0xF7A  }
0x26: {  	[smem:$0x3F9F] =	sst s1;
	(tag) =	ssettag s2;
	_ =	strace s9  }
0x27: {  	s1 =	sld [smem:$0x3FAF]  }
0x28: {  	s2 =	sld [smem:$0x3FB0]  }
0x29: {  	s4 =	sld [smem:$0x3FB2]  }
0x2a: {  	p0 =	seq.s32 s5, $0x0;
	s5 =	sld [smem:$0x3FB3]  }
0x2b: {  	s6 =	sld [smem:$0x3FB4]  }
0x2c: {  	s7 =	sld [smem:$0x3FB5]  }
0x2d: {  	s3 =	simm.s32 $0x108;
	s8 =	sld [smem:$0x3FB6]  }
0x2e: {  	s3 =	simm.s32 @!p0 $0x1082;
	s9 =	sld [smem:$0x3FB7]  }
0x2f: {  	lr =	sadd.s32 s0, s3;
	s0 =	sld [smem:$0x3FAE]  }
0x30: {  	s3 =	sld [smem:$0x3FB1]  }
0x31: {  	[smem:$0x3FBA] =	sst s10  }
0x32: {  	s10 =	sld [smem:$0x3FB8];
	_ =	sdelay $0x3  }
0x33: {  	p0 =	seq.s32 s10, $0x1;
	s10 =	sld [smem:$0x3FBA];
	_ =	sdelay $0x3  }
0x34: {  	[smem:$0x3FBA] =	sst s10  }
0x35: {  	s10 =	sld [smem:$0x3FB9];
	_ =	sdelay $0x3  }
0x36: {  	p1 =	seq.s32 s10, $0x1;
	s10 =	sld [smem:$0x3FBA];
	_ =	sdelay $0x3  }
0x37: {  	[smem:$0x3FBA] =	sst s10  }
0x38: {  	s10 =	sld [smem:$0x3FBB]  }
0x39: {  	_ = 	snop;
	(pc) =	sbr.ind lr, $3  }
0x3a: {  	_ = 	snop  }
0x3b: {  	_ = 	snop  }
0x3c: {  	p2 =	seq.s32 s10, $0x1;
	s10 =	sld [smem:$0x3FBA]  }
0x3d: {  	_ =	shalt  }
0x3e: {  	_ =	shalt  }
0x3f: {  	_ =	shalt  }
0x40: {  	_ =	shalt  }
0x41: {  	_ =	shalt  }
0x42: {  	_ =	shalt  }
0x43: {  	_ =	shalt  }
0x44: {  	_ =	shalt  }
0x45: {  	_ =	shalt  }
0x46: {  	_ =	shalt  }
0x47: {  	_ =	shalt  }
0x48: {  	_ =	shalt  }
0x49: {  	_ =	shalt  }
0x4a: {  	_ =	shalt  }
0x4b: {  	_ =	shalt  }
0x4c: {  	_ =	shalt  }
0x4d: {  	_ =	shalt  }
0x4e: {  	_ =	shalt  }
0x4f: {  	_ =	shalt  }
0x50: {  	_ =	shalt  }
0x51: {  	_ =	shalt  }
0x52: {  	_ =	shalt  }
0x53: {  	_ =	shalt  }
0x54: {  	_ =	shalt  }
0x55: {  	_ =	shalt  }
0x56: {  	_ =	shalt  }
0x57: {  	_ =	shalt  }
0x58: {  	_ =	shalt  }
0x59: {  	_ =	shalt  }
0x5a: {  	_ =	shalt  }
0x5b: {  	_ =	shalt  }
0x5c: {  	_ =	shalt  }
0x5d: {  	_ =	shalt  }
0x5e: {  	_ =	shalt  }
0x5f: {  	_ =	shalt  }
0x60: {  	_ =	shalt  }
0x61: {  	_ =	shalt  }
0x62: {  	_ =	shalt  }
0x63: {  	_ =	shalt  }
0x64: {  	_ =	shalt  }
0x65: {  	_ =	shalt  }
0x66: {  	_ =	shalt  }
0x67: {  	_ =	shalt  }
0x68: {  	_ =	shalt  }
0x69: {  	_ =	shalt  }
0x6a: {  	_ =	shalt  }
0x6b: {  	_ =	shalt  }
0x6c: {  	_ =	shalt  }
0x6d: {  	_ =	shalt  }
0x6e: {  	_ =	shalt  }
0x6f: {  	_ =	shalt  }
0x70: {  	_ =	shalt  }
0x71: {  	_ =	shalt  }
0x72: {  	_ =	shalt  }
0x73: {  	_ =	shalt  }
0x74: {  	_ =	shalt  }
0x75: {  	_ =	shalt  }
0x76: {  	_ =	shalt  }
0x77: {  	_ =	shalt  }
0x78: {  	_ =	shalt  }
0x79: {  	_ =	shalt  }
0x7a: {  	_ =	shalt  }
0x7b: {  	_ =	shalt  }
0x7c: {  	_ =	shalt  }
0x7d: {  	_ =	shalt  }
0x7e: {  	_ =	shalt  }
0x7f: {  	_ =	shalt  }
0x80: {  	_ =	shalt  }
0x81: {  	_ =	shalt  }
0x82: {  	_ =	shalt  }
0x83: {  	_ =	shalt  }
0x84: {  	_ =	shalt  }
0x85: {  	_ =	shalt  }
0x86: {  	_ =	shalt  }
0x87: {  	_ =	shalt  }
.Lfunc_end0:
.L_simem_size_0:
called_computation_lowered:
.L_overlay_start_0:
0x88: {  	s2 =	sld [smem:$0x3FD9]  }
0x89: {  	s3 =	sld [smem:$0x3FFE];
	_ =	sdelay $0x1  }
0x8a: {  	s1 =	srdreg.scid  }
0x8b: {  	s0 =	sand.u32 $0x1, s1  }
0x8c: {  	s18 =	sshll.u32 s0, $0xA;
	s2 =	sadd.s32 s3, s2  }
0x8d: {  	s2 =	sadd.s32 s2, s18  }
0x8e: {  	[smem:$0x3FC6] =	sst s2  }
0x8f: {  	_ = 	snop  }
0x90: {  	s2 =	sld [smem:$0x3FC9]  }
0x91: {  	s19 =	sld [smem:$0x3FC8]  }
0x92: {  	s4 =	sld [smem:$0x3FD0];
	(tm) =	ssettm $0x1  }
0x93: {  	s5 =	sld [smem:$0x3FFB];
	_ =	sdelay $0x3  }
0x94: {  	_ =	strace s5  }
0x95: {  	s5 =	sld [smem:$0x3FFC];
	_ =	sdelay $0x3  }
0x96: {  	_ =	strace s5  }
0x97: {  	s5 =	sld [smem:$0x3FFD];
	_ =	sdelay $0x3  }
0x98: {  	_ =	strace s5  }
0x99: {  	_ =	strace $0x8FFFFFFF  }
0x9a: {  	s20 =	sld [smem:$0x3FDB];
	_ =	sdelay $0x1  }
0x9b: {  	s6 =	simm.s32 $_scs_section_size  }
0x9c: {  	s7 =	simm.s32 $_size__tile_overlayer_lowered;
	s8 =	simm.s32 $_tile_overlayer_lowered  }
0x9d: {  	s23 =	simm.s32 $0x1BFF;
	s22 =	sshll.u32 s8, $0x1;
	s5 =	sadd.s32 s6, s20  }
0x9e: {  	s9 =	simm.s32 $0x0;
	s21 =	sshll.u32 s7, $0x1;
	s7 =	sadd.s32 s22, s5  }
0x9f: {  	[timem:s9], [sflag:s23] =	dma.local [hbm:s7], s21  }
0xa0: {  	_ =	swait.ge [sflag:s23], s21  }
0xa1: {  	s6 =	ssub.s32 $0x0, s21;
	[sflag:s23] =	ssyncset.done $0x0  }
0xa2: {  	[sflag:s23] =	ssyncadd.s32 s6;
	_ =	sdelay $0x1  }
0xa3: {  	s24 =	simm.s32 $0x1B8B  }
0xa4: {  	_ =	swait.ge [sflag:s24], $0x1  }
0xa5: {  	[sflag:s24] =	ssyncset.done $0x0  }
0xa6: {  	s25 =	simm.s32 $0x1B8E;
	[sflag:s24] =	ssyncadd.s32 $0xFFFFFFFF  }
0xa7: {  	s26 =	simm.s32 $execute0_lowered;
	[smem:$0x3FD2] =	sst s25  }
0xa8: {  	s6 =	sshll.u32 s26, $0x1;
	_ =	strace $0x80000046;
	[dreg:$0x1] =	wrdreg $0xFFFFFFFF  }
0xa9: {  	s28 =	simm.s32 $_size_execute0_lowered;
	s5 =	sadd.s32 s5, s6;
	[dreg:$0x0] =	wrdreg $0x0  }
0xaa: {  	s6 =	sshll.u32 s28, $0x1;
	[dreg:$0x2] =	wrdreg s5  }
0xab: {  	[dreg:$0x3] =	wrdreg s6  }
0xac: {  	[dreg:$0x4] =	wrdreg $0xC0  }
0xad: {  	_ =	task [dreg:s9], $0x5FFFF  }
0xae: {  	[dreg:$0x1] =	wrdreg $0xFFFFFFFF  }
0xaf: {  	[dreg:$0x0] =	wrdreg $0x60  }
0xb0: {  	[dreg:$0x2] =	wrdreg s2  }
0xb1: {  	[dreg:$0x3] =	wrdreg s19  }
0xb2: {  	[dreg:$0x4] =	wrdreg s4  }
0xb3: {  	[dreg:$0x5] =	wrdreg $0x9  }
0xb4: {  	_ =	task.clear_ibuf [dreg:s9], $0x6FFFF;
	_ =	strace $0x90000046  }
0xb5: {  	s29 =	simm.s32 $0x9;
	_ =	strace $0x80000048  }
0xb6: {  	_ =	swait.ge [sflag:s29], $0x1  }
0xb7: {  	[sflag:s29] =	ssyncadd.s32 $0xFFFFFFFF  }
0xb8: {  	_ =	strace $0x90000048  }
0xb9: {  	_ =	sfence  }
0xba: {  	s30 =	sld [smem:$0x0];
	_ =	sdelay $0x2  }
0xbb: {  	s31 =	sshll.u32 s1, $0xD;
	s1 =	sshrl.u32 s1, $0x2  }
0xbc: {  	s3 =	sand.u32 $0x4000, s31;
	s1 =	sadd.s32 s1, s30  }
0xbd: {  	s0 =	sor.u32 s3, s0;
	s1 =	sshll.u32 s1, $0x11  }
0xbe: {  	s0 =	sor.u32 s1, s0  }
0xbf: {  	s0 =	sadd.s32 $0x8F2B, s0  }
0xc0: {  	[sflag:s0] =	ssyncadd.remote.s32 $0x1  }
0xc1: {  	_ =	sfence.sel $0xFFFF  }
0xc2: {  	[dreg:$0x0] =	wrdreg $0xFFFFFFFF;
	(pc) =	sbr.abs _section_cstart, $3  }
0xc3: {  	[dreg:$0x1] =	wrdreg $0xFFFFFFFF  }
0xc4: {  	_ =	task.clear_ibuf [dreg:s9], $0x2FFFF;
	_ =	strace $0x9FFFFFFF  }
0xc5: {  	(tm) =	ssettm $0x7FFFFFFF  }
tec
execute0_lowered:
.L_overlay_start_1:
0x0: {  	(tag) =	ssettag $0x1  }
0x1: {  	s0 =	rddreg [dreg:$0x0]  }
0x2: {  	s1 =	rddreg [dreg:$0x1]  }
0x3: {  	s17 =	rddreg [dreg:$0x2];
	s3 =	simm.s32 $0x0;
	s2 =	srdreg.scid  }
0x4: {  	s22 =	stileid.u32;
	s31 =	simm.s32 $0x4800;
	s28 =	simm.s32 $0x3  }
0x5: {  	s29 =	simm.s32 $0x4;
	s30 =	simm.s32 $0x5;
	[smem:$0x7FF] =	sst s3  }
0x6: {  	s18 =	sand.u32 $0x1, s2;
	s9 =	sshll.u32 s22, $0x1;
	s5 =	sshll.u32 s22, $0x2  }
0x7: {  	s7 =	sadd.s32 $0x200, s1;
	s8 =	sadd.s32 $0x300, s1;
	s12 =	sand.u32 $0x3, s22  }
0x8: {  	s25 =	sshll.u32 s22, $0x12;
	_ =	strace $0x80000047;
	s4 =	ssub.s32 $0x2, s18  }
0x9: {  	v1 =	vimm.s32 $0xEDCBA987;
	s2 =	sor.u32 s18, s9;
	s10 =	sand.u32 $0x30, s5;
	s11 =	sshll.u32 s18, $0x14  }
0xa: {  	v0 =	vlaneseq.u32;
	v3 =	vimm.s32 $0x65432100;
	v10 =	vimm.s32 $0xDCBA9876;
	s6 =	sshrl.u32 s4, $0x1;
	s19 =	sand.u32 $0x7, s2;
	s0 =	sadd.s32 s0, s10  }
0xb: {  	vm0 =	vcmask $0x300;
	v12 =	vimm.s32 $0xFFFFFFFF;
	v13 =	vimm.s32 $0xE40000;
	s10 =	sshll.u32 s22, $0x15;
	s20 =	ssub.s32 s4, s6;
	s4 =	sshll.u32 s19, $0xA  }
0xc: {  	v14 =	vimm.s32 $0xBA987654;
	v15 =	vimm.s32 $0x32100000;
	v16 =	vimm.s32 $0x7060504;
	[dreg:$0x4] =	wrdreg s0;
	s6 =	sadd.s32 $0x100, s1;
	s14 =	sor.u32 s11, s10  }
0xd: {  	v5 =	vunpack.c.l.s4.s8 v1;
	v7 =	vunpack.c.l.s4.s8 v3;
	v10 =	vunpack.c.l.s4.s8 v10;
	s11 =	sshll.u32 s12, $0x5;
	s12 =	sshll.u32 s18, $0x4;
	s18 =	sshll.u32 s18, $0x11  }
0xe: {  	v13 =	vunpack.c.l.s2.s4 v13;
	v14 =	vunpack.c.l.s4.s8 v14;
	v15 =	vunpack.c.l.s4.s8 v15;
	p0 =	seq.s32 s19, $0x0;
	s9 =	sor.u32 $0x10, s4;
	s16 =	sor.u32 $0x20, s4  }
0xf: {  	v16 =	vunpack.c.0.s8.s32 v16;
	v18 =	vshrl.u32 v0, $0x3;
	v19 =	vor.u32 $0x8, v0;
	s2 =	sor.u32 $0x30, s4;
	s5 =	sor.u32 $0x40, s4;
	s0 =	sor.u32 $0x50, s4  }
0x10: {  	v8 =	vunpack.c.0.s8.s32 v5;
	v9 =	vunpack.c.0.s8.s32 v7;
	v10 =	vunpack.c.0.s8.s32 v10;
	s13 =	sor.u32 $0x18000, s14;
	s10 =	sor.u32 s12, s11;
	s21 =	sor.u32 $0x14000, s14  }
0x11: {  	v13 =	vunpack.c.l.s4.s8 v13;
	v14 =	vunpack.c.0.s8.s32 v14;
	v15 =	vunpack.c.0.s8.s32 v15;
	s23 =	sor.u32 $0x10000, s14;
	s26 =	sor.u32 $0x60, s4;
	s20 =	smax.u32 s20, $0x1  }
0x12: {  	v7 =	vor.u32 s4, v0;
	v8 =	vand.u32 $0xF, v8;
	v10 =	vand.u32 $0xF, v10;
	[dreg:$0x5] =	wrdreg s10;
	s15 =	sshrl.u32 s13, $0x3;
	s11 =	sshrl.u32 s21, $0x3  }
0x13: {  	v13 =	vunpack.c.0.s8.s32 v13;
	s12 =	sshrl.u32 s23, $0x3;
	s13 =	sor.u32 $0xC000, s14;
	s21 =	sor.u32 $0x4000, s14;
	v8 =	vcombine.low v9, v8;
	v9 =	vimm.s32 $0x54321000  }
0x14: {  	v14 =	vand.u32 $0xF, v14;
	[dreg:$0x6] =	wrdreg s20;
	v4 =	vor.u32 s5, v0;
	s5 =	simm.s32 $0x8;
	s23 =	simm.s32 $0xC;
	v11 =	vunpack.c.l.s4.s8 v9  }
0x15: {  	v1 =	vor.u32 s9, v0;
	v2 =	vor.u32 s16, v0;
	v6 =	vor.u32 s26, v0;
	s26 =	simm.s32 $0x2;
	s9 =	simm.s32 $0x6;
	s16 =	simm.s32 $0x7  }
0x16: {  	v3 =	vor.u32 s2, v0;
	v5 =	vor.u32 s0, v0;
	s2 =	simm.s32 $0x0;
	s10 =	sadd.s32 s15, s17;
	s11 =	sadd.s32 s11, s17;
	v11 =	vunpack.c.0.s8.s32 v11  }
.Ltmp0:
0x17: {  	s12 =	sadd.s32 s12, s17;
	s15 =	sor.u32 $0x8000, s14;
	v9 =	vsel vm0, $0x0, v12;
	vm0 =	vcmask $0x700;
	v17 =	vand.u32 $0x3, v13;
	(pc) =	sbr.rel .LBB2_1-.Ltmp0, $4  }
0x18: {  	s13 =	sshrl.u32 s13, $0x3;
	s24 =	sshrl.u32 s21, $0x3;
	s15 =	sshrl.u32 s15, $0x3;
	v10 =	vcombine.low v11, v10;
	v11 =	vsel vm0, $0x0, v12;
	vm0 =	vcmask $0xF00  }
0x19: {  	s21 =	simm.s32 $0x4000;
	v13 =	vcombine.low v15, v14;
	s13 =	sadd.s32 s13, s17;
	s14 =	sadd.s32 s15, s17;
	v12 =	vsel vm0, $0x0, v12;
	vm0 =	vcmask $0x3F30  }
0x1a: {  	v15 =	vmul.u32 $0xFFFFFFFF, v18;
	v18 =	vmul.u32 $0x8, v18;
	s15 =	sadd.s32 s24, s17;
	s17 =	sadd.s32 s25, s17;
	s24 =	simm.s32 $0xD;
	v14 =	vsel vm0, v16, v17  }
0x1b: {  	s25 =	simm.s32 $0xE;
	s17 =	sadd.s32 s18, s17;
	s18 =	simm.s32 $0x1;
	v16 =	vimm.s32 $0xF;
	v17 =	vand.u32 $0x7, v0;
	vm0 =	vmmov $0xffff  }
.LBB2_12:
0x1c: {  	_ =	swait.ge [sflag:s5], $0x4000  }
0x1d: {  	[sflag:s5] =	ssyncset.done $0x0  }
0x1e: {  	s0 =	simm.s32 $0x9;
	[sflag:s5] =	ssyncadd.s32 $0xFFFFC000  }
0x1f: {  	_ =	swait.ge [sflag:s0], $0x4000  }
0x20: {  	[sflag:s0] =	ssyncset.done $0x0  }
0x21: {  	s19 =	simm.s32 $0xA;
	[sflag:s0] =	ssyncadd.s32 $0xFFFFC000  }
0x22: {  	_ =	swait.ge [sflag:s19], $0x4000  }
0x23: {  	[sflag:s19] =	ssyncset.done $0x0  }
0x24: {  	s20 =	simm.s32 $0xB;
	[sflag:s19] =	ssyncadd.s32 $0xFFFFC000  }
0x25: {  	_ =	swait.ge [sflag:s20], $0x4000  }
0x26: {  	[sflag:s20] =	ssyncset.done $0x0  }
0x27: {  	[sflag:s20] =	ssyncadd.s32 $0xFFFFC000  }
0x28: {  	_ =	swait.ge [sflag:s23], $0x4000  }
0x29: {  	[sflag:s23] =	ssyncset.done $0x0  }
0x2a: {  	[sflag:s23] =	ssyncadd.s32 $0xFFFFC000  }
0x2b: {  	_ =	swait.ge [sflag:s24], $0x4000  }
0x2c: {  	[sflag:s24] =	ssyncset.done $0x0  }
0x2d: {  	[sflag:s24] =	ssyncadd.s32 $0xFFFFC000  }
0x2e: {  	_ =	swait.ge [sflag:s25], $0x4000  }
0x2f: {  	s2 =	rddreg [dreg:$0x7]  }
0x30: {  	s22 =	rddreg [dreg:$0x6];
	s2 =	sadd.s32 $0x1, s2  }
0x31: {  	p1 =	sne.s32 s2, s22  }
.Ltmp1:
0x32: {  	_ = 	snop;
	(pc) =	sbr.rel @!p1 .LBB2_13-.Ltmp1, $3  }
0x33: {  	_ =	sdelay $0x1  }
0x34: {  	[sflag:s25] =	ssyncset.done $0x0  }
0x35: {  	[sflag:s25] =	ssyncadd.s32 $0xFFFFC000  }
.LBB2_1:
0x36: {  	[dreg:$0x7] =	wrdreg s2  }
0x37: {  	s0 =	rddreg [dreg:$0x4];
	s20 =	simm.s32 $0x80  }
.Ltmp2:
0x38: {  	s19 =	simm.s32 $0x200;
	s22 =	simm.s32 $0xF;
	(pc) =	sbr.rel @p0 .LBB2_5-.Ltmp2, $4  }
0x39: {  	[tilespmem:s3], [sflag:$0xF] =	stream.strided.gather [hbm4b:s0+s20], $0x2000, s19, s20, $0x38;
	v63 =	vld [tilespmem:$0x0]  }
0x3a: {  	_ =	swait.ge [sflag:s22], $0x2000  }
0x3b: {  	[sflag:s22] =	ssyncset.done $0x0  }
0x3c: {  	v20 =	vimm.s32 $0x0;
	s0 =	simm.s32 $0x20;
	[sflag:s22] =	ssyncadd.s32 $0xFFFFE000  }
0x3d: {  	v25 =	vld [tilespmem:s0+$0x10]  }
0x3e: {  	v28 =	vld [tilespmem:s0+$0x0]  }
0x3f: {  	v29 =	vld [tilespmem:s0+$0xFFFFFFE0]  }
0x40: {  	v31 =	vld [tilespmem:s0+$0xFFFFFFF0];
	_ =	sdelay $0x2  }
0x41: {  	s2 =	rddreg [dreg:$0x5]  }
0x42: {  	p1 =	sne.s32 s2, $0x1;
	v21 =	vadd.s32 $0xFFFF3BAD, v28;
	v22 =	vadd.s32 $0xFFFF3BAD, v25;
	v32 =	vadd.s32 $0xFFFF3BAD, v29  }
.Ltmp3:
0x43: {  	v23 =	vadd.s32 $0xFFFF3BAD, v31;
	v24 =	vadd.s32 $0xFFFF3BAF, v25;
	v25 =	vadd.s32 $0xFFFF3BAE, v25;
	(pc) =	sbr.rel @!p1 .LBB2_4-.Ltmp3, $4  }
0x44: {  	v26 =	vadd.s32 $0xFFFF3BAF, v29;
	v27 =	vadd.s32 $0xFFFF3BAF, v28;
	v28 =	vadd.s32 $0xFFFF3BAE, v28  }
0x45: {  	v29 =	vadd.s32 $0xFFFF3BAE, v29;
	v30 =	vadd.s32 $0xFFFF3BAF, v31;
	v31 =	vadd.s32 $0xFFFF3BAE, v31  }
0x46: {  	v33 =	vsub.s32 $0x0, v32;
	v34 =	vsub.s32 $0x0, v21;
	v35 =	vsub.s32 $0x0, v22  }
0x47: {  	s19 =	sadd.s32 $0xFFFFFFFF, s2;
	v36 =	vsub.s32 $0x0, v23;
	v37 =	vsub.s32 $0x0, v24;
	v38 =	vsub.s32 $0x0, v25  }
.LBB2_3:
0x48: {  	p1 =	sne.s32 s19, $0x1;
	v39 =	vsub.s32 $0x0, v26;
	v40 =	vsub.s32 $0x0, v27;
	v41 =	vsub.s32 $0x0, v28  }
0x49: {  	v42 =	vsub.s32 $0x0, v29;
	v43 =	vsub.s32 $0x0, v30;
	v44 =	vsub.s32 $0x0, v31  }
0x4a: {  	v32 =	vmin.u32 v32, v33;
	v21 =	vmin.u32 v21, v34;
	v22 =	vmin.u32 v22, v35  }
0x4b: {  	v23 =	vmin.u32 v23, v36;
	v24 =	vmin.u32 v24, v37;
	v25 =	vmin.u32 v25, v38  }
0x4c: {  	v26 =	vmin.u32 v26, v39;
	v27 =	vmin.u32 v27, v40;
	v28 =	vmin.u32 v28, v41  }
0x4d: {  	v29 =	vmin.u32 v29, v42;
	v30 =	vmin.u32 v30, v43;
	v31 =	vmin.u32 v31, v44  }
0x4e: {  	vm3 =	vlt.s32 v24, v25;
	vm1 =	vlt.s32 v26, v29;
	vm2 =	vlt.s32 v27, v28  }
0x4f: {  	s0 =	sadd.s32 $0x40, s0;
	vm4 =	vlt.s32 v30, v31;
	v24 =	vsel vm3, v24, v25;
	v27 =	vsel vm2, v27, v28  }
0x50: {  	v26 =	vsel vm1, v26, v29;
	v28 =	vsel vm4, v30, v31;
	vm1 =	vlt.s32 v24, v22;
	v25 =	vld [tilespmem:s0+$0x10]  }
0x51: {  	vm2 =	vlt.s32 v26, v32;
	vm3 =	vlt.s32 v28, v23;
	vm4 =	vlt.s32 v27, v21;
	v29 =	vld [tilespmem:s0+$0x0]  }
0x52: {  	v22 =	vsel vm1, v24, v22;
	v26 =	vsel vm2, v26, v32;
	v23 =	vsel vm3, v28, v23;
	v30 =	vld [tilespmem:s0+$0xFFFFFFE0]  }
0x53: {  	v21 =	vsel vm4, v27, v21;
	vm1 =	vlt.s32 v26, $0x1;
	vm2 =	vlt.s32 v23, $0x1;
	v31 =	vld [tilespmem:s0+$0xFFFFFFF0]  }
0x54: {  	v24 =	vnsel vm1, $0x1, v26;
	v23 =	vnsel vm2, $0x1, v23;
	vm1 =	vlt.s32 v21, $0x1  }
0x55: {  	v21 =	vnsel vm1, $0x1, v21;
	vm1 =	vlt.s32 v22, $0x1;
	v23 =	vadd.s32 v23, v24  }
0x56: {  	v24 =	vnsel vm1, $0x1, v22;
	v23 =	vadd.s32 v21, v23  }
0x57: {  	v24 =	vadd.s32 v24, v23;
	v22 =	vadd.s32 $0xFFFF3BAD, v25;
	v21 =	vadd.s32 $0xFFFF3BAD, v29  }
0x58: {  	v20 =	vsub.s32 v20, v24;
	v32 =	vadd.s32 $0xFFFF3BAD, v30;
	v23 =	vadd.s32 $0xFFFF3BAD, v31  }
.Ltmp4:
0x59: {  	v20 =	vadd.s32 $0x4, v20;
	v24 =	vadd.s32 $0xFFFF3BAF, v25;
	v25 =	vadd.s32 $0xFFFF3BAE, v25;
	(pc) =	sbr.rel @p1 .LBB2_3-.Ltmp4, $4  }
0x5a: {  	v27 =	vadd.s32 $0xFFFF3BAF, v29;
	v28 =	vadd.s32 $0xFFFF3BAE, v29;
	v26 =	vadd.s32 $0xFFFF3BAF, v30  }
0x5b: {  	v29 =	vadd.s32 $0xFFFF3BAE, v30;
	v30 =	vadd.s32 $0xFFFF3BAF, v31;
	v31 =	vadd.s32 $0xFFFF3BAE, v31  }
0x5c: {  	v35 =	vsub.s32 $0x0, v22;
	v34 =	vsub.s32 $0x0, v21;
	v33 =	vsub.s32 $0x0, v32  }
0x5d: {  	s19 =	sadd.s32 $0xFFFFFFFF, s19;
	v37 =	vsub.s32 $0x0, v24;
	v38 =	vsub.s32 $0x0, v25;
	v36 =	vsub.s32 $0x0, v23  }
.LBB2_4:
0x5e: {  	v39 =	vsub.s32 $0x0, v26;
	v40 =	vsub.s32 $0x0, v27;
	v41 =	vsub.s32 $0x0, v28  }
0x5f: {  	v42 =	vsub.s32 $0x0, v29;
	v43 =	vsub.s32 $0x0, v30;
	v44 =	vsub.s32 $0x0, v31  }
0x60: {  	v32 =	vmin.u32 v32, v33;
	v21 =	vmin.u32 v21, v34;
	v22 =	vmin.u32 v22, v35  }
0x61: {  	v23 =	vmin.u32 v23, v36;
	v24 =	vmin.u32 v24, v37;
	v25 =	vmin.u32 v25, v38  }
0x62: {  	v26 =	vmin.u32 v26, v39;
	v27 =	vmin.u32 v27, v40;
	v28 =	vmin.u32 v28, v41  }
0x63: {  	v29 =	vmin.u32 v29, v42;
	v30 =	vmin.u32 v30, v43;
	v31 =	vmin.u32 v31, v44  }
0x64: {  	vm3 =	vlt.s32 v24, v25;
	vm1 =	vlt.s32 v26, v29;
	vm2 =	vlt.s32 v27, v28  }
0x65: {  	vm4 =	vlt.s32 v30, v31;
	v24 =	vsel vm3, v24, v25;
	v27 =	vsel vm2, v27, v28  }
0x66: {  	v60 =	vsel vm1, v26, v29;
	v61 =	vsel vm4, v30, v31;
	vm1 =	vlt.s32 v24, v22  }
0x67: {  	vm2 =	vlt.s32 v60, v32;
	vm3 =	vlt.s32 v61, v23;
	vm15 =	vlt.s32 v27, v21  }
0x68: {  	v22 =	vsel vm1, v24, v22;
	v25 =	vsel vm2, v60, v32;
	v23 =	vsel vm3, v61, v23  }
0x69: {  	v21 =	vsel vm15, v27, v21;
	vm1 =	vlt.s32 v25, $0x1;
	vm2 =	vlt.s32 v23, $0x1  }
0x6a: {  	v62 =	vnsel vm1, $0x1, v25;
	v23 =	vnsel vm2, $0x1, v23;
	vm1 =	vlt.s32 v21, $0x1  }
0x6b: {  	v21 =	vnsel vm1, $0x1, v21;
	vm1 =	vlt.s32 v22, $0x1;
	v23 =	vadd.s32 v23, v62  }
0x6c: {  	v22 =	vnsel vm1, $0x1, v22;
	v21 =	vadd.s32 v21, v23  }
0x6d: {  	v21 =	vadd.s32 v22, v21  }
0x6e: {  	v20 =	vsub.s32 v20, v21  }
0x6f: {  	v20 =	vadd.s32 $0x4, v20  }
.LBB2_5:
0x70: {  	v21 =	vld [tilespmem:s4+$0x0];
	_ =	sdelay $0x4  }
0x71: {  	v22 =	vadd.s32 $0xFFFF3BAF, v21;
	v23 =	vadd.s32 $0xFFFF3BAE, v21  }
0x72: {  	v24 =	vsub.s32 $0x0, v22;
	v25 =	vsub.s32 $0x0, v23  }
0x73: {  	v21 =	vadd.s32 $0xFFFF3BAD, v21;
	v22 =	vmin.u32 v22, v24;
	v23 =	vmin.u32 v23, v25  }
0x74: {  	v28 =	vsub.s32 $0x0, v21;
	vm1 =	vlt.s32 v22, v23  }
0x75: {  	v21 =	vmin.u32 v21, v28;
	v22 =	vsel vm1, v22, v23  }
0x76: {  	vm1 =	vlt.s32 v22, v21  }
0x77: {  	v21 =	vsel vm1, v22, v21  }
0x78: {  	vm1 =	vlt.s32 v21, $0x1  }
0x79: {  	v22 =	vperm.xlane v20, v8;
	v21 =	vnsel vm1, $0x1, v21  }
0x7a: {  	v21 =	vsub.s32 $0x1, v21  }
0x7b: {  	v22 =	vand.u32 v9, v22;
	v23 =	vperm.xlane v21, v8  }
0x7c: {  	v20 =	vadd.s32 v20, v22  }
0x7d: {  	v22 =	vperm.xlane v20, v10;
	v23 =	vand.u32 v9, v23  }
0x7e: {  	v21 =	vadd.s32 v23, v21  }
0x7f: {  	v22 =	vand.u32 v11, v22;
	v23 =	vperm.xlane v21, v10  }
0x80: {  	v20 =	vadd.s32 v22, v20  }
0x81: {  	v22 =	vperm.xlane v20, v13;
	v23 =	vand.u32 v11, v23  }
0x82: {  	v21 =	vadd.s32 v23, v21  }
0x83: {  	v22 =	vand.u32 v12, v22;
	v23 =	vperm.xlane v21, v13  }
0x84: {  	v20 =	vadd.s32 v22, v20  }
0x85: {  	v22 =	vperm.xlane v20, v14;
	v23 =	vand.u32 v12, v23  }
0x86: {  	v21 =	vadd.s32 v23, v21  }
0x87: {  	v22 =	vand.u32 v15, v22;
	v23 =	vperm.xlane v21, v14  }
0x88: {  	v20 =	vadd.s32 v22, v20  }
0x89: {  	v20 =	vperm.xlane v20, v16;
	v22 =	vand.u32 v15, v23  }
0x8a: {  	v21 =	vadd.s32 v22, v21  }
0x8b: {  	v22 =	vadd.s32 v21, v20  }
0x8c: {  	v22 =	vsub.s32 v7, v22  }
0x8d: {  	vm1 =	vgt.s32 v22, $0x0  }
0x8e: {  	v22 =	vnsel vm1, $0x0, v22  }
0x8f: {  	v22 =	vmin.u32 v22, $0x1FFF  }
0x90: {  	v23 =	vshll.u32 v22, $0x3  }
0x91: {  	v29 =	vand.u32 $0x7, v22;
	v23 =	vand.u32 $0xFFC0, v23  }
0x92: {  	v23 =	vor.u32 v29, v23  }
0x93: {  	v24 =	vperm.xlane v23, v17;
	_ =	sdelay $0x1  }
0x94: {  	v24 =	vadd.s32 v18, v24;
	_ =	sdelay $0x3  }
0x95: {  	[tilespmem:$0x2000] =	vst v22  }
0x96: {  	[tilespmem:s21], [sflag:$0x1] =	stream.indirect_vreg.gather [hbm4b:s1+s3], $0x80, v24, vm0, $0xb8;
	v63 =	vld [tilespmem:$0x0]  }
0x97: {  	v22 =	vperm.xlane v23, v19  }
0x98: {  	[tilespmem:s31], [sflag:$0x1] =	stream.indirect_vreg.gather [hbm4b:s6+s3], $0x80, v24, vm0, $0xb8;
	v63 =	vld [tilespmem:$0x0]  }
0x99: {  	s0 =	simm.s32 $0x5000;
	v22 =	vadd.s32 v18, v22  }
0x9a: {  	[tilespmem:s0], [sflag:$0x1] =	stream.indirect_vreg.gather [hbm4b:s7+s3], $0x80, v24, vm0, $0xb8;
	v63 =	vld [tilespmem:$0x0]  }
0x9b: {  	s20 =	simm.s32 $0x5800  }
0x9c: {  	[tilespmem:s20], [sflag:$0x1] =	stream.indirect_vreg.gather [hbm4b:s8+s3], $0x80, v24, vm0, $0xb8;
	v63 =	vld [tilespmem:$0x0]  }
0x9d: {  	s22 =	simm.s32 $0x6000  }
0x9e: {  	[tilespmem:s22], [sflag:$0x1] =	stream.indirect_vreg.gather [hbm4b:s1+s3], $0x80, v22, vm0, $0xb8;
	v63 =	vld [tilespmem:$0x0]  }
0x9f: {  	s2 =	simm.s32 $0x6800  }
0xa0: {  	[tilespmem:s2], [sflag:$0x1] =	stream.indirect_vreg.gather [hbm4b:s6+s3], $0x80, v22, vm0, $0xb8;
	v63 =	vld [tilespmem:$0x0]  }
0xa1: {  	s19 =	simm.s32 $0x7000  }
0xa2: {  	[tilespmem:s19], [sflag:$0x1] =	stream.indirect_vreg.gather [hbm4b:s7+s3], $0x80, v22, vm0, $0xb8;
	v63 =	vld [tilespmem:$0x0]  }
0xa3: {  	s20 =	simm.s32 $0x7800  }
0xa4: {  	[tilespmem:s20], [sflag:$0x1] =	stream.indirect_vreg.gather [hbm4b:s8+s3], $0x80, v22, vm0, $0xb8;
	v63 =	vld [tilespmem:$0x0]  }
0xa5: {  	v22 =	vld [tilespmem:s4+$0x10];
	_ =	sdelay $0x4  }
0xa6: {  	v23 =	vadd.s32 $0xFFFF3BAF, v22;
	v30 =	vadd.s32 $0xFFFF3BAE, v22  }
0xa7: {  	v31 =	vsub.s32 $0x0, v23;
	v26 =	vsub.s32 $0x0, v30  }
0xa8: {  	v22 =	vadd.s32 $0xFFFF3BAD, v22;
	v23 =	vmin.u32 v23, v31;
	v24 =	vmin.u32 v30, v26  }
0xa9: {  	v32 =	vsub.s32 $0x0, v22;
	vm1 =	vlt.s32 v23, v24  }
0xaa: {  	v22 =	vmin.u32 v22, v32;
	v23 =	vsel vm1, v23, v24  }
0xab: {  	vm1 =	vlt.s32 v23, v22  }
0xac: {  	v22 =	vsel vm1, v23, v22  }
0xad: {  	vm1 =	vlt.s32 v22, $0x1  }
0xae: {  	v22 =	vnsel vm1, $0x1, v22  }
0xaf: {  	v22 =	vsub.s32 $0x1, v22  }
0xb0: {  	v23 =	vperm.xlane v22, v8;
	_ =	sdelay $0x1  }
0xb1: {  	v23 =	vand.u32 v9, v23  }
0xb2: {  	v22 =	vadd.s32 v23, v22  }
0xb3: {  	v23 =	vperm.xlane v22, v10;
	_ =	sdelay $0x1  }
0xb4: {  	v23 =	vand.u32 v11, v23  }
0xb5: {  	v22 =	vadd.s32 v23, v22  }
0xb6: {  	v23 =	vperm.xlane v22, v13;
	_ =	sdelay $0x1  }
0xb7: {  	v23 =	vand.u32 v12, v23  }
0xb8: {  	v22 =	vadd.s32 v23, v22  }
0xb9: {  	v23 =	vperm.xlane v22, v14  }
0xba: {  	v21 =	vperm.xlane v21, v16  }
0xbb: {  	v23 =	vand.u32 v15, v23  }
0xbc: {  	v20 =	vadd.s32 v20, v21;
	v21 =	vadd.s32 v23, v22  }
0xbd: {  	v22 =	vadd.s32 v21, v20  }
0xbe: {  	v22 =	vsub.s32 v1, v22  }
0xbf: {  	vm1 =	vgt.s32 v22, $0x0  }
0xc0: {  	v22 =	vnsel vm1, $0x0, v22  }
0xc1: {  	v22 =	vmin.u32 v22, $0x1FFF  }
0xc2: {  	v23 =	vshll.u32 v22, $0x3  }
0xc3: {  	v33 =	vand.u32 $0x7, v22;
	v23 =	vand.u32 $0xFFC0, v23  }
0xc4: {  	v23 =	vor.u32 v33, v23  }
0xc5: {  	v24 =	vperm.xlane v23, v17;
	_ =	sdelay $0x1  }
0xc6: {  	v24 =	vadd.s32 v18, v24;
	_ =	sdelay $0x3  }
0xc7: {  	s22 =	simm.s32 $0x8000;
	[tilespmem:$0x2080] =	vst v22  }
0xc8: {  	[tilespmem:s22], [sflag:$0x2] =	stream.indirect_vreg.gather [hbm4b:s1+s3], $0x80, v24, vm0, $0xb8;
	v63 =	vld [tilespmem:$0x0]  }
0xc9: {  	s2 =	simm.s32 $0x8800;
	v22 =	vperm.xlane v23, v19  }
0xca: {  	[tilespmem:s2], [sflag:$0x2] =	stream.indirect_vreg.gather [hbm4b:s6+s3], $0x80, v24, vm0, $0xb8;
	v63 =	vld [tilespmem:$0x0]  }
0xcb: {  	s19 =	simm.s32 $0x9000;
	v22 =	vadd.s32 v18, v22  }
0xcc: {  	[tilespmem:s19], [sflag:$0x2] =	stream.indirect_vreg.gather [hbm4b:s7+s3], $0x80, v24, vm0, $0xb8;
	v63 =	vld [tilespmem:$0x0]  }
0xcd: {  	s20 =	simm.s32 $0x9800  }
0xce: {  	[tilespmem:s20], [sflag:$0x2] =	stream.indirect_vreg.gather [hbm4b:s8+s3], $0x80, v24, vm0, $0xb8;
	v63 =	vld [tilespmem:$0x0]  }
0xcf: {  	s22 =	simm.s32 $0xA000  }
0xd0: {  	[tilespmem:s22], [sflag:$0x2] =	stream.indirect_vreg.gather [hbm4b:s1+s3], $0x80, v22, vm0, $0xb8;
	v63 =	vld [tilespmem:$0x0]  }
0xd1: {  	s2 =	simm.s32 $0xA800  }
0xd2: {  	[tilespmem:s2], [sflag:$0x2] =	stream.indirect_vreg.gather [hbm4b:s6+s3], $0x80, v22, vm0, $0xb8;
	v63 =	vld [tilespmem:$0x0]  }
0xd3: {  	s19 =	simm.s32 $0xB000  }
0xd4: {  	[tilespmem:s19], [sflag:$0x2] =	stream.indirect_vreg.gather [hbm4b:s7+s3], $0x80, v22, vm0, $0xb8;
	v63 =	vld [tilespmem:$0x0]  }
0xd5: {  	s20 =	simm.s32 $0xB800  }
0xd6: {  	[tilespmem:s20], [sflag:$0x2] =	stream.indirect_vreg.gather [hbm4b:s8+s3], $0x80, v22, vm0, $0xb8;
	v63 =	vld [tilespmem:$0x0]  }
0xd7: {  	v22 =	vld [tilespmem:s4+$0x20];
	_ =	sdelay $0x4  }
0xd8: {  	v23 =	vadd.s32 $0xFFFF3BAF, v22;
	v34 =	vadd.s32 $0xFFFF3BAE, v22  }
0xd9: {  	v35 =	vsub.s32 $0x0, v23;
	v36 =	vsub.s32 $0x0, v34  }
0xda: {  	v22 =	vadd.s32 $0xFFFF3BAD, v22;
	v23 =	vmin.u32 v23, v35;
	v24 =	vmin.u32 v34, v36  }
0xdb: {  	v37 =	vsub.s32 $0x0, v22;
	vm1 =	vlt.s32 v23, v24  }
0xdc: {  	v22 =	vmin.u32 v22, v37;
	v23 =	vsel vm1, v23, v24  }
0xdd: {  	vm1 =	vlt.s32 v23, v22  }
0xde: {  	v22 =	vsel vm1, v23, v22  }
0xdf: {  	vm1 =	vlt.s32 v22, $0x1  }
0xe0: {  	v22 =	vnsel vm1, $0x1, v22  }
0xe1: {  	v22 =	vsub.s32 $0x1, v22  }
0xe2: {  	v23 =	vperm.xlane v22, v8;
	_ =	sdelay $0x1  }
0xe3: {  	v23 =	vand.u32 v9, v23  }
0xe4: {  	v22 =	vadd.s32 v23, v22  }
0xe5: {  	v23 =	vperm.xlane v22, v10;
	_ =	sdelay $0x1  }
0xe6: {  	v23 =	vand.u32 v11, v23  }
0xe7: {  	v22 =	vadd.s32 v23, v22  }
0xe8: {  	v23 =	vperm.xlane v22, v13;
	_ =	sdelay $0x1  }
0xe9: {  	v23 =	vand.u32 v12, v23  }
0xea: {  	v22 =	vadd.s32 v23, v22  }
0xeb: {  	v23 =	vperm.xlane v22, v14  }
0xec: {  	v21 =	vperm.xlane v21, v16  }
0xed: {  	v23 =	vand.u32 v15, v23  }
0xee: {  	v20 =	vadd.s32 v20, v21;
	v21 =	vadd.s32 v23, v22  }
0xef: {  	v22 =	vadd.s32 v21, v20  }
0xf0: {  	v22 =	vsub.s32 v2, v22  }
0xf1: {  	vm1 =	vgt.s32 v22, $0x0  }
0xf2: {  	v22 =	vnsel vm1, $0x0, v22  }
0xf3: {  	v22 =	vmin.u32 v22, $0x1FFF  }
0xf4: {  	v23 =	vshll.u32 v22, $0x3  }
0xf5: {  	v38 =	vand.u32 $0x7, v22;
	v23 =	vand.u32 $0xFFC0, v23  }
0xf6: {  	v23 =	vor.u32 v38, v23  }
0xf7: {  	v24 =	vperm.xlane v23, v17;
	_ =	sdelay $0x1  }
0xf8: {  	v24 =	vadd.s32 v18, v24;
	_ =	sdelay $0x3  }
0xf9: {  	s22 =	simm.s32 $0xC000;
	[tilespmem:$0x2100] =	vst v22  }
0xfa: {  	[tilespmem:s22], [sflag:$0x3] =	stream.indirect_vreg.gather [hbm4b:s1+s3], $0x80, v24, vm0, $0xb8;
	v63 =	vld [tilespmem:$0x0]  }
0xfb: {  	s2 =	simm.s32 $0xC800;
	v22 =	vperm.xlane v23, v19  }
0xfc: {  	[tilespmem:s2], [sflag:$0x3] =	stream.indirect_vreg.gather [hbm4b:s6+s3], $0x80, v24, vm0, $0xb8;
	v63 =	vld [tilespmem:$0x0]  }
0xfd: {  	s19 =	simm.s32 $0xD000;
	v22 =	vadd.s32 v18, v22  }
0xfe: {  	[tilespmem:s19], [sflag:$0x3] =	stream.indirect_vreg.gather [hbm4b:s7+s3], $0x80, v24, vm0, $0xb8;
	v63 =	vld [tilespmem:$0x0]  }
0xff: {  	s20 =	simm.s32 $0xD800  }
0x100: {  	[tilespmem:s20], [sflag:$0x3] =	stream.indirect_vreg.gather [hbm4b:s8+s3], $0x80, v24, vm0, $0xb8;
	v63 =	vld [tilespmem:$0x0]  }
0x101: {  	s22 =	simm.s32 $0xE000  }
0x102: {  	[tilespmem:s22], [sflag:$0x3] =	stream.indirect_vreg.gather [hbm4b:s1+s3], $0x80, v22, vm0, $0xb8;
	v63 =	vld [tilespmem:$0x0]  }
0x103: {  	s2 =	simm.s32 $0xE800  }
0x104: {  	[tilespmem:s2], [sflag:$0x3] =	stream.indirect_vreg.gather [hbm4b:s6+s3], $0x80, v22, vm0, $0xb8;
	v63 =	vld [tilespmem:$0x0]  }
0x105: {  	s19 =	simm.s32 $0xF000  }
0x106: {  	[tilespmem:s19], [sflag:$0x3] =	stream.indirect_vreg.gather [hbm4b:s7+s3], $0x80, v22, vm0, $0xb8;
	v63 =	vld [tilespmem:$0x0]  }
0x107: {  	s20 =	simm.s32 $0xF800  }
0x108: {  	[tilespmem:s20], [sflag:$0x3] =	stream.indirect_vreg.gather [hbm4b:s8+s3], $0x80, v22, vm0, $0xb8;
	v63 =	vld [tilespmem:$0x0]  }
0x109: {  	v22 =	vld [tilespmem:s4+$0x30];
	_ =	sdelay $0x4  }
0x10a: {  	v23 =	vadd.s32 $0xFFFF3BAF, v22;
	v39 =	vadd.s32 $0xFFFF3BAE, v22  }
0x10b: {  	v40 =	vsub.s32 $0x0, v23;
	v41 =	vsub.s32 $0x0, v39  }
0x10c: {  	v22 =	vadd.s32 $0xFFFF3BAD, v22;
	v23 =	vmin.u32 v23, v40;
	v24 =	vmin.u32 v39, v41  }
0x10d: {  	v42 =	vsub.s32 $0x0, v22;
	vm1 =	vlt.s32 v23, v24  }
0x10e: {  	v22 =	vmin.u32 v22, v42;
	v23 =	vsel vm1, v23, v24  }
0x10f: {  	vm1 =	vlt.s32 v23, v22  }
0x110: {  	v22 =	vsel vm1, v23, v22  }
0x111: {  	vm1 =	vlt.s32 v22, $0x1  }
0x112: {  	v22 =	vnsel vm1, $0x1, v22  }
0x113: {  	v22 =	vsub.s32 $0x1, v22  }
0x114: {  	v23 =	vperm.xlane v22, v8;
	_ =	sdelay $0x1  }
0x115: {  	v23 =	vand.u32 v9, v23  }
0x116: {  	v22 =	vadd.s32 v23, v22  }
0x117: {  	v23 =	vperm.xlane v22, v10;
	_ =	sdelay $0x1  }
0x118: {  	v23 =	vand.u32 v11, v23  }
0x119: {  	v22 =	vadd.s32 v23, v22  }
0x11a: {  	v23 =	vperm.xlane v22, v13;
	_ =	sdelay $0x1  }
0x11b: {  	v23 =	vand.u32 v12, v23  }
0x11c: {  	v22 =	vadd.s32 v23, v22  }
0x11d: {  	v23 =	vperm.xlane v22, v14  }
0x11e: {  	v21 =	vperm.xlane v21, v16  }
0x11f: {  	v23 =	vand.u32 v15, v23  }
0x120: {  	v20 =	vadd.s32 v20, v21;
	v21 =	vadd.s32 v23, v22  }
0x121: {  	v22 =	vadd.s32 v21, v20  }
0x122: {  	v22 =	vsub.s32 v3, v22  }
0x123: {  	vm1 =	vgt.s32 v22, $0x0  }
0x124: {  	v22 =	vnsel vm1, $0x0, v22  }
0x125: {  	v22 =	vmin.u32 v22, $0x1FFF  }
0x126: {  	v23 =	vshll.u32 v22, $0x3  }
0x127: {  	v43 =	vand.u32 $0x7, v22;
	v23 =	vand.u32 $0xFFC0, v23  }
0x128: {  	v23 =	vor.u32 v43, v23  }
0x129: {  	v24 =	vperm.xlane v23, v17;
	_ =	sdelay $0x1  }
0x12a: {  	v24 =	vadd.s32 v18, v24;
	_ =	sdelay $0x3  }
0x12b: {  	s22 =	simm.s32 $0x10000;
	[tilespmem:$0x2180] =	vst v22  }
0x12c: {  	[tilespmem:s22], [sflag:$0x4] =	stream.indirect_vreg.gather [hbm4b:s1+s3], $0x80, v24, vm0, $0xb8;
	v63 =	vld [tilespmem:$0x0]  }
0x12d: {  	s2 =	simm.s32 $0x10800;
	v22 =	vperm.xlane v23, v19  }
0x12e: {  	[tilespmem:s2], [sflag:$0x4] =	stream.indirect_vreg.gather [hbm4b:s6+s3], $0x80, v24, vm0, $0xb8;
	v63 =	vld [tilespmem:$0x0]  }
0x12f: {  	s19 =	simm.s32 $0x11000;
	v22 =	vadd.s32 v18, v22  }
0x130: {  	[tilespmem:s19], [sflag:$0x4] =	stream.indirect_vreg.gather [hbm4b:s7+s3], $0x80, v24, vm0, $0xb8;
	v63 =	vld [tilespmem:$0x0]  }
0x131: {  	s20 =	simm.s32 $0x11800  }
0x132: {  	[tilespmem:s20], [sflag:$0x4] =	stream.indirect_vreg.gather [hbm4b:s8+s3], $0x80, v24, vm0, $0xb8;
	v63 =	vld [tilespmem:$0x0]  }
0x133: {  	s22 =	simm.s32 $0x12000  }
0x134: {  	[tilespmem:s22], [sflag:$0x4] =	stream.indirect_vreg.gather [hbm4b:s1+s3], $0x80, v22, vm0, $0xb8;
	v63 =	vld [tilespmem:$0x0]  }
0x135: {  	s2 =	simm.s32 $0x12800  }
0x136: {  	[tilespmem:s2], [sflag:$0x4] =	stream.indirect_vreg.gather [hbm4b:s6+s3], $0x80, v22, vm0, $0xb8;
	v63 =	vld [tilespmem:$0x0]  }
0x137: {  	s19 =	simm.s32 $0x13000  }
0x138: {  	[tilespmem:s19], [sflag:$0x4] =	stream.indirect_vreg.gather [hbm4b:s7+s3], $0x80, v22, vm0, $0xb8;
	v63 =	vld [tilespmem:$0x0]  }
0x139: {  	s20 =	simm.s32 $0x13800  }
0x13a: {  	[tilespmem:s20], [sflag:$0x4] =	stream.indirect_vreg.gather [hbm4b:s8+s3], $0x80, v22, vm0, $0xb8;
	v63 =	vld [tilespmem:$0x0]  }
0x13b: {  	v22 =	vld [tilespmem:s4+$0x40];
	_ =	sdelay $0x4  }
0x13c: {  	v23 =	vadd.s32 $0xFFFF3BAF, v22;
	v44 =	vadd.s32 $0xFFFF3BAE, v22  }
0x13d: {  	v45 =	vsub.s32 $0x0, v23;
	v46 =	vsub.s32 $0x0, v44  }
0x13e: {  	v22 =	vadd.s32 $0xFFFF3BAD, v22;
	v23 =	vmin.u32 v23, v45;
	v24 =	vmin.u32 v44, v46  }
0x13f: {  	v47 =	vsub.s32 $0x0, v22;
	vm1 =	vlt.s32 v23, v24  }
0x140: {  	v22 =	vmin.u32 v22, v47;
	v23 =	vsel vm1, v23, v24  }
0x141: {  	vm1 =	vlt.s32 v23, v22  }
0x142: {  	v22 =	vsel vm1, v23, v22  }
0x143: {  	vm1 =	vlt.s32 v22, $0x1  }
0x144: {  	v22 =	vnsel vm1, $0x1, v22  }
0x145: {  	v22 =	vsub.s32 $0x1, v22  }
0x146: {  	v23 =	vperm.xlane v22, v8;
	_ =	sdelay $0x1  }
0x147: {  	v23 =	vand.u32 v9, v23  }
0x148: {  	v22 =	vadd.s32 v23, v22  }
0x149: {  	v23 =	vperm.xlane v22, v10;
	_ =	sdelay $0x1  }
0x14a: {  	v23 =	vand.u32 v11, v23  }
0x14b: {  	v22 =	vadd.s32 v23, v22  }
0x14c: {  	v23 =	vperm.xlane v22, v13;
	_ =	sdelay $0x1  }
0x14d: {  	v23 =	vand.u32 v12, v23  }
0x14e: {  	v22 =	vadd.s32 v23, v22  }
0x14f: {  	v23 =	vperm.xlane v22, v14  }
0x150: {  	v21 =	vperm.xlane v21, v16  }
0x151: {  	v23 =	vand.u32 v15, v23  }
0x152: {  	v20 =	vadd.s32 v20, v21;
	v21 =	vadd.s32 v23, v22  }
0x153: {  	v22 =	vadd.s32 v21, v20  }
0x154: {  	v22 =	vsub.s32 v4, v22  }
0x155: {  	vm1 =	vgt.s32 v22, $0x0  }
0x156: {  	v22 =	vnsel vm1, $0x0, v22  }
0x157: {  	v22 =	vmin.u32 v22, $0x1FFF  }
0x158: {  	v23 =	vshll.u32 v22, $0x3  }
0x159: {  	v48 =	vand.u32 $0x7, v22;
	v23 =	vand.u32 $0xFFC0, v23  }
0x15a: {  	v23 =	vor.u32 v48, v23  }
0x15b: {  	v24 =	vperm.xlane v23, v17;
	_ =	sdelay $0x1  }
0x15c: {  	v24 =	vadd.s32 v18, v24;
	_ =	sdelay $0x3  }
0x15d: {  	s22 =	simm.s32 $0x14000;
	[tilespmem:$0x2200] =	vst v22  }
0x15e: {  	[tilespmem:s22], [sflag:$0x5] =	stream.indirect_vreg.gather [hbm4b:s1+s3], $0x80, v24, vm0, $0xb8;
	v63 =	vld [tilespmem:$0x0]  }
0x15f: {  	s2 =	simm.s32 $0x14800;
	v22 =	vperm.xlane v23, v19  }
0x160: {  	[tilespmem:s2], [sflag:$0x5] =	stream.indirect_vreg.gather [hbm4b:s6+s3], $0x80, v24, vm0, $0xb8;
	v63 =	vld [tilespmem:$0x0]  }
0x161: {  	s19 =	simm.s32 $0x15000;
	v22 =	vadd.s32 v18, v22  }
0x162: {  	[tilespmem:s19], [sflag:$0x5] =	stream.indirect_vreg.gather [hbm4b:s7+s3], $0x80, v24, vm0, $0xb8;
	v63 =	vld [tilespmem:$0x0]  }
0x163: {  	s20 =	simm.s32 $0x15800  }
0x164: {  	[tilespmem:s20], [sflag:$0x5] =	stream.indirect_vreg.gather [hbm4b:s8+s3], $0x80, v24, vm0, $0xb8;
	v63 =	vld [tilespmem:$0x0]  }
0x165: {  	s22 =	simm.s32 $0x16000  }
0x166: {  	[tilespmem:s22], [sflag:$0x5] =	stream.indirect_vreg.gather [hbm4b:s1+s3], $0x80, v22, vm0, $0xb8;
	v63 =	vld [tilespmem:$0x0]  }
0x167: {  	s2 =	simm.s32 $0x16800  }
0x168: {  	[tilespmem:s2], [sflag:$0x5] =	stream.indirect_vreg.gather [hbm4b:s6+s3], $0x80, v22, vm0, $0xb8;
	v63 =	vld [tilespmem:$0x0]  }
0x169: {  	s19 =	simm.s32 $0x17000  }
0x16a: {  	[tilespmem:s19], [sflag:$0x5] =	stream.indirect_vreg.gather [hbm4b:s7+s3], $0x80, v22, vm0, $0xb8;
	v63 =	vld [tilespmem:$0x0]  }
0x16b: {  	s20 =	simm.s32 $0x17800  }
0x16c: {  	[tilespmem:s20], [sflag:$0x5] =	stream.indirect_vreg.gather [hbm4b:s8+s3], $0x80, v22, vm0, $0xb8;
	v63 =	vld [tilespmem:$0x0]  }
0x16d: {  	v22 =	vld [tilespmem:s4+$0x50];
	_ =	sdelay $0x4  }
0x16e: {  	v23 =	vadd.s32 $0xFFFF3BAF, v22;
	v49 =	vadd.s32 $0xFFFF3BAE, v22  }
0x16f: {  	v50 =	vsub.s32 $0x0, v23;
	v51 =	vsub.s32 $0x0, v49  }
0x170: {  	v22 =	vadd.s32 $0xFFFF3BAD, v22;
	v23 =	vmin.u32 v23, v50;
	v24 =	vmin.u32 v49, v51  }
0x171: {  	v52 =	vsub.s32 $0x0, v22;
	vm1 =	vlt.s32 v23, v24  }
0x172: {  	v22 =	vmin.u32 v22, v52;
	v23 =	vsel vm1, v23, v24  }
0x173: {  	vm1 =	vlt.s32 v23, v22  }
0x174: {  	v22 =	vsel vm1, v23, v22  }
0x175: {  	vm1 =	vlt.s32 v22, $0x1  }
0x176: {  	v22 =	vnsel vm1, $0x1, v22  }
0x177: {  	v22 =	vsub.s32 $0x1, v22  }
0x178: {  	v23 =	vperm.xlane v22, v8;
	_ =	sdelay $0x1  }
0x179: {  	v23 =	vand.u32 v9, v23  }
0x17a: {  	v22 =	vadd.s32 v23, v22  }
0x17b: {  	v23 =	vperm.xlane v22, v10;
	_ =	sdelay $0x1  }
0x17c: {  	v23 =	vand.u32 v11, v23  }
0x17d: {  	v22 =	vadd.s32 v23, v22  }
0x17e: {  	v23 =	vperm.xlane v22, v13;
	_ =	sdelay $0x1  }
0x17f: {  	v23 =	vand.u32 v12, v23  }
0x180: {  	v22 =	vadd.s32 v23, v22  }
0x181: {  	v23 =	vperm.xlane v22, v14  }
0x182: {  	v21 =	vperm.xlane v21, v16  }
0x183: {  	v23 =	vand.u32 v15, v23  }
0x184: {  	v20 =	vadd.s32 v20, v21;
	v21 =	vadd.s32 v23, v22  }
0x185: {  	v22 =	vadd.s32 v21, v20  }
0x186: {  	v22 =	vsub.s32 v5, v22  }
0x187: {  	vm1 =	vgt.s32 v22, $0x0  }
0x188: {  	v22 =	vnsel vm1, $0x0, v22  }
0x189: {  	v22 =	vmin.u32 v22, $0x1FFF  }
0x18a: {  	v23 =	vshll.u32 v22, $0x3  }
0x18b: {  	v53 =	vand.u32 $0x7, v22;
	v23 =	vand.u32 $0xFFC0, v23  }
0x18c: {  	v23 =	vor.u32 v53, v23  }
0x18d: {  	v24 =	vperm.xlane v23, v17;
	_ =	sdelay $0x1  }
0x18e: {  	v24 =	vadd.s32 v18, v24;
	_ =	sdelay $0x3  }
0x18f: {  	s22 =	simm.s32 $0x18000;
	[tilespmem:$0x2280] =	vst v22  }
0x190: {  	[tilespmem:s22], [sflag:$0x6] =	stream.indirect_vreg.gather [hbm4b:s1+s3], $0x80, v24, vm0, $0xb8;
	v63 =	vld [tilespmem:$0x0]  }
0x191: {  	s2 =	simm.s32 $0x18800;
	v22 =	vperm.xlane v23, v19  }
0x192: {  	[tilespmem:s2], [sflag:$0x6] =	stream.indirect_vreg.gather [hbm4b:s6+s3], $0x80, v24, vm0, $0xb8;
	v63 =	vld [tilespmem:$0x0]  }
0x193: {  	s19 =	simm.s32 $0x19000;
	v22 =	vadd.s32 v18, v22  }
0x194: {  	[tilespmem:s19], [sflag:$0x6] =	stream.indirect_vreg.gather [hbm4b:s7+s3], $0x80, v24, vm0, $0xb8;
	v63 =	vld [tilespmem:$0x0]  }
0x195: {  	s20 =	simm.s32 $0x19800  }
0x196: {  	[tilespmem:s20], [sflag:$0x6] =	stream.indirect_vreg.gather [hbm4b:s8+s3], $0x80, v24, vm0, $0xb8;
	v63 =	vld [tilespmem:$0x0]  }
0x197: {  	s22 =	simm.s32 $0x1A000  }
0x198: {  	[tilespmem:s22], [sflag:$0x6] =	stream.indirect_vreg.gather [hbm4b:s1+s3], $0x80, v22, vm0, $0xb8;
	v63 =	vld [tilespmem:$0x0]  }
0x199: {  	s2 =	simm.s32 $0x1A800  }
0x19a: {  	[tilespmem:s2], [sflag:$0x6] =	stream.indirect_vreg.gather [hbm4b:s6+s3], $0x80, v22, vm0, $0xb8;
	v63 =	vld [tilespmem:$0x0]  }
0x19b: {  	s19 =	simm.s32 $0x1B000  }
0x19c: {  	[tilespmem:s19], [sflag:$0x6] =	stream.indirect_vreg.gather [hbm4b:s7+s3], $0x80, v22, vm0, $0xb8;
	v63 =	vld [tilespmem:$0x0]  }
0x19d: {  	s20 =	simm.s32 $0x1B800  }
0x19e: {  	[tilespmem:s20], [sflag:$0x6] =	stream.indirect_vreg.gather [hbm4b:s8+s3], $0x80, v22, vm0, $0xb8;
	v63 =	vld [tilespmem:$0x0]  }
0x19f: {  	v22 =	vld [tilespmem:s4+$0x60];
	_ =	sdelay $0x4  }
0x1a0: {  	v23 =	vadd.s32 $0xFFFF3BAF, v22;
	v54 =	vadd.s32 $0xFFFF3BAE, v22  }
0x1a1: {  	v55 =	vsub.s32 $0x0, v23;
	v56 =	vsub.s32 $0x0, v54  }
0x1a2: {  	v22 =	vadd.s32 $0xFFFF3BAD, v22;
	v23 =	vmin.u32 v23, v55;
	v24 =	vmin.u32 v54, v56  }
0x1a3: {  	v57 =	vsub.s32 $0x0, v22;
	vm1 =	vlt.s32 v23, v24  }
0x1a4: {  	v22 =	vmin.u32 v22, v57;
	v23 =	vsel vm1, v23, v24  }
0x1a5: {  	vm1 =	vlt.s32 v23, v22  }
0x1a6: {  	v22 =	vsel vm1, v23, v22  }
0x1a7: {  	vm1 =	vlt.s32 v22, $0x1  }
0x1a8: {  	v22 =	vnsel vm1, $0x1, v22  }
0x1a9: {  	v22 =	vsub.s32 $0x1, v22  }
0x1aa: {  	v23 =	vperm.xlane v22, v8;
	_ =	sdelay $0x1  }
0x1ab: {  	v23 =	vand.u32 v9, v23  }
0x1ac: {  	v22 =	vadd.s32 v23, v22  }
0x1ad: {  	v23 =	vperm.xlane v22, v10;
	_ =	sdelay $0x1  }
0x1ae: {  	v23 =	vand.u32 v11, v23  }
0x1af: {  	v22 =	vadd.s32 v23, v22  }
0x1b0: {  	v23 =	vperm.xlane v22, v13;
	_ =	sdelay $0x1  }
0x1b1: {  	v23 =	vand.u32 v12, v23  }
0x1b2: {  	v22 =	vadd.s32 v23, v22  }
0x1b3: {  	v23 =	vperm.xlane v22, v14  }
0x1b4: {  	v21 =	vperm.xlane v21, v16  }
0x1b5: {  	v23 =	vand.u32 v15, v23  }
0x1b6: {  	v20 =	vadd.s32 v20, v21;
	v21 =	vadd.s32 v23, v22  }
0x1b7: {  	v22 =	vadd.s32 v21, v20  }
0x1b8: {  	v22 =	vsub.s32 v6, v22  }
0x1b9: {  	vm1 =	vgt.s32 v22, $0x0  }
0x1ba: {  	v22 =	vnsel vm1, $0x0, v22  }
0x1bb: {  	v22 =	vmin.u32 v22, $0x1FFF  }
0x1bc: {  	v23 =	vshll.u32 v22, $0x3  }
0x1bd: {  	v58 =	vand.u32 $0x7, v22;
	v23 =	vand.u32 $0xFFC0, v23  }
0x1be: {  	v23 =	vor.u32 v58, v23  }
0x1bf: {  	v24 =	vperm.xlane v23, v17;
	_ =	sdelay $0x1  }
0x1c0: {  	v24 =	vadd.s32 v18, v24;
	_ =	sdelay $0x3  }
0x1c1: {  	s22 =	simm.s32 $0x1C000;
	[tilespmem:$0x2300] =	vst v22  }
0x1c2: {  	[tilespmem:s22], [sflag:$0x7] =	stream.indirect_vreg.gather [hbm4b:s1+s3], $0x80, v24, vm0, $0xb8;
	v63 =	vld [tilespmem:$0x0]  }
0x1c3: {  	s2 =	simm.s32 $0x1C800;
	v22 =	vperm.xlane v23, v19  }
0x1c4: {  	[tilespmem:s2], [sflag:$0x7] =	stream.indirect_vreg.gather [hbm4b:s6+s3], $0x80, v24, vm0, $0xb8;
	v63 =	vld [tilespmem:$0x0]  }
0x1c5: {  	s19 =	simm.s32 $0x1D000;
	v22 =	vadd.s32 v18, v22  }
0x1c6: {  	[tilespmem:s19], [sflag:$0x7] =	stream.indirect_vreg.gather [hbm4b:s7+s3], $0x80, v24, vm0, $0xb8;
	v63 =	vld [tilespmem:$0x0]  }
0x1c7: {  	s20 =	simm.s32 $0x1D800  }
0x1c8: {  	[tilespmem:s20], [sflag:$0x7] =	stream.indirect_vreg.gather [hbm4b:s8+s3], $0x80, v24, vm0, $0xb8;
	v63 =	vld [tilespmem:$0x0]  }
0x1c9: {  	s22 =	simm.s32 $0x1E000  }
0x1ca: {  	[tilespmem:s22], [sflag:$0x7] =	stream.indirect_vreg.gather [hbm4b:s1+s3], $0x80, v22, vm0, $0xb8;
	v63 =	vld [tilespmem:$0x0]  }
0x1cb: {  	s2 =	simm.s32 $0x1E800  }
0x1cc: {  	[tilespmem:s2], [sflag:$0x7] =	stream.indirect_vreg.gather [hbm4b:s6+s3], $0x80, v22, vm0, $0xb8;
	v63 =	vld [tilespmem:$0x0]  }
0x1cd: {  	s19 =	simm.s32 $0x1F000  }
0x1ce: {  	[tilespmem:s19], [sflag:$0x7] =	stream.indirect_vreg.gather [hbm4b:s7+s3], $0x80, v22, vm0, $0xb8;
	v63 =	vld [tilespmem:$0x0]  }
0x1cf: {  	s20 =	simm.s32 $0x1F800;
	s22 =	simm.s32 $0x70;
	s19 =	sadd.s32 $0x70, s4  }
0x1d0: {  	[tilespmem:s20], [sflag:$0x7] =	stream.indirect_vreg.gather [hbm4b:s8+s3], $0x80, v22, vm0, $0xb8;
	v63 =	vld [tilespmem:$0x0]  }
0x1d1: {  	s0 =	sand.u32 $0x70, s22;
	s20 =	sand.u32 $0x1F80, s19  }
0x1d2: {  	s0 =	sor.u32 s0, s20  }
0x1d3: {  	v22 =	vld [tilespmem:s0+$0x0];
	_ =	sdelay $0x4  }
0x1d4: {  	v23 =	vadd.s32 $0xFFFF3BAF, v22;
	v59 =	vadd.s32 $0xFFFF3BAE, v22  }
0x1d5: {  	v60 =	vsub.s32 $0x0, v23;
	v61 =	vsub.s32 $0x0, v59  }
0x1d6: {  	v22 =	vadd.s32 $0xFFFF3BAD, v22;
	v23 =	vmin.u32 v23, v60;
	v24 =	vmin.u32 v59, v61  }
0x1d7: {  	v62 =	vsub.s32 $0x0, v22;
	vm1 =	vlt.s32 v23, v24  }
0x1d8: {  	v22 =	vmin.u32 v22, v62;
	v23 =	vsel vm1, v23, v24  }
0x1d9: {  	vm1 =	vlt.s32 v23, v22  }
0x1da: {  	v22 =	vsel vm1, v23, v22  }
0x1db: {  	vm1 =	vlt.s32 v22, $0x1  }
0x1dc: {  	v22 =	vnsel vm1, $0x1, v22  }
0x1dd: {  	v22 =	vsub.s32 $0x1, v22  }
0x1de: {  	v23 =	vperm.xlane v22, v8;
	_ =	sdelay $0x1  }
0x1df: {  	v23 =	vand.u32 v9, v23  }
0x1e0: {  	v22 =	vadd.s32 v23, v22  }
0x1e1: {  	v23 =	vperm.xlane v22, v10;
	_ =	sdelay $0x1  }
0x1e2: {  	v23 =	vand.u32 v11, v23  }
0x1e3: {  	v22 =	vadd.s32 v23, v22  }
0x1e4: {  	v23 =	vperm.xlane v22, v13;
	_ =	sdelay $0x1  }
0x1e5: {  	v23 =	vand.u32 v12, v23  }
0x1e6: {  	v22 =	vadd.s32 v23, v22  }
0x1e7: {  	v23 =	vperm.xlane v22, v14  }
0x1e8: {  	v21 =	vperm.xlane v21, v16  }
0x1e9: {  	v23 =	vand.u32 v15, v23  }
0x1ea: {  	v20 =	vadd.s32 v20, v21;
	v21 =	vadd.s32 v23, v22  }
0x1eb: {  	v22 =	vor.u32 s19, v0;
	v23 =	vadd.s32 v21, v20  }
0x1ec: {  	v21 =	vperm.xlane v21, v16;
	v22 =	vsub.s32 v22, v23  }
0x1ed: {  	s31 =	simm.s32 $0x90;
	vm1 =	vgt.s32 v22, $0x0  }
0x1ee: {  	s20 =	simm.s32 $0x80;
	s0 =	simm.s32 $0x2380;
	s19 =	sadd.s32 $0x80, s4;
	v20 =	vadd.s32 v20, v21;
	v21 =	vnsel vm1, $0x0, v22  }
.LBB2_6:
0x1ef: {  	p1 =	sne.s32 s31, $0x3F0;
	s2 =	sand.u32 $0x1F80, s19;
	s20 =	sand.u32 $0x70, s20;
	v21 =	vmin.u32 v21, $0x1FFF  }
0x1f0: {  	s2 =	sor.u32 s20, s2;
	[tilespmem:s0+$0x0] =	vst v21;
	s20 =	smov.u32 s31  }
0x1f1: {  	v21 =	vld [tilespmem:s2+$0x0];
	_ =	sdelay $0x4  }
0x1f2: {  	v22 =	vadd.s32 $0xFFFF3BAF, v21;
	v23 =	vadd.s32 $0xFFFF3BAE, v21  }
0x1f3: {  	v24 =	vsub.s32 $0x0, v22;
	v25 =	vsub.s32 $0x0, v23  }
0x1f4: {  	v21 =	vadd.s32 $0xFFFF3BAD, v21;
	v22 =	vmin.u32 v22, v24;
	v23 =	vmin.u32 v23, v25  }
0x1f5: {  	v24 =	vsub.s32 $0x0, v21;
	vm1 =	vlt.s32 v22, v23  }
0x1f6: {  	v21 =	vmin.u32 v21, v24;
	v22 =	vsel vm1, v22, v23  }
0x1f7: {  	vm1 =	vlt.s32 v22, v21  }
0x1f8: {  	v21 =	vsel vm1, v22, v21  }
0x1f9: {  	vm1 =	vlt.s32 v21, $0x1  }
0x1fa: {  	v21 =	vnsel vm1, $0x1, v21  }
0x1fb: {  	v21 =	vsub.s32 $0x1, v21  }
0x1fc: {  	v22 =	vperm.xlane v21, v8;
	_ =	sdelay $0x1  }
0x1fd: {  	v22 =	vand.u32 v9, v22  }
0x1fe: {  	v21 =	vadd.s32 v22, v21  }
0x1ff: {  	v22 =	vperm.xlane v21, v10;
	_ =	sdelay $0x1  }
0x200: {  	v22 =	vand.u32 v11, v22  }
0x201: {  	v21 =	vadd.s32 v22, v21  }
0x202: {  	v22 =	vperm.xlane v21, v13;
	_ =	sdelay $0x1  }
0x203: {  	v22 =	vand.u32 v12, v22  }
0x204: {  	v21 =	vadd.s32 v22, v21  }
0x205: {  	v22 =	vperm.xlane v21, v14;
	_ =	sdelay $0x1  }
0x206: {  	v22 =	vand.u32 v15, v22  }
.Ltmp5:
0x207: {  	v21 =	vadd.s32 v22, v21;
	(pc) =	sbr.rel @p1 .LBB2_6-.Ltmp5, $4  }
0x208: {  	v22 =	vor.u32 s19, v0;
	v23 =	vadd.s32 v21, v20;
	v21 =	vperm.xlane v21, v16  }
0x209: {  	v22 =	vsub.s32 v22, v23  }
0x20a: {  	vm1 =	vgt.s32 v22, $0x0;
	v20 =	vadd.s32 v20, v21  }
0x20b: {  	s31 =	sadd.s32 $0x10, s31;
	s0 =	sadd.s32 $0x80, s0;
	s19 =	sadd.s32 s20, s4;
	v21 =	vnsel vm1, $0x0, v22  }
0x20c: {  	s2 =	sand.u32 $0x1F80, s19;
	s20 =	sand.u32 $0x70, s20;
	v21 =	vmin.u32 v21, $0x1FFF  }
0x20d: {  	s2 =	sor.u32 s20, s2;
	[tilespmem:s0+$0x0] =	vst v21  }
0x20e: {  	v21 =	vld [tilespmem:s2+$0x0];
	_ =	sdelay $0x4  }
0x20f: {  	v22 =	vadd.s32 $0xFFFF3BAF, v21;
	v23 =	vadd.s32 $0xFFFF3BAE, v21  }
0x210: {  	v24 =	vsub.s32 $0x0, v22;
	v25 =	vsub.s32 $0x0, v23  }
0x211: {  	v21 =	vadd.s32 $0xFFFF3BAD, v21;
	v22 =	vmin.u32 v22, v24;
	v23 =	vmin.u32 v23, v25  }
0x212: {  	v60 =	vsub.s32 $0x0, v21;
	vm1 =	vlt.s32 v22, v23  }
0x213: {  	v21 =	vmin.u32 v21, v60;
	v22 =	vsel vm1, v22, v23  }
0x214: {  	vm1 =	vlt.s32 v22, v21  }
0x215: {  	v21 =	vsel vm1, v22, v21  }
0x216: {  	vm1 =	vlt.s32 v21, $0x1  }
0x217: {  	v21 =	vnsel vm1, $0x1, v21  }
0x218: {  	v21 =	vsub.s32 $0x1, v21  }
0x219: {  	v61 =	vperm.xlane v21, v8;
	_ =	sdelay $0x1  }
0x21a: {  	v22 =	vand.u32 v9, v61  }
0x21b: {  	v21 =	vadd.s32 v22, v21  }
0x21c: {  	v22 =	vperm.xlane v21, v10;
	_ =	sdelay $0x1  }
0x21d: {  	v22 =	vand.u32 v11, v22  }
0x21e: {  	v21 =	vadd.s32 v22, v21  }
0x21f: {  	v22 =	vperm.xlane v21, v13;
	_ =	sdelay $0x1  }
0x220: {  	v22 =	vand.u32 v12, v22  }
0x221: {  	v21 =	vadd.s32 v22, v21  }
0x222: {  	v22 =	vperm.xlane v21, v14;
	_ =	sdelay $0x1  }
0x223: {  	v22 =	vand.u32 v15, v22  }
0x224: {  	v21 =	vadd.s32 v22, v21  }
0x225: {  	v62 =	vor.u32 s19, v0;
	v20 =	vadd.s32 v21, v20  }
.Ltmp6:
0x226: {  	v20 =	vsub.s32 v62, v20;
	(pc) =	sbr.rel .LBB2_8-.Ltmp6, $4  }
0x227: {  	vm1 =	vgt.s32 v20, $0x0  }
0x228: {  	v20 =	vnsel vm1, $0x0, v20  }
0x229: {  	s22 =	sadd.s32 $0x80, s0;
	s19 =	simm.s32 $0x0;
	v20 =	vmin.u32 v20, $0x1FFF  }
0x22a: {  	s31 =	simm.s32 $0x4800;
	s20 =	simm.s32 $0x0;
	s0 =	simm.s32 $0x2680;
	[tilespmem:s22+$0x0] =	vst v20  }
.LBB2_11:
0x22b: {  	s20 =	sadd.s32 $0x3800, s20  }
0x22c: {  	p1 =	sne.s32 s20, $0x23000  }
.Ltmp7:
0x22d: {  	_ = 	snop;
	(pc) =	sbr.rel @!p1 .LBB2_12-.Ltmp7, $2  }
0x22e: {  	_ =	sdelay $0x2  }
0x22f: {  	s19 =	sadd.s32 $0x1, s19;
	s0 =	sadd.s32 $0x380, s0  }
.LBB2_8:
0x230: {  	p1 =	seq.s32 s20, $0x1F800  }
.Ltmp8:
0x231: {  	_ = 	snop;
	(pc) =	sbr.rel @p1 .LBB2_12-.Ltmp8, $4  }
0x232: {  	_ =	swait.ge [sflag:s18], $0x4000  }
0x233: {  	[sflag:s18] =	ssyncset.done $0x0  }
0x234: {  	s2 =	sadd.s32 s20, s17;
	[sflag:s18] =	ssyncadd.s32 $0xFFFFC000  }
0x235: {  	[hbm4b:s2+s3] =	stream.linear.scatter [tilespmem:s21], [sflag:$0x8], $0x4000, $0x38;
	v63 =	vld [tilespmem:$0x0]  }
0x236: {  	_ =	swait.ge [sflag:s26], $0x4000  }
0x237: {  	[sflag:s26] =	ssyncset.done $0x0  }
0x238: {  	s2 =	sadd.s32 s20, s15;
	s22 =	simm.s32 $0x8000;
	[sflag:s26] =	ssyncadd.s32 $0xFFFFC000  }
0x239: {  	[hbm4b:s2+s3] =	stream.linear.scatter [tilespmem:s22], [sflag:$0x9], $0x4000, $0x38;
	v63 =	vld [tilespmem:$0x0]  }
0x23a: {  	_ =	swait.ge [sflag:s28], $0x4000  }
0x23b: {  	[sflag:s28] =	ssyncset.done $0x0  }
0x23c: {  	s2 =	sadd.s32 s20, s14;
	s22 =	simm.s32 $0xC000;
	[sflag:s28] =	ssyncadd.s32 $0xFFFFC000  }
0x23d: {  	[hbm4b:s2+s3] =	stream.linear.scatter [tilespmem:s22], [sflag:$0xA], $0x4000, $0x38;
	v63 =	vld [tilespmem:$0x0]  }
0x23e: {  	_ =	swait.ge [sflag:s29], $0x4000  }
0x23f: {  	[sflag:s29] =	ssyncset.done $0x0  }
0x240: {  	s2 =	sadd.s32 s20, s13;
	s22 =	simm.s32 $0x10000;
	[sflag:s29] =	ssyncadd.s32 $0xFFFFC000  }
0x241: {  	[hbm4b:s2+s3] =	stream.linear.scatter [tilespmem:s22], [sflag:$0xB], $0x4000, $0x38;
	v63 =	vld [tilespmem:$0x0]  }
0x242: {  	_ =	swait.ge [sflag:s30], $0x4000  }
0x243: {  	[sflag:s30] =	ssyncset.done $0x0  }
0x244: {  	s2 =	sadd.s32 s20, s12;
	s22 =	simm.s32 $0x14000;
	[sflag:s30] =	ssyncadd.s32 $0xFFFFC000  }
0x245: {  	[hbm4b:s2+s3] =	stream.linear.scatter [tilespmem:s22], [sflag:$0xC], $0x4000, $0x38;
	v63 =	vld [tilespmem:$0x0]  }
0x246: {  	_ =	swait.ge [sflag:s9], $0x4000  }
0x247: {  	[sflag:s9] =	ssyncset.done $0x0  }
0x248: {  	s2 =	sadd.s32 s20, s11;
	s22 =	simm.s32 $0x18000;
	[sflag:s9] =	ssyncadd.s32 $0xFFFFC000  }
0x249: {  	[hbm4b:s2+s3] =	stream.linear.scatter [tilespmem:s22], [sflag:$0xD], $0x4000, $0x38;
	v63 =	vld [tilespmem:$0x0]  }
0x24a: {  	_ =	swait.ge [sflag:s16], $0x4000  }
0x24b: {  	[sflag:s16] =	ssyncset.done $0x0  }
0x24c: {  	s2 =	sadd.s32 s20, s10;
	s22 =	simm.s32 $0x1C000;
	[sflag:s16] =	ssyncadd.s32 $0xFFFFC000  }
0x24d: {  	[hbm4b:s2+s3] =	stream.linear.scatter [tilespmem:s22], [sflag:$0xE], $0x4000, $0x38;
	v63 =	vld [tilespmem:$0x0]  }
0x24e: {  	_ =	swait.ge [sflag:s5], $0x4000  }
0x24f: {  	[sflag:s5] =	ssyncset.done $0x0  }
0x250: {  	[sflag:s5] =	ssyncadd.s32 $0xFFFFC000  }
0x251: {  	v20 =	vld [tilespmem:s0+$0xFFFFFD00];
	_ =	sdelay $0x4  }
0x252: {  	v21 =	vshll.u32 v20, $0x3  }
0x253: {  	v20 =	vand.u32 $0x7, v20;
	v21 =	vand.u32 $0xFFFFFFC0, v21  }
0x254: {  	v20 =	vor.u32 v20, v21  }
0x255: {  	v21 =	vperm.xlane v20, v17;
	_ =	sdelay $0x1  }
0x256: {  	v21 =	vadd.s32 v18, v21;
	_ =	sdelay $0x4  }
0x257: {  	[tilespmem:s21], [sflag:$0x1] =	stream.indirect_vreg.gather [hbm4b:s1+s3], $0x80, v21, vm0, $0xb8;
	v63 =	vld [tilespmem:$0x0]  }
0x258: {  	v20 =	vperm.xlane v20, v19  }
0x259: {  	[tilespmem:s31], [sflag:$0x1] =	stream.indirect_vreg.gather [hbm4b:s6+s3], $0x80, v21, vm0, $0xb8;
	v63 =	vld [tilespmem:$0x0]  }
0x25a: {  	s22 =	simm.s32 $0x5000;
	v20 =	vadd.s32 v18, v20  }
0x25b: {  	[tilespmem:s22], [sflag:$0x1] =	stream.indirect_vreg.gather [hbm4b:s7+s3], $0x80, v21, vm0, $0xb8;
	v63 =	vld [tilespmem:$0x0]  }
0x25c: {  	s22 =	simm.s32 $0x5800  }
0x25d: {  	[tilespmem:s22], [sflag:$0x1] =	stream.indirect_vreg.gather [hbm4b:s8+s3], $0x80, v21, vm0, $0xb8;
	v63 =	vld [tilespmem:$0x0]  }
0x25e: {  	s22 =	simm.s32 $0x6000  }
0x25f: {  	[tilespmem:s22], [sflag:$0x1] =	stream.indirect_vreg.gather [hbm4b:s1+s3], $0x80, v20, vm0, $0xb8;
	v63 =	vld [tilespmem:$0x0]  }
0x260: {  	p1 =	sgt.u32 s19, $0x7;
	s22 =	simm.s32 $0x6800  }
0x261: {  	[tilespmem:s22], [sflag:$0x1] =	stream.indirect_vreg.gather [hbm4b:s6+s3], $0x80, v20, vm0, $0xb8;
	v63 =	vld [tilespmem:$0x0]  }
.Ltmp9:
0x262: {  	_ = 	snop;
	(pc) =	sbr.rel @p1 .LBB2_11-.Ltmp9, $4  }
0x263: {  	s22 =	simm.s32 $0x7000  }
0x264: {  	[tilespmem:s22], [sflag:$0x1] =	stream.indirect_vreg.gather [hbm4b:s7+s3], $0x80, v20, vm0, $0xb8;
	v63 =	vld [tilespmem:$0x0]  }
0x265: {  	s22 =	simm.s32 $0x7800  }
0x266: {  	[tilespmem:s22], [sflag:$0x1] =	stream.indirect_vreg.gather [hbm4b:s8+s3], $0x80, v20, vm0, $0xb8;
	v63 =	vld [tilespmem:$0x0]  }
0x267: {  	s2 =	simm.s32 $0x9  }
0x268: {  	_ =	swait.ge [sflag:s2], $0x4000  }
0x269: {  	[sflag:s2] =	ssyncset.done $0x0  }
0x26a: {  	[sflag:s2] =	ssyncadd.s32 $0xFFFFC000  }
0x26b: {  	v20 =	vld [tilespmem:s0+$0xFFFFFD80];
	_ =	sdelay $0x4  }
0x26c: {  	v21 =	vshll.u32 v20, $0x3  }
0x26d: {  	v20 =	vand.u32 $0x7, v20;
	v21 =	vand.u32 $0xFFFFFFC0, v21  }
0x26e: {  	v20 =	vor.u32 v20, v21  }
0x26f: {  	v21 =	vperm.xlane v20, v17;
	_ =	sdelay $0x1  }
0x270: {  	v21 =	vadd.s32 v18, v21;
	_ =	sdelay $0x3  }
0x271: {  	s22 =	simm.s32 $0x8000  }
0x272: {  	[tilespmem:s22], [sflag:$0x2] =	stream.indirect_vreg.gather [hbm4b:s1+s3], $0x80, v21, vm0, $0xb8;
	v63 =	vld [tilespmem:$0x0]  }
0x273: {  	v20 =	vperm.xlane v20, v19;
	s22 =	simm.s32 $0x8800  }
0x274: {  	[tilespmem:s22], [sflag:$0x2] =	stream.indirect_vreg.gather [hbm4b:s6+s3], $0x80, v21, vm0, $0xb8;
	v63 =	vld [tilespmem:$0x0]  }
0x275: {  	v20 =	vadd.s32 v18, v20;
	s22 =	simm.s32 $0x9000  }
0x276: {  	[tilespmem:s22], [sflag:$0x2] =	stream.indirect_vreg.gather [hbm4b:s7+s3], $0x80, v21, vm0, $0xb8;
	v63 =	vld [tilespmem:$0x0]  }
0x277: {  	s22 =	simm.s32 $0x9800  }
0x278: {  	[tilespmem:s22], [sflag:$0x2] =	stream.indirect_vreg.gather [hbm4b:s8+s3], $0x80, v21, vm0, $0xb8;
	v63 =	vld [tilespmem:$0x0]  }
0x279: {  	s22 =	simm.s32 $0xA000  }
0x27a: {  	[tilespmem:s22], [sflag:$0x2] =	stream.indirect_vreg.gather [hbm4b:s1+s3], $0x80, v20, vm0, $0xb8;
	v63 =	vld [tilespmem:$0x0]  }
0x27b: {  	s22 =	simm.s32 $0xA800  }
0x27c: {  	[tilespmem:s22], [sflag:$0x2] =	stream.indirect_vreg.gather [hbm4b:s6+s3], $0x80, v20, vm0, $0xb8;
	v63 =	vld [tilespmem:$0x0]  }
0x27d: {  	s22 =	simm.s32 $0xB000  }
0x27e: {  	[tilespmem:s22], [sflag:$0x2] =	stream.indirect_vreg.gather [hbm4b:s7+s3], $0x80, v20, vm0, $0xb8;
	v63 =	vld [tilespmem:$0x0]  }
0x27f: {  	s22 =	simm.s32 $0xB800  }
0x280: {  	[tilespmem:s22], [sflag:$0x2] =	stream.indirect_vreg.gather [hbm4b:s8+s3], $0x80, v20, vm0, $0xb8;
	v63 =	vld [tilespmem:$0x0]  }
0x281: {  	s22 =	simm.s32 $0xA  }
0x282: {  	_ =	swait.ge [sflag:s22], $0x4000  }
0x283: {  	[sflag:s22] =	ssyncset.done $0x0  }
0x284: {  	[sflag:s22] =	ssyncadd.s32 $0xFFFFC000  }
0x285: {  	v20 =	vld [tilespmem:s0+$0xFFFFFE00];
	_ =	sdelay $0x4  }
0x286: {  	v58 =	vshll.u32 v20, $0x3  }
0x287: {  	v20 =	vand.u32 $0x7, v20;
	v21 =	vand.u32 $0xFFFFFFC0, v58  }
0x288: {  	v20 =	vor.u32 v20, v21  }
0x289: {  	v21 =	vperm.xlane v20, v17;
	_ =	sdelay $0x1  }
0x28a: {  	v21 =	vadd.s32 v18, v21;
	_ =	sdelay $0x3  }
0x28b: {  	s22 =	simm.s32 $0xC000  }
0x28c: {  	[tilespmem:s22], [sflag:$0x3] =	stream.indirect_vreg.gather [hbm4b:s1+s3], $0x80, v21, vm0, $0xb8;
	v63 =	vld [tilespmem:$0x0]  }
0x28d: {  	v20 =	vperm.xlane v20, v19;
	s22 =	simm.s32 $0xC800  }
0x28e: {  	[tilespmem:s22], [sflag:$0x3] =	stream.indirect_vreg.gather [hbm4b:s6+s3], $0x80, v21, vm0, $0xb8;
	v63 =	vld [tilespmem:$0x0]  }
0x28f: {  	v20 =	vadd.s32 v18, v20;
	s22 =	simm.s32 $0xD000  }
0x290: {  	[tilespmem:s22], [sflag:$0x3] =	stream.indirect_vreg.gather [hbm4b:s7+s3], $0x80, v21, vm0, $0xb8;
	v63 =	vld [tilespmem:$0x0]  }
0x291: {  	s22 =	simm.s32 $0xD800  }
0x292: {  	[tilespmem:s22], [sflag:$0x3] =	stream.indirect_vreg.gather [hbm4b:s8+s3], $0x80, v21, vm0, $0xb8;
	v63 =	vld [tilespmem:$0x0]  }
0x293: {  	s22 =	simm.s32 $0xE000  }
0x294: {  	[tilespmem:s22], [sflag:$0x3] =	stream.indirect_vreg.gather [hbm4b:s1+s3], $0x80, v20, vm0, $0xb8;
	v63 =	vld [tilespmem:$0x0]  }
0x295: {  	s22 =	simm.s32 $0xE800  }
0x296: {  	[tilespmem:s22], [sflag:$0x3] =	stream.indirect_vreg.gather [hbm4b:s6+s3], $0x80, v20, vm0, $0xb8;
	v63 =	vld [tilespmem:$0x0]  }
0x297: {  	s22 =	simm.s32 $0xF000  }
0x298: {  	[tilespmem:s22], [sflag:$0x3] =	stream.indirect_vreg.gather [hbm4b:s7+s3], $0x80, v20, vm0, $0xb8;
	v63 =	vld [tilespmem:$0x0]  }
0x299: {  	s22 =	simm.s32 $0xF800  }
0x29a: {  	[tilespmem:s22], [sflag:$0x3] =	stream.indirect_vreg.gather [hbm4b:s8+s3], $0x80, v20, vm0, $0xb8;
	v63 =	vld [tilespmem:$0x0]  }
0x29b: {  	s22 =	simm.s32 $0xB  }
0x29c: {  	_ =	swait.ge [sflag:s22], $0x4000  }
0x29d: {  	[sflag:s22] =	ssyncset.done $0x0  }
0x29e: {  	[sflag:s22] =	ssyncadd.s32 $0xFFFFC000  }
0x29f: {  	v20 =	vld [tilespmem:s0+$0xFFFFFE80];
	_ =	sdelay $0x4  }
0x2a0: {  	v59 =	vshll.u32 v20, $0x3  }
0x2a1: {  	v20 =	vand.u32 $0x7, v20;
	v21 =	vand.u32 $0xFFFFFFC0, v59  }
0x2a2: {  	v20 =	vor.u32 v20, v21  }
0x2a3: {  	v21 =	vperm.xlane v20, v17;
	_ =	sdelay $0x1  }
0x2a4: {  	v21 =	vadd.s32 v18, v21;
	_ =	sdelay $0x3  }
0x2a5: {  	s22 =	simm.s32 $0x10000  }
0x2a6: {  	[tilespmem:s22], [sflag:$0x4] =	stream.indirect_vreg.gather [hbm4b:s1+s3], $0x80, v21, vm0, $0xb8;
	v63 =	vld [tilespmem:$0x0]  }
0x2a7: {  	v20 =	vperm.xlane v20, v19;
	s22 =	simm.s32 $0x10800  }
0x2a8: {  	[tilespmem:s22], [sflag:$0x4] =	stream.indirect_vreg.gather [hbm4b:s6+s3], $0x80, v21, vm0, $0xb8;
	v63 =	vld [tilespmem:$0x0]  }
0x2a9: {  	v20 =	vadd.s32 v18, v20;
	s22 =	simm.s32 $0x11000  }
0x2aa: {  	[tilespmem:s22], [sflag:$0x4] =	stream.indirect_vreg.gather [hbm4b:s7+s3], $0x80, v21, vm0, $0xb8;
	v63 =	vld [tilespmem:$0x0]  }
0x2ab: {  	s22 =	simm.s32 $0x11800  }
0x2ac: {  	[tilespmem:s22], [sflag:$0x4] =	stream.indirect_vreg.gather [hbm4b:s8+s3], $0x80, v21, vm0, $0xb8;
	v63 =	vld [tilespmem:$0x0]  }
0x2ad: {  	s22 =	simm.s32 $0x12000  }
0x2ae: {  	[tilespmem:s22], [sflag:$0x4] =	stream.indirect_vreg.gather [hbm4b:s1+s3], $0x80, v20, vm0, $0xb8;
	v63 =	vld [tilespmem:$0x0]  }
0x2af: {  	s22 =	simm.s32 $0x12800  }
0x2b0: {  	[tilespmem:s22], [sflag:$0x4] =	stream.indirect_vreg.gather [hbm4b:s6+s3], $0x80, v20, vm0, $0xb8;
	v63 =	vld [tilespmem:$0x0]  }
0x2b1: {  	s22 =	simm.s32 $0x13000  }
0x2b2: {  	[tilespmem:s22], [sflag:$0x4] =	stream.indirect_vreg.gather [hbm4b:s7+s3], $0x80, v20, vm0, $0xb8;
	v63 =	vld [tilespmem:$0x0]  }
0x2b3: {  	s22 =	simm.s32 $0x13800  }
0x2b4: {  	[tilespmem:s22], [sflag:$0x4] =	stream.indirect_vreg.gather [hbm4b:s8+s3], $0x80, v20, vm0, $0xb8;
	v63 =	vld [tilespmem:$0x0]  }
0x2b5: {  	_ =	swait.ge [sflag:s23], $0x4000  }
0x2b6: {  	[sflag:s23] =	ssyncset.done $0x0  }
0x2b7: {  	[sflag:s23] =	ssyncadd.s32 $0xFFFFC000  }
0x2b8: {  	v20 =	vld [tilespmem:s0+$0xFFFFFF00];
	_ =	sdelay $0x4  }
0x2b9: {  	v60 =	vshll.u32 v20, $0x3  }
0x2ba: {  	v20 =	vand.u32 $0x7, v20;
	v21 =	vand.u32 $0xFFFFFFC0, v60  }
0x2bb: {  	v20 =	vor.u32 v20, v21  }
0x2bc: {  	v21 =	vperm.xlane v20, v17;
	_ =	sdelay $0x1  }
0x2bd: {  	v21 =	vadd.s32 v18, v21;
	_ =	sdelay $0x3  }
0x2be: {  	s22 =	simm.s32 $0x14000  }
0x2bf: {  	[tilespmem:s22], [sflag:$0x5] =	stream.indirect_vreg.gather [hbm4b:s1+s3], $0x80, v21, vm0, $0xb8;
	v63 =	vld [tilespmem:$0x0]  }
0x2c0: {  	v20 =	vperm.xlane v20, v19;
	s22 =	simm.s32 $0x14800  }
0x2c1: {  	[tilespmem:s22], [sflag:$0x5] =	stream.indirect_vreg.gather [hbm4b:s6+s3], $0x80, v21, vm0, $0xb8;
	v63 =	vld [tilespmem:$0x0]  }
0x2c2: {  	v20 =	vadd.s32 v18, v20;
	s22 =	simm.s32 $0x15000  }
0x2c3: {  	[tilespmem:s22], [sflag:$0x5] =	stream.indirect_vreg.gather [hbm4b:s7+s3], $0x80, v21, vm0, $0xb8;
	v63 =	vld [tilespmem:$0x0]  }
0x2c4: {  	s22 =	simm.s32 $0x15800  }
0x2c5: {  	[tilespmem:s22], [sflag:$0x5] =	stream.indirect_vreg.gather [hbm4b:s8+s3], $0x80, v21, vm0, $0xb8;
	v63 =	vld [tilespmem:$0x0]  }
0x2c6: {  	s22 =	simm.s32 $0x16000  }
0x2c7: {  	[tilespmem:s22], [sflag:$0x5] =	stream.indirect_vreg.gather [hbm4b:s1+s3], $0x80, v20, vm0, $0xb8;
	v63 =	vld [tilespmem:$0x0]  }
0x2c8: {  	s22 =	simm.s32 $0x16800  }
0x2c9: {  	[tilespmem:s22], [sflag:$0x5] =	stream.indirect_vreg.gather [hbm4b:s6+s3], $0x80, v20, vm0, $0xb8;
	v63 =	vld [tilespmem:$0x0]  }
0x2ca: {  	s22 =	simm.s32 $0x17000  }
0x2cb: {  	[tilespmem:s22], [sflag:$0x5] =	stream.indirect_vreg.gather [hbm4b:s7+s3], $0x80, v20, vm0, $0xb8;
	v63 =	vld [tilespmem:$0x0]  }
0x2cc: {  	s22 =	simm.s32 $0x17800  }
0x2cd: {  	[tilespmem:s22], [sflag:$0x5] =	stream.indirect_vreg.gather [hbm4b:s8+s3], $0x80, v20, vm0, $0xb8;
	v63 =	vld [tilespmem:$0x0]  }
0x2ce: {  	_ =	swait.ge [sflag:s24], $0x4000  }
0x2cf: {  	[sflag:s24] =	ssyncset.done $0x0  }
0x2d0: {  	[sflag:s24] =	ssyncadd.s32 $0xFFFFC000  }
0x2d1: {  	v20 =	vld [tilespmem:s0+$0xFFFFFF80];
	_ =	sdelay $0x4  }
0x2d2: {  	v61 =	vshll.u32 v20, $0x3  }
0x2d3: {  	v20 =	vand.u32 $0x7, v20;
	v21 =	vand.u32 $0xFFFFFFC0, v61  }
0x2d4: {  	v20 =	vor.u32 v20, v21  }
0x2d5: {  	v21 =	vperm.xlane v20, v17;
	_ =	sdelay $0x1  }
0x2d6: {  	v21 =	vadd.s32 v18, v21;
	_ =	sdelay $0x3  }
0x2d7: {  	s22 =	simm.s32 $0x18000  }
0x2d8: {  	[tilespmem:s22], [sflag:$0x6] =	stream.indirect_vreg.gather [hbm4b:s1+s3], $0x80, v21, vm0, $0xb8;
	v63 =	vld [tilespmem:$0x0]  }
0x2d9: {  	v20 =	vperm.xlane v20, v19;
	s22 =	simm.s32 $0x18800  }
0x2da: {  	[tilespmem:s22], [sflag:$0x6] =	stream.indirect_vreg.gather [hbm4b:s6+s3], $0x80, v21, vm0, $0xb8;
	v63 =	vld [tilespmem:$0x0]  }
0x2db: {  	v20 =	vadd.s32 v18, v20;
	s22 =	simm.s32 $0x19000  }
0x2dc: {  	[tilespmem:s22], [sflag:$0x6] =	stream.indirect_vreg.gather [hbm4b:s7+s3], $0x80, v21, vm0, $0xb8;
	v63 =	vld [tilespmem:$0x0]  }
0x2dd: {  	s22 =	simm.s32 $0x19800  }
0x2de: {  	[tilespmem:s22], [sflag:$0x6] =	stream.indirect_vreg.gather [hbm4b:s8+s3], $0x80, v21, vm0, $0xb8;
	v63 =	vld [tilespmem:$0x0]  }
0x2df: {  	s22 =	simm.s32 $0x1A000  }
0x2e0: {  	[tilespmem:s22], [sflag:$0x6] =	stream.indirect_vreg.gather [hbm4b:s1+s3], $0x80, v20, vm0, $0xb8;
	v63 =	vld [tilespmem:$0x0]  }
0x2e1: {  	s22 =	simm.s32 $0x1A800  }
0x2e2: {  	[tilespmem:s22], [sflag:$0x6] =	stream.indirect_vreg.gather [hbm4b:s6+s3], $0x80, v20, vm0, $0xb8;
	v63 =	vld [tilespmem:$0x0]  }
0x2e3: {  	s22 =	simm.s32 $0x1B000  }
0x2e4: {  	[tilespmem:s22], [sflag:$0x6] =	stream.indirect_vreg.gather [hbm4b:s7+s3], $0x80, v20, vm0, $0xb8;
	v63 =	vld [tilespmem:$0x0]  }
0x2e5: {  	s22 =	simm.s32 $0x1B800  }
0x2e6: {  	[tilespmem:s22], [sflag:$0x6] =	stream.indirect_vreg.gather [hbm4b:s8+s3], $0x80, v20, vm0, $0xb8;
	v63 =	vld [tilespmem:$0x0]  }
0x2e7: {  	_ =	swait.ge [sflag:s25], $0x4000  }
0x2e8: {  	[sflag:s25] =	ssyncset.done $0x0  }
0x2e9: {  	[sflag:s25] =	ssyncadd.s32 $0xFFFFC000  }
0x2ea: {  	v20 =	vld [tilespmem:s0+$0x0];
	_ =	sdelay $0x4  }
0x2eb: {  	v62 =	vshll.u32 v20, $0x3  }
0x2ec: {  	v20 =	vand.u32 $0x7, v20;
	v21 =	vand.u32 $0xFFFFFFC0, v62  }
0x2ed: {  	v20 =	vor.u32 v20, v21  }
0x2ee: {  	v21 =	vperm.xlane v20, v17;
	_ =	sdelay $0x1  }
0x2ef: {  	v21 =	vadd.s32 v18, v21;
	_ =	sdelay $0x3  }
0x2f0: {  	s22 =	simm.s32 $0x1C000  }
0x2f1: {  	[tilespmem:s22], [sflag:$0x7] =	stream.indirect_vreg.gather [hbm4b:s1+s3], $0x80, v21, vm0, $0xb8;
	v63 =	vld [tilespmem:$0x0]  }
0x2f2: {  	v20 =	vperm.xlane v20, v19;
	s22 =	simm.s32 $0x1C800  }
0x2f3: {  	[tilespmem:s22], [sflag:$0x7] =	stream.indirect_vreg.gather [hbm4b:s6+s3], $0x80, v21, vm0, $0xb8;
	v63 =	vld [tilespmem:$0x0]  }
0x2f4: {  	v20 =	vadd.s32 v18, v20;
	s22 =	simm.s32 $0x1D000  }
0x2f5: {  	[tilespmem:s22], [sflag:$0x7] =	stream.indirect_vreg.gather [hbm4b:s7+s3], $0x80, v21, vm0, $0xb8;
	v63 =	vld [tilespmem:$0x0]  }
0x2f6: {  	s22 =	simm.s32 $0x1D800  }
0x2f7: {  	[tilespmem:s22], [sflag:$0x7] =	stream.indirect_vreg.gather [hbm4b:s8+s3], $0x80, v21, vm0, $0xb8;
	v63 =	vld [tilespmem:$0x0]  }
0x2f8: {  	s22 =	simm.s32 $0x1E000  }
0x2f9: {  	[tilespmem:s22], [sflag:$0x7] =	stream.indirect_vreg.gather [hbm4b:s1+s3], $0x80, v20, vm0, $0xb8;
	v63 =	vld [tilespmem:$0x0]  }
0x2fa: {  	s22 =	simm.s32 $0x1E800  }
0x2fb: {  	[tilespmem:s22], [sflag:$0x7] =	stream.indirect_vreg.gather [hbm4b:s6+s3], $0x80, v20, vm0, $0xb8;
	v63 =	vld [tilespmem:$0x0]  }
.Ltmp10:
0x2fc: {  	_ = 	snop;
	(pc) =	sbr.rel .LBB2_11-.Ltmp10, $4  }
0x2fd: {  	s22 =	simm.s32 $0x1F000  }
0x2fe: {  	[tilespmem:s22], [sflag:$0x7] =	stream.indirect_vreg.gather [hbm4b:s7+s3], $0x80, v20, vm0, $0xb8;
	v63 =	vld [tilespmem:$0x0]  }
0x2ff: {  	s22 =	simm.s32 $0x1F800  }
0x300: {  	[tilespmem:s22], [sflag:$0x7] =	stream.indirect_vreg.gather [hbm4b:s8+s3], $0x80, v20, vm0, $0xb8;
	v63 =	vld [tilespmem:$0x0]  }
.LBB2_13:
0x301: {  	_ =	sfence.sel $0x180000  }
0x302: {  	[bflag:$0x0] =	sbarrier.arrive $0xFFFF  }
0x303: {  	_ =	strace $0x90000047  }
0x304: {  	s0 =	stileid.u32;
	[bflag:$0x2] =	sbarrier.arrive $0xFFFF  }
0x305: {  	p0 =	sne.s32 s0, $0x0;
	s0 =	rddreg [dreg:$0x3]  }
0x306: {  	s0 =	sadd.s32 @!p0 $0x100000, s0  }
0x307: {  	[sflag:s0] =	ssyncadd.tile.s32 @!p0 $0x1;
	_ =	shalt  }
.Lfunc_end2:
_tile_overlayer_lowered:
.L_overlay_start_2:
0x308: {  	(tag) =	ssettag $0x2  }
0x309: {  	s0 =	rddreg [dreg:$0x0];
	s2 =	stileid.u32  }
0x30a: {  	s1 =	rddreg [dreg:$0x1];
	p0 =	sne.s32 s2, $0x0  }
0x30b: {  	s3 =	rddreg [dreg:$0x2];
	[bflag:$0x3] =	sbarrier.arrive $0xFFFF;
	s2 =	simm.s32 @!p0 $0x1C0F  }
0x30c: {  	[timem:s3], [sflag:s2] =	dma.local @!p0 [hbm:s0], s1  }
0x30d: {  	s0 =	simm.s32 @!p0 $0xF  }
0x30e: {  	_ =	swait.ge @!p0 [sflag:s0], s1  }
0x30f: {  	s1 =	ssub.s32 @!p0 $0x0, s1;
	[sflag:s0] =	ssyncset.done @!p0 $0x0  }
0x310: {  	[sflag:s0] =	ssyncadd.s32 @!p0 s1  }
0x311: {  	[bflag:$0x3] =	sbarrier.arrive $0xFFFF  }
0x312: {  	_ =	shalt  }

</sc_bundles>
